<compile_context>
chip_gen: v7x
topology: tpu7x:2x2x1
jax: 0.10.2.dev20260603
libtpu: 0.0.44.dev20260713+nightly
codegen_flags: <defaults>
</compile_context>

<pallas_src>
import functools

import jax
import jax.numpy as jnp
from jax import lax
from jax.experimental import pallas as pl
from jax.experimental.pallas import tpu as pltpu
from jax.experimental.pallas import tpu_sc as plsc

N = 10000
NE = 320000
NP = 10240
W = 16
NC = 2
NS = 16
CHUNK = 128
NCHUNKS = NE // CHUNK
NCH = NCHUNKS // (NC * NS)
NCHL = NCHUNKS - 31 * NCH
RPT = NP // NS

_mesh = plsc.VectorSubcoreMesh(core_axis_name="c", subcore_axis_name="s")
_sc_params = pltpu.CompilerParams(use_tc_tiling_on_sc=False,
                                  needs_layout_passes=False)


def _qrsqrt(x):
    i = plsc.bitcast(x, jnp.int32)
    i = jnp.int32(0x5F3759DF) - lax.shift_right_logical(i, 1)
    y = plsc.bitcast(i, jnp.float32)
    xh = x * 0.5
    for _ in range(3):
        y = y * (1.5 - xh * y * y)
    return y


def _load_edges(e_hbm, which, tid, buf):
    @pl.when(tid == NC * NS - 1)
    def _():
        pltpu.sync_copy(e_hbm.at[which, pl.ds(31 * NCH, NCHL)], buf)

    @pl.when(tid != NC * NS - 1)
    def _():
        pltpu.sync_copy(e_hbm.at[which, pl.ds(tid * NCH, NCH)],
                        buf.at[pl.ds(0, NCH)])


@functools.partial(
    pl.kernel,
    mesh=_mesh,
    out_type=jax.ShapeDtypeStruct((NC, NP, W), jnp.float32),
    compiler_params=_sc_params,
    scratch_types=[
        pltpu.VMEM((NCHL, CHUNK), jnp.int32),
        pltpu.VMEM((CHUNK, W), jnp.float32),
        pltpu.VMEM_SHARED((NP, W), jnp.float32),
        pltpu.SemaphoreType.DMA,
    ],
)
def _sc_degree(e_hbm, ones_hbm, zeros_hbm, out_hbm, dst_v, rows_v, s_sh,
               sem):
    cid = lax.axis_index("c")
    sid = lax.axis_index("s")
    tid = cid * NS + sid
    nc = jnp.where(tid == NC * NS - 1, NCHL, NCH)
    _load_edges(e_hbm, 1, tid, dst_v)
    pltpu.sync_copy(ones_hbm, rows_v)
    pltpu.sync_copy(zeros_hbm.at[pl.ds(sid * RPT, RPT)],
                    s_sh.at[pl.ds(sid * RPT, RPT)])
    plsc.subcore_barrier()

    def issue(j, carry):
        pltpu.async_copy(rows_v, s_sh.at[dst_v.at[j]], sem, add=True)
        return carry

    def issue_wait(j, carry):
        pltpu.async_copy(rows_v, s_sh.at[dst_v.at[j]], sem, add=True)
        pltpu.make_async_copy(rows_v, s_sh.at[dst_v.at[j]], sem).wait()
        return carry

    lax.fori_loop(0, 8, issue, 0)
    lax.fori_loop(8, nc, issue_wait, 0)

    def drain(j, carry):
        pltpu.make_async_copy(rows_v, s_sh.at[dst_v.at[j]], sem).wait()
        return carry

    lax.fori_loop(0, 8, drain, 0)
    plsc.subcore_barrier()
    pltpu.sync_copy(s_sh.at[pl.ds(sid * RPT, RPT)],
                    out_hbm.at[cid, pl.ds(sid * RPT, RPT)])


def _edge_sweep(nc, src_v, dst_v, rows_v, s_sh, g_sh, gsem, ssem):

    def prime(b, carry):
        pltpu.async_copy(g_sh.at[src_v.at[b]], rows_v.at[b], gsem)
        return carry

    lax.fori_loop(0, 4, prime, 0)

    def body(j, carry):
        jm = lax.rem(j, 8)
        pltpu.make_async_copy(g_sh.at[src_v.at[j]], rows_v.at[jm],
                              gsem).wait()
        pltpu.async_copy(rows_v.at[jm], s_sh.at[dst_v.at[j]], ssem, add=True)

        @pl.when(j >= 4)
        def _():
            pltpu.make_async_copy(rows_v.at[jm], s_sh.at[dst_v.at[0]],
                                  ssem).wait()

        @pl.when(j + 4 < nc)
        def _():
            pltpu.async_copy(g_sh.at[src_v.at[j + 4]],
                             rows_v.at[lax.rem(j + 4, 8)], gsem)

        return carry

    lax.fori_loop(0, nc, body, 0)

    def drain(b, carry):
        pltpu.make_async_copy(rows_v.at[b], s_sh.at[dst_v.at[0]],
                              ssem).wait()
        return carry

    lax.fori_loop(0, 4, drain, 0)


_AGG_SCRATCH = [
    pltpu.VMEM((NCHL, CHUNK), jnp.int32),
    pltpu.VMEM((NCHL, CHUNK), jnp.int32),
    pltpu.VMEM((8, CHUNK, W), jnp.float32),
    pltpu.VMEM((RPT, W), jnp.float32),
    pltpu.VMEM((RPT, W), jnp.float32),
    pltpu.VMEM((RPT, W), jnp.float32),
    pltpu.VMEM((RPT, W), jnp.float32),
    pltpu.VMEM((RPT, W), jnp.float32),
    pltpu.VMEM_SHARED((NP, W), jnp.float32),
    pltpu.VMEM_SHARED((NP, W), jnp.float32),
    pltpu.SemaphoreType.DMA, pltpu.SemaphoreType.DMA,
]


@functools.partial(
    pl.kernel,
    mesh=_mesh,
    out_type=(jax.ShapeDtypeStruct((NC, NP, W), jnp.float32),
              jax.ShapeDtypeStruct((NP, W), jnp.float32),
              jax.ShapeDtypeStruct((NP, W), jnp.float32)),
    compiler_params=_sc_params,
    scratch_types=_AGG_SCRATCH,
)
def _sc_pass1(e_hbm, degp_hbm, xw_hbm, zeros_hbm,
              out_hbm, dinv_hbm, g1_hbm,
              src_v, dst_v, rows_v, a_v, b_v, c_v, dinv_v, g_v,
              s_sh, g_sh, gsem, ssem):
    cid = lax.axis_index("c")
    sid = lax.axis_index("s")
    tid = cid * NS + sid
    nc = jnp.where(tid == NC * NS - 1, NCHL, NCH)
    lo = sid * RPT
    pltpu.async_copy(zeros_hbm.at[pl.ds(lo, RPT)], s_sh.at[pl.ds(lo, RPT)],
                     gsem)
    pltpu.async_copy(degp_hbm.at[0, pl.ds(lo, RPT)], a_v, gsem)
    pltpu.async_copy(degp_hbm.at[1, pl.ds(lo, RPT)], b_v, gsem)
    pltpu.async_copy(xw_hbm.at[pl.ds(lo, RPT)], c_v, gsem)
    _load_edges(e_hbm, 0, tid, src_v)
    _load_edges(e_hbm, 1, tid, dst_v)
    pltpu.make_async_copy(zeros_hbm.at[pl.ds(lo, RPT)],
                          s_sh.at[pl.ds(lo, RPT)], gsem).wait()
    pltpu.make_async_copy(degp_hbm.at[0, pl.ds(lo, RPT)], a_v, gsem).wait()
    pltpu.make_async_copy(degp_hbm.at[1, pl.ds(lo, RPT)], b_v, gsem).wait()
    pltpu.make_async_copy(xw_hbm.at[pl.ds(lo, RPT)], c_v, gsem).wait()

    def row(q, carry):
        for r in range(4):
            i = 4 * q + r
            deg = a_v[i, :] + b_v[i, :] + 1.0
            y = _qrsqrt(deg)
            dinv_v[i, :] = y
            g_v[i, :] = y * c_v[i, :]
        return carry

    lax.fori_loop(0, RPT // 4, row, 0)
    pltpu.sync_copy(g_v, g_sh.at[pl.ds(lo, RPT)])

    @pl.when(cid == 0)
    def _():
        pltpu.sync_copy(dinv_v, dinv_hbm.at[pl.ds(lo, RPT)])
        pltpu.sync_copy(g_v, g1_hbm.at[pl.ds(lo, RPT)])

    plsc.subcore_barrier()
    _edge_sweep(nc, src_v, dst_v, rows_v, s_sh, g_sh, gsem, ssem)
    plsc.subcore_barrier()
    pltpu.sync_copy(s_sh.at[pl.ds(lo, RPT)], out_hbm.at[cid, pl.ds(lo, RPT)])


@functools.partial(
    pl.kernel,
    mesh=_mesh,
    out_type=(jax.ShapeDtypeStruct((NC, NP, W), jnp.float32),
              jax.ShapeDtypeStruct((NP, W), jnp.float32)),
    compiler_params=_sc_params,
    scratch_types=_AGG_SCRATCH,
)
def _sc_pass2(e_hbm, dinv_hbm, g1_hbm, s1p_hbm, zeros_hbm,
              out_hbm, g2_hbm,
              src_v, dst_v, rows_v, a_v, b_v, c_v, dinv_v, g_v,
              s_sh, g_sh, gsem, ssem):
    cid = lax.axis_index("c")
    sid = lax.axis_index("s")
    tid = cid * NS + sid
    nc = jnp.where(tid == NC * NS - 1, NCHL, NCH)
    lo = sid * RPT
    pltpu.async_copy(zeros_hbm.at[pl.ds(lo, RPT)], s_sh.at[pl.ds(lo, RPT)],
                     gsem)
    pltpu.async_copy(s1p_hbm.at[0, pl.ds(lo, RPT)], a_v, gsem)
    pltpu.async_copy(s1p_hbm.at[1, pl.ds(lo, RPT)], b_v, gsem)
    pltpu.async_copy(g1_hbm.at[pl.ds(lo, RPT)], c_v, gsem)
    pltpu.async_copy(dinv_hbm.at[pl.ds(lo, RPT)], dinv_v, gsem)
    _load_edges(e_hbm, 0, tid, src_v)
    _load_edges(e_hbm, 1, tid, dst_v)
    pltpu.make_async_copy(zeros_hbm.at[pl.ds(lo, RPT)],
                          s_sh.at[pl.ds(lo, RPT)], gsem).wait()
    pltpu.make_async_copy(s1p_hbm.at[0, pl.ds(lo, RPT)], a_v, gsem).wait()
    pltpu.make_async_copy(s1p_hbm.at[1, pl.ds(lo, RPT)], b_v, gsem).wait()
    pltpu.make_async_copy(g1_hbm.at[pl.ds(lo, RPT)], c_v, gsem).wait()
    pltpu.make_async_copy(dinv_hbm.at[pl.ds(lo, RPT)], dinv_v, gsem).wait()

    def row(q, carry):
        for r in range(4):
            i = 4 * q + r
            y = dinv_v[i, :]
            s = a_v[i, :] + b_v[i, :] + c_v[i, :]
            g_v[i, :] = y * jnp.maximum(y * s, 0.0)
        return carry

    lax.fori_loop(0, RPT // 4, row, 0)
    pltpu.sync_copy(g_v, g_sh.at[pl.ds(lo, RPT)])

    @pl.when(cid == 0)
    def _():
        pltpu.sync_copy(g_v, g2_hbm.at[pl.ds(lo, RPT)])

    plsc.subcore_barrier()
    _edge_sweep(nc, src_v, dst_v, rows_v, s_sh, g_sh, gsem, ssem)
    plsc.subcore_barrier()
    pltpu.sync_copy(s_sh.at[pl.ds(lo, RPT)], out_hbm.at[cid, pl.ds(lo, RPT)])


def _tc_mm1_body(x_ref, w1_ref, b1_ref, xw_ref):
    xw_ref[pl.ds(0, N), :] = jnp.dot(
        x_ref[...], w1_ref[...], preferred_element_type=jnp.float32
    ) + b1_ref[...]


def _tc_out_body(dinv_ref, g2_ref, s2p_ref, w2_ref, b2_ref, out_ref):
    h = dinv_ref[...] * (s2p_ref[0] + s2p_ref[1] + g2_ref[...])
    out_ref[...] = jnp.dot(h[:N, :], w2_ref[...],
                           preferred_element_type=jnp.float32) + b2_ref[...]


def kernel(V, E, X, W1, b1, W2, b2):
    e3 = E.astype(jnp.int32).reshape(2, NCHUNKS, CHUNK)
    zeros = jnp.zeros((NP, W), jnp.float32)
    ones = jnp.ones((CHUNK, W), jnp.float32)
    b1r = b1.reshape(1, W)
    b2r = b2.reshape(1, -1)

    xw = pl.pallas_call(
        _tc_mm1_body,
        out_shape=jax.ShapeDtypeStruct((NP, W), jnp.float32),
    )(X, W1, b1r)

    degp = _sc_degree(e3, ones, zeros)

    s1p, dinv, g1 = _sc_pass1(e3, degp, xw, zeros)

    s2p, g2 = _sc_pass2(e3, dinv, g1, s1p, zeros)

    out = pl.pallas_call(
        _tc_out_body,
        out_shape=jax.ShapeDtypeStruct((N, W2.shape[1]), jnp.float32),
    )(dinv, g2, s2p, W2, b2r)

    return out

# --- scband reference (transcript-rebuilt; emitter-appended) ---
"""Pipeline reference for scband-gcn-1-paper-3246995276082 (READ-ONLY COPY).

The authoritative reference and input builder live on the scoring server;
editing this copy changes nothing except your own understanding.
"""

import jax, jax.numpy as jnp
import numpy as np

N_NODES = 10000
N_EDGES = 320000
D_IN = 128
D_HID = 16
D_OUT = 128


def setup_inputs(seed: int = 0) -> dict:
    key = jax.random.key(seed)
    k1, k2, k3, k4, k5, k6 = jax.random.split(key, 6)
    V = jnp.arange(N_NODES, dtype=jnp.int64)
    E = jax.random.randint(k1, (2, N_EDGES), 0, N_NODES, dtype=jnp.int64)
    X = jax.random.normal(k2, (N_NODES, D_IN), dtype=jnp.float32)
    # layer 1 params (input_dim -> 16), layer 2 params (16 -> output_dim)
    W1 = jax.random.normal(k3, (D_IN, D_HID), dtype=jnp.float32) / np.sqrt(D_IN)
    b1 = jnp.zeros((D_HID,), dtype=jnp.float32)
    W2 = jax.random.normal(k4, (D_HID, D_OUT), dtype=jnp.float32) / np.sqrt(D_HID)
    b2 = jnp.zeros((D_OUT,), dtype=jnp.float32)
    return {"V": V, "E": E, "X": X, "W1": W1, "b1": b1, "W2": W2, "b2": b2}


def _gcn_layer(V, E, X, W, b):
    # Standard GCN layer as message passing: add self-loops, symmetric degree
    # normalization, linear transform, scatter-add aggregation.
    N = X.shape[0]
    loop = jnp.arange(N, dtype=E.dtype)
    src = jnp.concatenate([E[0], loop])
    dst = jnp.concatenate([E[1], loop])
    deg = jnp.zeros((N,), dtype=X.dtype).at[dst].add(1.0)
    dinv = 1.0 / jnp.sqrt(jnp.clip(deg, 1.0, None))
    H = X @ W + b
    norm = (dinv[src] * dinv[dst])[:, None]
    msg = H[src] * norm
    out = jnp.zeros((N, H.shape[1]), dtype=H.dtype).at[dst].add(msg)
    return out


def reference(V, E, X, W1, b1, W2, b2):
    H = jax.nn.relu(_gcn_layer(V, E, X, W1, b1))
    # dropout is identity in eval mode (training=False)
    H = _gcn_layer(V, E, H, W2, b2)
    return H

if __name__ == "__main__":
    import jax
    _d = setup_inputs()
    print(jax.jit(kernel)(*tuple(_d.values())))

</pallas_src>

<mosaic_0001>
#map = affine_map<(d0, d1) -> (0, 0, 0)>
#map1 = affine_map<(d0, d1) -> (0, 0)>
module attributes {stable_mosaic.version = 14 : i64} {
  func.func @_sc_degree(%arg0: i32, %arg1: i32, %arg2: memref<2x2500x128xi32, #tpu.memory_space<hbm>>, %arg3: memref<128x16xf32, #tpu.memory_space<hbm>>, %arg4: memref<10240x16xf32, #tpu.memory_space<hbm>>, %arg5: memref<2x10240x16xf32, #tpu.memory_space<hbm>>, %arg6: memref<82x128xi32, #tpu.memory_space<vmem>>, %arg7: memref<128x16xf32, #tpu.memory_space<vmem>>, %arg8: memref<10240x16xf32, #tpu.memory_space<vmem_shared>>, %arg9: memref<!tpu.dma_semaphore, #tpu.memory_space<semaphore_mem>>) attributes {dimension_semantics = [#tpu.dimension_semantics<core_parallel>, #tpu.dimension_semantics<subcore_parallel>], iteration_bounds = array<i64: 2, 16>, scalar_prefetch = 0 : i64, scratch_operands = 4 : i64, tpu.core_type = #tpu.core_type<sc_vector_subcore>, window_params = [{transform_indices = #map}, {transform_indices = #map1}, {transform_indices = #map1}, {transform_indices = #map}]} {
    %mul3A = arith.constant 16 : i32
    %mul3A_0 = arith.muli %arg0, %mul3A : i32
    %add3A = arith.addi %mul3A_0, %arg1 : i32
    %eq3A = arith.constant 31 : i32
    %eq3A_1 = arith.cmpi eq, %add3A, %eq3A : i32
    %jit3A = arith.constant 82 : i32
    %jit3A_2 = arith.constant 78 : i32
    %select_n3A = arith.select %eq3A_1, %jit3A, %jit3A_2 : i32
    %eq3A_3 = arith.constant 31 : i32
    %eq3A_4 = arith.cmpi eq, %add3A, %eq3A_3 : i32
    %convert_element_type3A = arith.extui %eq3A_4 : i1 to i32
    %cond3A = arith.constant 0 : i32
    %cond3A_5 = arith.cmpi ne, %convert_element_type3A, %cond3A : i32
    scf.if %cond3A_5 {
      %run_scoped3A = arith.constant 1 : i32
      "tpu.region"() ({
        %run_scoped3A_39 = tpu.sem_alloc : memref<!tpu.dma_semaphore, #tpu.memory_space<semaphore_mem>>
        %dma_start3A = arith.constant 2418 : i32
        %dma_start3A_40 = arith.constant 0 : i32
        %dma_start3A_41 = tpu.memref_slice %arg2[%run_scoped3A, %dma_start3A, %dma_start3A_40] : memref<2x2500x128xi32, #tpu.memory_space<hbm>> -> memref<1x82x128xi32, #tpu.memory_space<hbm>>
        %dma_start3A_42 = tpu.memref_squeeze %dma_start3A_41 : memref<1x82x128xi32, #tpu.memory_space<hbm>> -> memref<82x128xi32, #tpu.memory_space<hbm>>
        %dma_start3A_43 = arith.constant 2418 : i32
        %dma_start3A_44 = arith.constant 0 : i32
        %dma_start3A_45 = tpu.memref_slice %arg2[%run_scoped3A, %dma_start3A_43, %dma_start3A_44] : memref<2x2500x128xi32, #tpu.memory_space<hbm>> -> memref<1x82x128xi32, #tpu.memory_space<hbm>>
        %dma_start3A_46 = tpu.memref_squeeze %dma_start3A_45 : memref<1x82x128xi32, #tpu.memory_space<hbm>> -> memref<82x128xi32, #tpu.memory_space<hbm>>
        tpu.enqueue_dma source(%dma_start3A_46 : memref<82x128xi32, #tpu.memory_space<hbm>>) target(%arg6 : memref<82x128xi32, #tpu.memory_space<vmem>>) target_semaphore(%run_scoped3A_39 : memref<!tpu.dma_semaphore, #tpu.memory_space<semaphore_mem>>)
        %dma_wait3A = arith.constant 2418 : i32
        %dma_wait3A_47 = arith.constant 0 : i32
        %dma_wait3A_48 = tpu.memref_slice %arg2[%run_scoped3A, %dma_wait3A, %dma_wait3A_47] : memref<2x2500x128xi32, #tpu.memory_space<hbm>> -> memref<1x82x128xi32, #tpu.memory_space<hbm>>
        %dma_wait3A_49 = tpu.memref_squeeze %dma_wait3A_48 : memref<1x82x128xi32, #tpu.memory_space<hbm>> -> memref<82x128xi32, #tpu.memory_space<hbm>>
        %dma_wait3A_50 = arith.constant 2418 : i32
        %dma_wait3A_51 = arith.constant 0 : i32
        %dma_wait3A_52 = tpu.memref_slice %arg2[%run_scoped3A, %dma_wait3A_50, %dma_wait3A_51] : memref<2x2500x128xi32, #tpu.memory_space<hbm>> -> memref<1x82x128xi32, #tpu.memory_space<hbm>>
        %dma_wait3A_53 = tpu.memref_squeeze %dma_wait3A_52 : memref<1x82x128xi32, #tpu.memory_space<hbm>> -> memref<82x128xi32, #tpu.memory_space<hbm>>
        tpu.wait_dma2 semaphore(%run_scoped3A_39 : memref<!tpu.dma_semaphore, #tpu.memory_space<semaphore_mem>>) src(%dma_wait3A_53 : memref<82x128xi32, #tpu.memory_space<hbm>>) dst(%arg6 : memref<82x128xi32, #tpu.memory_space<vmem>>)
        tpu.yield
      }) : () -> ()
    } else {
    }
    %ne3A = arith.constant 31 : i32
    %ne3A_6 = arith.cmpi ne, %add3A, %ne3A : i32
    %convert_element_type3A_7 = arith.extui %ne3A_6 : i1 to i32
    %cond3A_8 = arith.constant 0 : i32
    %cond3A_9 = arith.cmpi ne, %convert_element_type3A_7, %cond3A_8 : i32
    scf.if %cond3A_9 {
      %mul3A_39 = arith.constant 78 : i32
      %mul3A_40 = arith.muli %add3A, %mul3A_39 : i32
      %run_scoped3A = arith.constant 1 : i32
      "tpu.region"() ({
        %run_scoped3A_41 = tpu.sem_alloc : memref<!tpu.dma_semaphore, #tpu.memory_space<semaphore_mem>>
        %dma_start3A = arith.constant 0 : i32
        %dma_start3A_42 = arith.constant 0 : i32
        %dma_start3A_43 = tpu.memref_slice %arg6[%dma_start3A, %dma_start3A_42] : memref<82x128xi32, #tpu.memory_space<vmem>> -> memref<78x128xi32, #tpu.memory_space<vmem>>
        %dma_start3A_44 = arith.constant 0 : i32
        %dma_start3A_45 = tpu.memref_slice %arg2[%run_scoped3A, %mul3A_40, %dma_start3A_44] : memref<2x2500x128xi32, #tpu.memory_space<hbm>> -> memref<1x78x128xi32, #tpu.memory_space<hbm>>
        %dma_start3A_46 = tpu.memref_squeeze %dma_start3A_45 : memref<1x78x128xi32, #tpu.memory_space<hbm>> -> memref<78x128xi32, #tpu.memory_space<hbm>>
        %dma_start3A_47 = arith.constant 0 : i32
        %dma_start3A_48 = arith.constant 0 : i32
        %dma_start3A_49 = tpu.memref_slice %arg6[%dma_start3A_47, %dma_start3A_48] : memref<82x128xi32, #tpu.memory_space<vmem>> -> memref<78x128xi32, #tpu.memory_space<vmem>>
        %dma_start3A_50 = arith.constant 0 : i32
        %dma_start3A_51 = tpu.memref_slice %arg2[%run_scoped3A, %mul3A_40, %dma_start3A_50] : memref<2x2500x128xi32, #tpu.memory_space<hbm>> -> memref<1x78x128xi32, #tpu.memory_space<hbm>>
        %dma_start3A_52 = tpu.memref_squeeze %dma_start3A_51 : memref<1x78x128xi32, #tpu.memory_space<hbm>> -> memref<78x128xi32, #tpu.memory_space<hbm>>
        tpu.enqueue_dma source(%dma_start3A_52 : memref<78x128xi32, #tpu.memory_space<hbm>>) target(%dma_start3A_49 : memref<78x128xi32, #tpu.memory_space<vmem>>) target_semaphore(%run_scoped3A_41 : memref<!tpu.dma_semaphore, #tpu.memory_space<semaphore_mem>>)
        %dma_wait3A = arith.constant 0 : i32
        %dma_wait3A_53 = arith.constant 0 : i32
        %dma_wait3A_54 = tpu.memref_slice %arg6[%dma_wait3A, %dma_wait3A_53] : memref<82x128xi32, #tpu.memory_space<vmem>> -> memref<78x128xi32, #tpu.memory_space<vmem>>
        %dma_wait3A_55 = arith.constant 0 : i32
        %dma_wait3A_56 = tpu.memref_slice %arg2[%run_scoped3A, %mul3A_40, %dma_wait3A_55] : memref<2x2500x128xi32, #tpu.memory_space<hbm>> -> memref<1x78x128xi32, #tpu.memory_space<hbm>>
        %dma_wait3A_57 = tpu.memref_squeeze %dma_wait3A_56 : memref<1x78x128xi32, #tpu.memory_space<hbm>> -> memref<78x128xi32, #tpu.memory_space<hbm>>
        %dma_wait3A_58 = arith.constant 0 : i32
        %dma_wait3A_59 = arith.constant 0 : i32
        %dma_wait3A_60 = tpu.memref_slice %arg6[%dma_wait3A_58, %dma_wait3A_59] : memref<82x128xi32, #tpu.memory_space<vmem>> -> memref<78x128xi32, #tpu.memory_space<vmem>>
        %dma_wait3A_61 = arith.constant 0 : i32
        %dma_wait3A_62 = tpu.memref_slice %arg2[%run_scoped3A, %mul3A_40, %dma_wait3A_61] : memref<2x2500x128xi32, #tpu.memory_space<hbm>> -> memref<1x78x128xi32, #tpu.memory_space<hbm>>
        %dma_wait3A_63 = tpu.memref_squeeze %dma_wait3A_62 : memref<1x78x128xi32, #tpu.memory_space<hbm>> -> memref<78x128xi32, #tpu.memory_space<hbm>>
        tpu.wait_dma2 semaphore(%run_scoped3A_41 : memref<!tpu.dma_semaphore, #tpu.memory_space<semaphore_mem>>) src(%dma_wait3A_63 : memref<78x128xi32, #tpu.memory_space<hbm>>) dst(%dma_wait3A_60 : memref<78x128xi32, #tpu.memory_space<vmem>>)
        tpu.yield
      }) : () -> ()
    } else {
    }
    "tpu.region"() ({
      %run_scoped3A = tpu.sem_alloc : memref<!tpu.dma_semaphore, #tpu.memory_space<semaphore_mem>>
      tpu.enqueue_dma source(%arg3 : memref<128x16xf32, #tpu.memory_space<hbm>>) target(%arg7 : memref<128x16xf32, #tpu.memory_space<vmem>>) target_semaphore(%run_scoped3A : memref<!tpu.dma_semaphore, #tpu.memory_space<semaphore_mem>>)
      tpu.wait_dma2 semaphore(%run_scoped3A : memref<!tpu.dma_semaphore, #tpu.memory_space<semaphore_mem>>) src(%arg3 : memref<128x16xf32, #tpu.memory_space<hbm>>) dst(%arg7 : memref<128x16xf32, #tpu.memory_space<vmem>>)
      tpu.yield
    }) : () -> ()
    %mul3A_10 = arith.constant 640 : i32
    %mul3A_11 = arith.muli %arg1, %mul3A_10 : i32
    %mul3A_12 = arith.constant 640 : i32
    %mul3A_13 = arith.muli %arg1, %mul3A_12 : i32
    "tpu.region"() ({
      %run_scoped3A = tpu.sem_alloc : memref<!tpu.dma_semaphore, #tpu.memory_space<semaphore_mem>>
      %dma_start3A = arith.constant 0 : i32
      %dma_start3A_39 = tpu.memref_slice %arg8[%mul3A_13, %dma_start3A] : memref<10240x16xf32, #tpu.memory_space<vmem_shared>> -> memref<640x16xf32, #tpu.memory_space<vmem_shared>>
      %dma_start3A_40 = arith.constant 0 : i32
      %dma_start3A_41 = tpu.memref_slice %arg4[%mul3A_11, %dma_start3A_40] : memref<10240x16xf32, #tpu.memory_space<hbm>> -> memref<640x16xf32, #tpu.memory_space<hbm>>
      tpu.enqueue_dma source(%dma_start3A_41 : memref<640x16xf32, #tpu.memory_space<hbm>>) target(%dma_start3A_39 : memref<640x16xf32, #tpu.memory_space<vmem_shared>>) target_semaphore(%run_scoped3A : memref<!tpu.dma_semaphore, #tpu.memory_space<semaphore_mem>>)
      %dma_wait3A = arith.constant 0 : i32
      %dma_wait3A_42 = tpu.memref_slice %arg8[%mul3A_13, %dma_wait3A] : memref<10240x16xf32, #tpu.memory_space<vmem_shared>> -> memref<640x16xf32, #tpu.memory_space<vmem_shared>>
      %dma_wait3A_43 = arith.constant 0 : i32
      %dma_wait3A_44 = tpu.memref_slice %arg4[%mul3A_11, %dma_wait3A_43] : memref<10240x16xf32, #tpu.memory_space<hbm>> -> memref<640x16xf32, #tpu.memory_space<hbm>>
      tpu.wait_dma2 semaphore(%run_scoped3A : memref<!tpu.dma_semaphore, #tpu.memory_space<semaphore_mem>>) src(%dma_wait3A_44 : memref<640x16xf32, #tpu.memory_space<hbm>>) dst(%dma_wait3A_42 : memref<640x16xf32, #tpu.memory_space<vmem_shared>>)
      tpu.yield
    }) : () -> ()
    %barrier3A = arith.constant 0 : index
    tpu.barrier barrier_id(%barrier3A)
    %scan3A = arith.constant 0 : i32
    %scan3A_14 = arith.constant 0 : i32
    %scan3A_15 = arith.constant 8 : i32
    %scan3A_16 = arith.addi %scan3A_14, %scan3A_15 : i32
    %scan3A_17 = arith.constant 1 : i32
    scf.for %scan3A_39 = %scan3A_14 to %scan3A_16 step %scan3A_17  : i32 {
      %dma_start3A = arith.constant 0 : i32
      %dma_start3A_40 = tpu.memref_slice %arg6[%scan3A_39, %dma_start3A] : memref<82x128xi32, #tpu.memory_space<vmem>> -> memref<1x128xi32, #tpu.memory_space<vmem>>
      %dma_start3A_41 = tpu.memref_squeeze %dma_start3A_40 : memref<1x128xi32, #tpu.memory_space<vmem>> -> memref<128xi32, #tpu.memory_space<vmem>>
      %dma_start3A_42 = arith.constant 0 : i32
      %dma_start3A_43 = arith.constant 0 : i32
      %dma_start3A_44 = tpu.memref_slice %arg8[%dma_start3A_42, %dma_start3A_43] : memref<10240x16xf32, #tpu.memory_space<vmem_shared>> -> memref<10240x16xf32, #tpu.memory_space<vmem_shared>>
      tpu.enqueue_indirect_dma source(%arg7 : memref<128x16xf32, #tpu.memory_space<vmem>>) target(%dma_start3A_44 : memref<10240x16xf32, #tpu.memory_space<vmem_shared>>) offsets(%dma_start3A_41 : memref<128xi32, #tpu.memory_space<vmem>>) semaphore(%arg9 : memref<!tpu.dma_semaphore, #tpu.memory_space<semaphore_mem>>) {add = true}
    }
    %scan3A_18 = arith.constant 8 : i32
    %while3A = arith.constant 0 : i32
    %while3A_19 = arith.constant 8 : i32
    %while3A_20 = arith.subi %select_n3A, %while3A_19 : i32
    %while3A_21 = arith.addi %while3A_19, %while3A_20 : i32
    %while3A_22 = arith.constant 1 : i32
    %while3A_23 = arith.divsi %while3A_20, %while3A_22 : i32
    %while3A_24 = arith.muli %while3A_23, %while3A_22 : i32
    %while3A_25 = arith.addi %while3A_19, %while3A_24 : i32
    %while3A_26 = arith.constant 1 : i32
    scf.for %while3A_39 = %while3A_19 to %while3A_25 step %while3A_26  : i32 {
      %dma_start3A = arith.constant 0 : i32
      %dma_start3A_40 = tpu.memref_slice %arg6[%while3A_39, %dma_start3A] : memref<82x128xi32, #tpu.memory_space<vmem>> -> memref<1x128xi32, #tpu.memory_space<vmem>>
      %dma_start3A_41 = tpu.memref_squeeze %dma_start3A_40 : memref<1x128xi32, #tpu.memory_space<vmem>> -> memref<128xi32, #tpu.memory_space<vmem>>
      %dma_start3A_42 = arith.constant 0 : i32
      %dma_start3A_43 = arith.constant 0 : i32
      %dma_start3A_44 = tpu.memref_slice %arg8[%dma_start3A_42, %dma_start3A_43] : memref<10240x16xf32, #tpu.memory_space<vmem_shared>> -> memref<10240x16xf32, #tpu.memory_space<vmem_shared>>
      tpu.enqueue_indirect_dma source(%arg7 : memref<128x16xf32, #tpu.memory_space<vmem>>) target(%dma_start3A_44 : memref<10240x16xf32, #tpu.memory_space<vmem_shared>>) offsets(%dma_start3A_41 : memref<128xi32, #tpu.memory_space<vmem>>) semaphore(%arg9 : memref<!tpu.dma_semaphore, #tpu.memory_space<semaphore_mem>>) {add = true}
      %dma_wait3A = arith.constant 0 : i32
      %dma_wait3A_45 = tpu.memref_slice %arg6[%while3A_39, %dma_wait3A] : memref<82x128xi32, #tpu.memory_space<vmem>> -> memref<1x128xi32, #tpu.memory_space<vmem>>
      %dma_wait3A_46 = tpu.memref_squeeze %dma_wait3A_45 : memref<1x128xi32, #tpu.memory_space<vmem>> -> memref<128xi32, #tpu.memory_space<vmem>>
      %dma_wait3A_47 = arith.constant 0 : i32
      %dma_wait3A_48 = arith.constant 0 : i32
      %dma_wait3A_49 = tpu.memref_slice %arg8[%dma_wait3A_47, %dma_wait3A_48] : memref<10240x16xf32, #tpu.memory_space<vmem_shared>> -> memref<10240x16xf32, #tpu.memory_space<vmem_shared>>
      tpu.wait_indirect_dma semaphore(%arg9 : memref<!tpu.dma_semaphore, #tpu.memory_space<semaphore_mem>>) src(%arg7 : memref<128x16xf32, #tpu.memory_space<vmem>>) dst(%dma_wait3A_49 : memref<10240x16xf32, #tpu.memory_space<vmem_shared>>)
    }
    %while3A_27 = arith.constant 1 : i32
    scf.for %while3A_39 = %while3A_25 to %while3A_21 step %while3A_27  : i32 {
      %dma_start3A = arith.constant 0 : i32
      %dma_start3A_40 = tpu.memref_slice %arg6[%while3A_39, %dma_start3A] : memref<82x128xi32, #tpu.memory_space<vmem>> -> memref<1x128xi32, #tpu.memory_space<vmem>>
      %dma_start3A_41 = tpu.memref_squeeze %dma_start3A_40 : memref<1x128xi32, #tpu.memory_space<vmem>> -> memref<128xi32, #tpu.memory_space<vmem>>
      %dma_start3A_42 = arith.constant 0 : i32
      %dma_start3A_43 = arith.constant 0 : i32
      %dma_start3A_44 = tpu.memref_slice %arg8[%dma_start3A_42, %dma_start3A_43] : memref<10240x16xf32, #tpu.memory_space<vmem_shared>> -> memref<10240x16xf32, #tpu.memory_space<vmem_shared>>
      tpu.enqueue_indirect_dma source(%arg7 : memref<128x16xf32, #tpu.memory_space<vmem>>) target(%dma_start3A_44 : memref<10240x16xf32, #tpu.memory_space<vmem_shared>>) offsets(%dma_start3A_41 : memref<128xi32, #tpu.memory_space<vmem>>) semaphore(%arg9 : memref<!tpu.dma_semaphore, #tpu.memory_space<semaphore_mem>>) {add = true}
      %dma_wait3A = arith.constant 0 : i32
      %dma_wait3A_45 = tpu.memref_slice %arg6[%while3A_39, %dma_wait3A] : memref<82x128xi32, #tpu.memory_space<vmem>> -> memref<1x128xi32, #tpu.memory_space<vmem>>
      %dma_wait3A_46 = tpu.memref_squeeze %dma_wait3A_45 : memref<1x128xi32, #tpu.memory_space<vmem>> -> memref<128xi32, #tpu.memory_space<vmem>>
      %dma_wait3A_47 = arith.constant 0 : i32
      %dma_wait3A_48 = arith.constant 0 : i32
      %dma_wait3A_49 = tpu.memref_slice %arg8[%dma_wait3A_47, %dma_wait3A_48] : memref<10240x16xf32, #tpu.memory_space<vmem_shared>> -> memref<10240x16xf32, #tpu.memory_space<vmem_shared>>
      tpu.wait_indirect_dma semaphore(%arg9 : memref<!tpu.dma_semaphore, #tpu.memory_space<semaphore_mem>>) src(%arg7 : memref<128x16xf32, #tpu.memory_space<vmem>>) dst(%dma_wait3A_49 : memref<10240x16xf32, #tpu.memory_space<vmem_shared>>)
    }
    %scan3A_28 = arith.constant 0 : i32
    %scan3A_29 = arith.constant 0 : i32
    %scan3A_30 = arith.constant 8 : i32
    %scan3A_31 = arith.addi %scan3A_29, %scan3A_30 : i32
    %scan3A_32 = arith.constant 1 : i32
    scf.for %scan3A_39 = %scan3A_29 to %scan3A_31 step %scan3A_32  : i32 {
      %dma_wait3A = arith.constant 0 : i32
      %dma_wait3A_40 = tpu.memref_slice %arg6[%scan3A_39, %dma_wait3A] : memref<82x128xi32, #tpu.memory_space<vmem>> -> memref<1x128xi32, #tpu.memory_space<vmem>>
      %dma_wait3A_41 = tpu.memref_squeeze %dma_wait3A_40 : memref<1x128xi32, #tpu.memory_space<vmem>> -> memref<128xi32, #tpu.memory_space<vmem>>
      %dma_wait3A_42 = arith.constant 0 : i32
      %dma_wait3A_43 = arith.constant 0 : i32
      %dma_wait3A_44 = tpu.memref_slice %arg8[%dma_wait3A_42, %dma_wait3A_43] : memref<10240x16xf32, #tpu.memory_space<vmem_shared>> -> memref<10240x16xf32, #tpu.memory_space<vmem_shared>>
      tpu.wait_indirect_dma semaphore(%arg9 : memref<!tpu.dma_semaphore, #tpu.memory_space<semaphore_mem>>) src(%arg7 : memref<128x16xf32, #tpu.memory_space<vmem>>) dst(%dma_wait3A_44 : memref<10240x16xf32, #tpu.memory_space<vmem_shared>>)
    }
    %scan3A_33 = arith.constant 8 : i32
    %barrier3A_34 = arith.constant 0 : index
    tpu.barrier barrier_id(%barrier3A_34)
    %mul3A_35 = arith.constant 640 : i32
    %mul3A_36 = arith.muli %arg1, %mul3A_35 : i32
    %mul3A_37 = arith.constant 640 : i32
    %mul3A_38 = arith.muli %arg1, %mul3A_37 : i32
    "tpu.region"() ({
      %run_scoped3A = tpu.sem_alloc : memref<!tpu.dma_semaphore, #tpu.memory_space<semaphore_mem>>
      %dma_start3A = arith.constant 0 : i32
      %dma_start3A_39 = tpu.memref_slice %arg5[%arg0, %mul3A_38, %dma_start3A] : memref<2x10240x16xf32, #tpu.memory_space<hbm>> -> memref<1x640x16xf32, #tpu.memory_space<hbm>>
      %dma_start3A_40 = tpu.memref_squeeze %dma_start3A_39 : memref<1x640x16xf32, #tpu.memory_space<hbm>> -> memref<640x16xf32, #tpu.memory_space<hbm>>
      %dma_start3A_41 = arith.constant 0 : i32
      %dma_start3A_42 = tpu.memref_slice %arg8[%mul3A_36, %dma_start3A_41] : memref<10240x16xf32, #tpu.memory_space<vmem_shared>> -> memref<640x16xf32, #tpu.memory_space<vmem_shared>>
      tpu.enqueue_dma source(%dma_start3A_42 : memref<640x16xf32, #tpu.memory_space<vmem_shared>>) target(%dma_start3A_40 : memref<640x16xf32, #tpu.memory_space<hbm>>) target_semaphore(%run_scoped3A : memref<!tpu.dma_semaphore, #tpu.memory_space<semaphore_mem>>)
      %dma_wait3A = arith.constant 0 : i32
      %dma_wait3A_43 = tpu.memref_slice %arg5[%arg0, %mul3A_38, %dma_wait3A] : memref<2x10240x16xf32, #tpu.memory_space<hbm>> -> memref<1x640x16xf32, #tpu.memory_space<hbm>>
      %dma_wait3A_44 = tpu.memref_squeeze %dma_wait3A_43 : memref<1x640x16xf32, #tpu.memory_space<hbm>> -> memref<640x16xf32, #tpu.memory_space<hbm>>
      %dma_wait3A_45 = arith.constant 0 : i32
      %dma_wait3A_46 = tpu.memref_slice %arg8[%mul3A_36, %dma_wait3A_45] : memref<10240x16xf32, #tpu.memory_space<vmem_shared>> -> memref<640x16xf32, #tpu.memory_space<vmem_shared>>
      tpu.wait_dma2 semaphore(%run_scoped3A : memref<!tpu.dma_semaphore, #tpu.memory_space<semaphore_mem>>) src(%dma_wait3A_46 : memref<640x16xf32, #tpu.memory_space<vmem_shared>>) dst(%dma_wait3A_44 : memref<640x16xf32, #tpu.memory_space<hbm>>)
      tpu.yield
    }) : () -> ()
    return
  }
}

#map = affine_map<(d0, d1) -> (0, 0, 0)>
#map1 = affine_map<(d0, d1) -> (0, 0)>
module attributes {stable_mosaic.version = 14 : i64} {
  func.func @_sc_pass1(%arg0: i32, %arg1: i32, %arg2: memref<2x2500x128xi32, #tpu.memory_space<hbm>>, %arg3: memref<2x10240x16xf32, #tpu.memory_space<hbm>>, %arg4: memref<10240x16xf32, #tpu.memory_space<hbm>>, %arg5: memref<10240x16xf32, #tpu.memory_space<hbm>>, %arg6: memref<2x10240x16xf32, #tpu.memory_space<hbm>>, %arg7: memref<10240x16xf32, #tpu.memory_space<hbm>>, %arg8: memref<10240x16xf32, #tpu.memory_space<hbm>>, %arg9: memref<82x128xi32, #tpu.memory_space<vmem>>, %arg10: memref<82x128xi32, #tpu.memory_space<vmem>>, %arg11: memref<8x128x16xf32, #tpu.memory_space<vmem>>, %arg12: memref<640x16xf32, #tpu.memory_space<vmem>>, %arg13: memref<640x16xf32, #tpu.memory_space<vmem>>, %arg14: memref<640x16xf32, #tpu.memory_space<vmem>>, %arg15: memref<640x16xf32, #tpu.memory_space<vmem>>, %arg16: memref<640x16xf32, #tpu.memory_space<vmem>>, %arg17: memref<10240x16xf32, #tpu.memory_space<vmem_shared>>, %arg18: memref<10240x16xf32, #tpu.memory_space<vmem_shared>>, %arg19: memref<!tpu.dma_semaphore, #tpu.memory_space<semaphore_mem>>, %arg20: memref<!tpu.dma_semaphore, #tpu.memory_space<semaphore_mem>>) attributes {dimension_semantics = [#tpu.dimension_semantics<core_parallel>, #tpu.dimension_semantics<subcore_parallel>], iteration_bounds = array<i64: 2, 16>, scalar_prefetch = 0 : i64, scratch_operands = 12 : i64, tpu.core_type = #tpu.core_type<sc_vector_subcore>, window_params = [{transform_indices = #map}, {transform_indices = #map}, {transform_indices = #map1}, {transform_indices = #map1}, {transform_indices = #map}, {transform_indices = #map1}, {transform_indices = #map1}]} {
    %mul3A = arith.constant 16 : i32
    %mul3A_0 = arith.muli %arg0, %mul3A : i32
    %add3A = arith.addi %mul3A_0, %arg1 : i32
    %eq3A = arith.constant 31 : i32
    %eq3A_1 = arith.cmpi eq, %add3A, %eq3A : i32
    %jit3A = arith.constant 82 : i32
    %jit3A_2 = arith.constant 78 : i32
    %select_n3A = arith.select %eq3A_1, %jit3A, %jit3A_2 : i32
    %mul3A_3 = arith.constant 640 : i32
    %mul3A_4 = arith.muli %arg1, %mul3A_3 : i32
    %dma_start3A = arith.constant 0 : i32
    %dma_start3A_5 = tpu.memref_slice %arg17[%mul3A_4, %dma_start3A] : memref<10240x16xf32, #tpu.memory_space<vmem_shared>> -> memref<640x16xf32, #tpu.memory_space<vmem_shared>>
    %dma_start3A_6 = arith.constant 0 : i32
    %dma_start3A_7 = tpu.memref_slice %arg5[%mul3A_4, %dma_start3A_6] : memref<10240x16xf32, #tpu.memory_space<hbm>> -> memref<640x16xf32, #tpu.memory_space<hbm>>
    tpu.enqueue_dma source(%dma_start3A_7 : memref<640x16xf32, #tpu.memory_space<hbm>>) target(%dma_start3A_5 : memref<640x16xf32, #tpu.memory_space<vmem_shared>>) target_semaphore(%arg19 : memref<!tpu.dma_semaphore, #tpu.memory_space<semaphore_mem>>)
    %dma_start3A_8 = arith.constant 0 : i32
    %dma_start3A_9 = arith.constant 0 : i32
    %dma_start3A_10 = tpu.memref_slice %arg3[%dma_start3A_8, %mul3A_4, %dma_start3A_9] : memref<2x10240x16xf32, #tpu.memory_space<hbm>> -> memref<1x640x16xf32, #tpu.memory_space<hbm>>
    %dma_start3A_11 = tpu.memref_squeeze %dma_start3A_10 : memref<1x640x16xf32, #tpu.memory_space<hbm>> -> memref<640x16xf32, #tpu.memory_space<hbm>>
    %dma_start3A_12 = arith.constant 0 : i32
    %dma_start3A_13 = tpu.memref_slice %arg3[%dma_start3A_8, %mul3A_4, %dma_start3A_12] : memref<2x10240x16xf32, #tpu.memory_space<hbm>> -> memref<1x640x16xf32, #tpu.memory_space<hbm>>
    %dma_start3A_14 = tpu.memref_squeeze %dma_start3A_13 : memref<1x640x16xf32, #tpu.memory_space<hbm>> -> memref<640x16xf32, #tpu.memory_space<hbm>>
    tpu.enqueue_dma source(%dma_start3A_14 : memref<640x16xf32, #tpu.memory_space<hbm>>) target(%arg12 : memref<640x16xf32, #tpu.memory_space<vmem>>) target_semaphore(%arg19 : memref<!tpu.dma_semaphore, #tpu.memory_space<semaphore_mem>>)
    %dma_start3A_15 = arith.constant 1 : i32
    %dma_start3A_16 = arith.constant 0 : i32
    %dma_start3A_17 = tpu.memref_slice %arg3[%dma_start3A_15, %mul3A_4, %dma_start3A_16] : memref<2x10240x16xf32, #tpu.memory_space<hbm>> -> memref<1x640x16xf32, #tpu.memory_space<hbm>>
    %dma_start3A_18 = tpu.memref_squeeze %dma_start3A_17 : memref<1x640x16xf32, #tpu.memory_space<hbm>> -> memref<640x16xf32, #tpu.memory_space<hbm>>
    %dma_start3A_19 = arith.constant 0 : i32
    %dma_start3A_20 = tpu.memref_slice %arg3[%dma_start3A_15, %mul3A_4, %dma_start3A_19] : memref<2x10240x16xf32, #tpu.memory_space<hbm>> -> memref<1x640x16xf32, #tpu.memory_space<hbm>>
    %dma_start3A_21 = tpu.memref_squeeze %dma_start3A_20 : memref<1x640x16xf32, #tpu.memory_space<hbm>> -> memref<640x16xf32, #tpu.memory_space<hbm>>
    tpu.enqueue_dma source(%dma_start3A_21 : memref<640x16xf32, #tpu.memory_space<hbm>>) target(%arg13 : memref<640x16xf32, #tpu.memory_space<vmem>>) target_semaphore(%arg19 : memref<!tpu.dma_semaphore, #tpu.memory_space<semaphore_mem>>)
    %dma_start3A_22 = arith.constant 0 : i32
    %dma_start3A_23 = tpu.memref_slice %arg4[%mul3A_4, %dma_start3A_22] : memref<10240x16xf32, #tpu.memory_space<hbm>> -> memref<640x16xf32, #tpu.memory_space<hbm>>
    %dma_start3A_24 = arith.constant 0 : i32
    %dma_start3A_25 = tpu.memref_slice %arg4[%mul3A_4, %dma_start3A_24] : memref<10240x16xf32, #tpu.memory_space<hbm>> -> memref<640x16xf32, #tpu.memory_space<hbm>>
    tpu.enqueue_dma source(%dma_start3A_25 : memref<640x16xf32, #tpu.memory_space<hbm>>) target(%arg14 : memref<640x16xf32, #tpu.memory_space<vmem>>) target_semaphore(%arg19 : memref<!tpu.dma_semaphore, #tpu.memory_space<semaphore_mem>>)
    %eq3A_26 = arith.constant 31 : i32
    %eq3A_27 = arith.cmpi eq, %add3A, %eq3A_26 : i32
    %convert_element_type3A = arith.extui %eq3A_27 : i1 to i32
    %cond3A = arith.constant 0 : i32
    %cond3A_28 = arith.cmpi ne, %convert_element_type3A, %cond3A : i32
    scf.if %cond3A_28 {
      %run_scoped3A = arith.constant 0 : i32
      "tpu.region"() ({
        %run_scoped3A_96 = tpu.sem_alloc : memref<!tpu.dma_semaphore, #tpu.memory_space<semaphore_mem>>
        %dma_start3A_97 = arith.constant 2418 : i32
        %dma_start3A_98 = arith.constant 0 : i32
        %dma_start3A_99 = tpu.memref_slice %arg2[%run_scoped3A, %dma_start3A_97, %dma_start3A_98] : memref<2x2500x128xi32, #tpu.memory_space<hbm>> -> memref<1x82x128xi32, #tpu.memory_space<hbm>>
        %dma_start3A_100 = tpu.memref_squeeze %dma_start3A_99 : memref<1x82x128xi32, #tpu.memory_space<hbm>> -> memref<82x128xi32, #tpu.memory_space<hbm>>
        %dma_start3A_101 = arith.constant 2418 : i32
        %dma_start3A_102 = arith.constant 0 : i32
        %dma_start3A_103 = tpu.memref_slice %arg2[%run_scoped3A, %dma_start3A_101, %dma_start3A_102] : memref<2x2500x128xi32, #tpu.memory_space<hbm>> -> memref<1x82x128xi32, #tpu.memory_space<hbm>>
        %dma_start3A_104 = tpu.memref_squeeze %dma_start3A_103 : memref<1x82x128xi32, #tpu.memory_space<hbm>> -> memref<82x128xi32, #tpu.memory_space<hbm>>
        tpu.enqueue_dma source(%dma_start3A_104 : memref<82x128xi32, #tpu.memory_space<hbm>>) target(%arg9 : memref<82x128xi32, #tpu.memory_space<vmem>>) target_semaphore(%run_scoped3A_96 : memref<!tpu.dma_semaphore, #tpu.memory_space<semaphore_mem>>)
        %dma_wait3A_105 = arith.constant 2418 : i32
        %dma_wait3A_106 = arith.constant 0 : i32
        %dma_wait3A_107 = tpu.memref_slice %arg2[%run_scoped3A, %dma_wait3A_105, %dma_wait3A_106] : memref<2x2500x128xi32, #tpu.memory_space<hbm>> -> memref<1x82x128xi32, #tpu.memory_space<hbm>>
        %dma_wait3A_108 = tpu.memref_squeeze %dma_wait3A_107 : memref<1x82x128xi32, #tpu.memory_space<hbm>> -> memref<82x128xi32, #tpu.memory_space<hbm>>
        %dma_wait3A_109 = arith.constant 2418 : i32
        %dma_wait3A_110 = arith.constant 0 : i32
        %dma_wait3A_111 = tpu.memref_slice %arg2[%run_scoped3A, %dma_wait3A_109, %dma_wait3A_110] : memref<2x2500x128xi32, #tpu.memory_space<hbm>> -> memref<1x82x128xi32, #tpu.memory_space<hbm>>
        %dma_wait3A_112 = tpu.memref_squeeze %dma_wait3A_111 : memref<1x82x128xi32, #tpu.memory_space<hbm>> -> memref<82x128xi32, #tpu.memory_space<hbm>>
        tpu.wait_dma2 semaphore(%run_scoped3A_96 : memref<!tpu.dma_semaphore, #tpu.memory_space<semaphore_mem>>) src(%dma_wait3A_112 : memref<82x128xi32, #tpu.memory_space<hbm>>) dst(%arg9 : memref<82x128xi32, #tpu.memory_space<vmem>>)
        tpu.yield
      }) : () -> ()
    } else {
    }
    %ne3A = arith.constant 31 : i32
    %ne3A_29 = arith.cmpi ne, %add3A, %ne3A : i32
    %convert_element_type3A_30 = arith.extui %ne3A_29 : i1 to i32
    %cond3A_31 = arith.constant 0 : i32
    %cond3A_32 = arith.cmpi ne, %convert_element_type3A_30, %cond3A_31 : i32
    scf.if %cond3A_32 {
      %mul3A_96 = arith.constant 78 : i32
      %mul3A_97 = arith.muli %add3A, %mul3A_96 : i32
      %run_scoped3A = arith.constant 0 : i32
      "tpu.region"() ({
        %run_scoped3A_98 = tpu.sem_alloc : memref<!tpu.dma_semaphore, #tpu.memory_space<semaphore_mem>>
        %dma_start3A_99 = arith.constant 0 : i32
        %dma_start3A_100 = arith.constant 0 : i32
        %dma_start3A_101 = tpu.memref_slice %arg9[%dma_start3A_99, %dma_start3A_100] : memref<82x128xi32, #tpu.memory_space<vmem>> -> memref<78x128xi32, #tpu.memory_space<vmem>>
        %dma_start3A_102 = arith.constant 0 : i32
        %dma_start3A_103 = tpu.memref_slice %arg2[%run_scoped3A, %mul3A_97, %dma_start3A_102] : memref<2x2500x128xi32, #tpu.memory_space<hbm>> -> memref<1x78x128xi32, #tpu.memory_space<hbm>>
        %dma_start3A_104 = tpu.memref_squeeze %dma_start3A_103 : memref<1x78x128xi32, #tpu.memory_space<hbm>> -> memref<78x128xi32, #tpu.memory_space<hbm>>
        %dma_start3A_105 = arith.constant 0 : i32
        %dma_start3A_106 = arith.constant 0 : i32
        %dma_start3A_107 = tpu.memref_slice %arg9[%dma_start3A_105, %dma_start3A_106] : memref<82x128xi32, #tpu.memory_space<vmem>> -> memref<78x128xi32, #tpu.memory_space<vmem>>
        %dma_start3A_108 = arith.constant 0 : i32
        %dma_start3A_109 = tpu.memref_slice %arg2[%run_scoped3A, %mul3A_97, %dma_start3A_108] : memref<2x2500x128xi32, #tpu.memory_space<hbm>> -> memref<1x78x128xi32, #tpu.memory_space<hbm>>
        %dma_start3A_110 = tpu.memref_squeeze %dma_start3A_109 : memref<1x78x128xi32, #tpu.memory_space<hbm>> -> memref<78x128xi32, #tpu.memory_space<hbm>>
        tpu.enqueue_dma source(%dma_start3A_110 : memref<78x128xi32, #tpu.memory_space<hbm>>) target(%dma_start3A_107 : memref<78x128xi32, #tpu.memory_space<vmem>>) target_semaphore(%run_scoped3A_98 : memref<!tpu.dma_semaphore, #tpu.memory_space<semaphore_mem>>)
        %dma_wait3A_111 = arith.constant 0 : i32
        %dma_wait3A_112 = arith.constant 0 : i32
        %dma_wait3A_113 = tpu.memref_slice %arg9[%dma_wait3A_111, %dma_wait3A_112] : memref<82x128xi32, #tpu.memory_space<vmem>> -> memref<78x128xi32, #tpu.memory_space<vmem>>
        %dma_wait3A_114 = arith.constant 0 : i32
        %dma_wait3A_115 = tpu.memref_slice %arg2[%run_scoped3A, %mul3A_97, %dma_wait3A_114] : memref<2x2500x128xi32, #tpu.memory_space<hbm>> -> memref<1x78x128xi32, #tpu.memory_space<hbm>>
        %dma_wait3A_116 = tpu.memref_squeeze %dma_wait3A_115 : memref<1x78x128xi32, #tpu.memory_space<hbm>> -> memref<78x128xi32, #tpu.memory_space<hbm>>
        %dma_wait3A_117 = arith.constant 0 : i32
        %dma_wait3A_118 = arith.constant 0 : i32
        %dma_wait3A_119 = tpu.memref_slice %arg9[%dma_wait3A_117, %dma_wait3A_118] : memref<82x128xi32, #tpu.memory_space<vmem>> -> memref<78x128xi32, #tpu.memory_space<vmem>>
        %dma_wait3A_120 = arith.constant 0 : i32
        %dma_wait3A_121 = tpu.memref_slice %arg2[%run_scoped3A, %mul3A_97, %dma_wait3A_120] : memref<2x2500x128xi32, #tpu.memory_space<hbm>> -> memref<1x78x128xi32, #tpu.memory_space<hbm>>
        %dma_wait3A_122 = tpu.memref_squeeze %dma_wait3A_121 : memref<1x78x128xi32, #tpu.memory_space<hbm>> -> memref<78x128xi32, #tpu.memory_space<hbm>>
        tpu.wait_dma2 semaphore(%run_scoped3A_98 : memref<!tpu.dma_semaphore, #tpu.memory_space<semaphore_mem>>) src(%dma_wait3A_122 : memref<78x128xi32, #tpu.memory_space<hbm>>) dst(%dma_wait3A_119 : memref<78x128xi32, #tpu.memory_space<vmem>>)
        tpu.yield
      }) : () -> ()
    } else {
    }
    %eq3A_33 = arith.constant 31 : i32
    %eq3A_34 = arith.cmpi eq, %add3A, %eq3A_33 : i32
    %convert_element_type3A_35 = arith.extui %eq3A_34 : i1 to i32
    %cond3A_36 = arith.constant 0 : i32
    %cond3A_37 = arith.cmpi ne, %convert_element_type3A_35, %cond3A_36 : i32
    scf.if %cond3A_37 {
      %run_scoped3A = arith.constant 1 : i32
      "tpu.region"() ({
        %run_scoped3A_96 = tpu.sem_alloc : memref<!tpu.dma_semaphore, #tpu.memory_space<semaphore_mem>>
        %dma_start3A_97 = arith.constant 2418 : i32
        %dma_start3A_98 = arith.constant 0 : i32
        %dma_start3A_99 = tpu.memref_slice %arg2[%run_scoped3A, %dma_start3A_97, %dma_start3A_98] : memref<2x2500x128xi32, #tpu.memory_space<hbm>> -> memref<1x82x128xi32, #tpu.memory_space<hbm>>
        %dma_start3A_100 = tpu.memref_squeeze %dma_start3A_99 : memref<1x82x128xi32, #tpu.memory_space<hbm>> -> memref<82x128xi32, #tpu.memory_space<hbm>>
        %dma_start3A_101 = arith.constant 2418 : i32
        %dma_start3A_102 = arith.constant 0 : i32
        %dma_start3A_103 = tpu.memref_slice %arg2[%run_scoped3A, %dma_start3A_101, %dma_start3A_102] : memref<2x2500x128xi32, #tpu.memory_space<hbm>> -> memref<1x82x128xi32, #tpu.memory_space<hbm>>
        %dma_start3A_104 = tpu.memref_squeeze %dma_start3A_103 : memref<1x82x128xi32, #tpu.memory_space<hbm>> -> memref<82x128xi32, #tpu.memory_space<hbm>>
        tpu.enqueue_dma source(%dma_start3A_104 : memref<82x128xi32, #tpu.memory_space<hbm>>) target(%arg10 : memref<82x128xi32, #tpu.memory_space<vmem>>) target_semaphore(%run_scoped3A_96 : memref<!tpu.dma_semaphore, #tpu.memory_space<semaphore_mem>>)
        %dma_wait3A_105 = arith.constant 2418 : i32
        %dma_wait3A_106 = arith.constant 0 : i32
        %dma_wait3A_107 = tpu.memref_slice %arg2[%run_scoped3A, %dma_wait3A_105, %dma_wait3A_106] : memref<2x2500x128xi32, #tpu.memory_space<hbm>> -> memref<1x82x128xi32, #tpu.memory_space<hbm>>
        %dma_wait3A_108 = tpu.memref_squeeze %dma_wait3A_107 : memref<1x82x128xi32, #tpu.memory_space<hbm>> -> memref<82x128xi32, #tpu.memory_space<hbm>>
        %dma_wait3A_109 = arith.constant 2418 : i32
        %dma_wait3A_110 = arith.constant 0 : i32
        %dma_wait3A_111 = tpu.memref_slice %arg2[%run_scoped3A, %dma_wait3A_109, %dma_wait3A_110] : memref<2x2500x128xi32, #tpu.memory_space<hbm>> -> memref<1x82x128xi32, #tpu.memory_space<hbm>>
        %dma_wait3A_112 = tpu.memref_squeeze %dma_wait3A_111 : memref<1x82x128xi32, #tpu.memory_space<hbm>> -> memref<82x128xi32, #tpu.memory_space<hbm>>
        tpu.wait_dma2 semaphore(%run_scoped3A_96 : memref<!tpu.dma_semaphore, #tpu.memory_space<semaphore_mem>>) src(%dma_wait3A_112 : memref<82x128xi32, #tpu.memory_space<hbm>>) dst(%arg10 : memref<82x128xi32, #tpu.memory_space<vmem>>)
        tpu.yield
      }) : () -> ()
    } else {
    }
    %ne3A_38 = arith.constant 31 : i32
    %ne3A_39 = arith.cmpi ne, %add3A, %ne3A_38 : i32
    %convert_element_type3A_40 = arith.extui %ne3A_39 : i1 to i32
    %cond3A_41 = arith.constant 0 : i32
    %cond3A_42 = arith.cmpi ne, %convert_element_type3A_40, %cond3A_41 : i32
    scf.if %cond3A_42 {
      %mul3A_96 = arith.constant 78 : i32
      %mul3A_97 = arith.muli %add3A, %mul3A_96 : i32
      %run_scoped3A = arith.constant 1 : i32
      "tpu.region"() ({
        %run_scoped3A_98 = tpu.sem_alloc : memref<!tpu.dma_semaphore, #tpu.memory_space<semaphore_mem>>
        %dma_start3A_99 = arith.constant 0 : i32
        %dma_start3A_100 = arith.constant 0 : i32
        %dma_start3A_101 = tpu.memref_slice %arg10[%dma_start3A_99, %dma_start3A_100] : memref<82x128xi32, #tpu.memory_space<vmem>> -> memref<78x128xi32, #tpu.memory_space<vmem>>
        %dma_start3A_102 = arith.constant 0 : i32
        %dma_start3A_103 = tpu.memref_slice %arg2[%run_scoped3A, %mul3A_97, %dma_start3A_102] : memref<2x2500x128xi32, #tpu.memory_space<hbm>> -> memref<1x78x128xi32, #tpu.memory_space<hbm>>
        %dma_start3A_104 = tpu.memref_squeeze %dma_start3A_103 : memref<1x78x128xi32, #tpu.memory_space<hbm>> -> memref<78x128xi32, #tpu.memory_space<hbm>>
        %dma_start3A_105 = arith.constant 0 : i32
        %dma_start3A_106 = arith.constant 0 : i32
        %dma_start3A_107 = tpu.memref_slice %arg10[%dma_start3A_105, %dma_start3A_106] : memref<82x128xi32, #tpu.memory_space<vmem>> -> memref<78x128xi32, #tpu.memory_space<vmem>>
        %dma_start3A_108 = arith.constant 0 : i32
        %dma_start3A_109 = tpu.memref_slice %arg2[%run_scoped3A, %mul3A_97, %dma_start3A_108] : memref<2x2500x128xi32, #tpu.memory_space<hbm>> -> memref<1x78x128xi32, #tpu.memory_space<hbm>>
        %dma_start3A_110 = tpu.memref_squeeze %dma_start3A_109 : memref<1x78x128xi32, #tpu.memory_space<hbm>> -> memref<78x128xi32, #tpu.memory_space<hbm>>
        tpu.enqueue_dma source(%dma_start3A_110 : memref<78x128xi32, #tpu.memory_space<hbm>>) target(%dma_start3A_107 : memref<78x128xi32, #tpu.memory_space<vmem>>) target_semaphore(%run_scoped3A_98 : memref<!tpu.dma_semaphore, #tpu.memory_space<semaphore_mem>>)
        %dma_wait3A_111 = arith.constant 0 : i32
        %dma_wait3A_112 = arith.constant 0 : i32
        %dma_wait3A_113 = tpu.memref_slice %arg10[%dma_wait3A_111, %dma_wait3A_112] : memref<82x128xi32, #tpu.memory_space<vmem>> -> memref<78x128xi32, #tpu.memory_space<vmem>>
        %dma_wait3A_114 = arith.constant 0 : i32
        %dma_wait3A_115 = tpu.memref_slice %arg2[%run_scoped3A, %mul3A_97, %dma_wait3A_114] : memref<2x2500x128xi32, #tpu.memory_space<hbm>> -> memref<1x78x128xi32, #tpu.memory_space<hbm>>
        %dma_wait3A_116 = tpu.memref_squeeze %dma_wait3A_115 : memref<1x78x128xi32, #tpu.memory_space<hbm>> -> memref<78x128xi32, #tpu.memory_space<hbm>>
        %dma_wait3A_117 = arith.constant 0 : i32
        %dma_wait3A_118 = arith.constant 0 : i32
        %dma_wait3A_119 = tpu.memref_slice %arg10[%dma_wait3A_117, %dma_wait3A_118] : memref<82x128xi32, #tpu.memory_space<vmem>> -> memref<78x128xi32, #tpu.memory_space<vmem>>
        %dma_wait3A_120 = arith.constant 0 : i32
        %dma_wait3A_121 = tpu.memref_slice %arg2[%run_scoped3A, %mul3A_97, %dma_wait3A_120] : memref<2x2500x128xi32, #tpu.memory_space<hbm>> -> memref<1x78x128xi32, #tpu.memory_space<hbm>>
        %dma_wait3A_122 = tpu.memref_squeeze %dma_wait3A_121 : memref<1x78x128xi32, #tpu.memory_space<hbm>> -> memref<78x128xi32, #tpu.memory_space<hbm>>
        tpu.wait_dma2 semaphore(%run_scoped3A_98 : memref<!tpu.dma_semaphore, #tpu.memory_space<semaphore_mem>>) src(%dma_wait3A_122 : memref<78x128xi32, #tpu.memory_space<hbm>>) dst(%dma_wait3A_119 : memref<78x128xi32, #tpu.memory_space<vmem>>)
        tpu.yield
      }) : () -> ()
    } else {
    }
    %dma_wait3A = arith.constant 0 : i32
    %dma_wait3A_43 = tpu.memref_slice %arg17[%mul3A_4, %dma_wait3A] : memref<10240x16xf32, #tpu.memory_space<vmem_shared>> -> memref<640x16xf32, #tpu.memory_space<vmem_shared>>
    %dma_wait3A_44 = arith.constant 0 : i32
    %dma_wait3A_45 = tpu.memref_slice %arg5[%mul3A_4, %dma_wait3A_44] : memref<10240x16xf32, #tpu.memory_space<hbm>> -> memref<640x16xf32, #tpu.memory_space<hbm>>
    tpu.wait_dma2 semaphore(%arg19 : memref<!tpu.dma_semaphore, #tpu.memory_space<semaphore_mem>>) src(%dma_wait3A_45 : memref<640x16xf32, #tpu.memory_space<hbm>>) dst(%dma_wait3A_43 : memref<640x16xf32, #tpu.memory_space<vmem_shared>>)
    %dma_wait3A_46 = arith.constant 0 : i32
    %dma_wait3A_47 = arith.constant 0 : i32
    %dma_wait3A_48 = tpu.memref_slice %arg3[%dma_wait3A_46, %mul3A_4, %dma_wait3A_47] : memref<2x10240x16xf32, #tpu.memory_space<hbm>> -> memref<1x640x16xf32, #tpu.memory_space<hbm>>
    %dma_wait3A_49 = tpu.memref_squeeze %dma_wait3A_48 : memref<1x640x16xf32, #tpu.memory_space<hbm>> -> memref<640x16xf32, #tpu.memory_space<hbm>>
    %dma_wait3A_50 = arith.constant 0 : i32
    %dma_wait3A_51 = tpu.memref_slice %arg3[%dma_wait3A_46, %mul3A_4, %dma_wait3A_50] : memref<2x10240x16xf32, #tpu.memory_space<hbm>> -> memref<1x640x16xf32, #tpu.memory_space<hbm>>
    %dma_wait3A_52 = tpu.memref_squeeze %dma_wait3A_51 : memref<1x640x16xf32, #tpu.memory_space<hbm>> -> memref<640x16xf32, #tpu.memory_space<hbm>>
    tpu.wait_dma2 semaphore(%arg19 : memref<!tpu.dma_semaphore, #tpu.memory_space<semaphore_mem>>) src(%dma_wait3A_52 : memref<640x16xf32, #tpu.memory_space<hbm>>) dst(%arg12 : memref<640x16xf32, #tpu.memory_space<vmem>>)
    %dma_wait3A_53 = arith.constant 1 : i32
    %dma_wait3A_54 = arith.constant 0 : i32
    %dma_wait3A_55 = tpu.memref_slice %arg3[%dma_wait3A_53, %mul3A_4, %dma_wait3A_54] : memref<2x10240x16xf32, #tpu.memory_space<hbm>> -> memref<1x640x16xf32, #tpu.memory_space<hbm>>
    %dma_wait3A_56 = tpu.memref_squeeze %dma_wait3A_55 : memref<1x640x16xf32, #tpu.memory_space<hbm>> -> memref<640x16xf32, #tpu.memory_space<hbm>>
    %dma_wait3A_57 = arith.constant 0 : i32
    %dma_wait3A_58 = tpu.memref_slice %arg3[%dma_wait3A_53, %mul3A_4, %dma_wait3A_57] : memref<2x10240x16xf32, #tpu.memory_space<hbm>> -> memref<1x640x16xf32, #tpu.memory_space<hbm>>
    %dma_wait3A_59 = tpu.memref_squeeze %dma_wait3A_58 : memref<1x640x16xf32, #tpu.memory_space<hbm>> -> memref<640x16xf32, #tpu.memory_space<hbm>>
    tpu.wait_dma2 semaphore(%arg19 : memref<!tpu.dma_semaphore, #tpu.memory_space<semaphore_mem>>) src(%dma_wait3A_59 : memref<640x16xf32, #tpu.memory_space<hbm>>) dst(%arg13 : memref<640x16xf32, #tpu.memory_space<vmem>>)
    %dma_wait3A_60 = arith.constant 0 : i32
    %dma_wait3A_61 = tpu.memref_slice %arg4[%mul3A_4, %dma_wait3A_60] : memref<10240x16xf32, #tpu.memory_space<hbm>> -> memref<640x16xf32, #tpu.memory_space<hbm>>
    %dma_wait3A_62 = arith.constant 0 : i32
    %dma_wait3A_63 = tpu.memref_slice %arg4[%mul3A_4, %dma_wait3A_62] : memref<10240x16xf32, #tpu.memory_space<hbm>> -> memref<640x16xf32, #tpu.memory_space<hbm>>
    tpu.wait_dma2 semaphore(%arg19 : memref<!tpu.dma_semaphore, #tpu.memory_space<semaphore_mem>>) src(%dma_wait3A_63 : memref<640x16xf32, #tpu.memory_space<hbm>>) dst(%arg14 : memref<640x16xf32, #tpu.memory_space<vmem>>)
    %scan3A = arith.constant 0 : i32
    %scan3A_64 = arith.constant 0 : i32
    %scan3A_65 = arith.constant 160 : i32
    %scan3A_66 = arith.addi %scan3A_64, %scan3A_65 : i32
    %scan3A_67 = arith.constant 1 : i32
    scf.for %scan3A_96 = %scan3A_64 to %scan3A_66 step %scan3A_67  : i32 {
      %mul3A_97 = arith.constant 4 : i32
      %mul3A_98 = arith.muli %mul3A_97, %scan3A_96 : i32
      %add3A_99 = arith.constant 0 : i32
      %add3A_100 = arith.addi %mul3A_98, %add3A_99 : i32
      %get3A = arith.index_cast %add3A_100 : i32 to index
      %get3A_101 = arith.constant 0 : index
      %get3A_102 = tpu.vector_load %arg12[%get3A, %get3A_101] {strides = array<i32>} : memref<640x16xf32, #tpu.memory_space<vmem>>, vector<16xf32>,
      %get3A_103 = arith.index_cast %add3A_100 : i32 to index
      %get3A_104 = arith.constant 0 : index
      %get3A_105 = tpu.vector_load %arg13[%get3A_103, %get3A_104] {strides = array<i32>} : memref<640x16xf32, #tpu.memory_space<vmem>>, vector<16xf32>,
      %add3A_106 = arith.addf %get3A_102, %get3A_105 : vector<16xf32>
      %add3A_107 = arith.constant 1.000000e+00 : f32
      %add3A_108 = vector.broadcast %add3A_107 : f32 to vector<16xf32>
      %add3A_109 = arith.addf %add3A_106, %add3A_108 : vector<16xf32>
      %bitcast3A = vector.bitcast %add3A_109 : vector<16xf32> to vector<16xi32>
      %shift_right_logical3A = arith.constant 1 : i32
      %shift_right_logical3A_110 = vector.broadcast %shift_right_logical3A : i32 to vector<16xi32>
      %shift_right_logical3A_111 = arith.shrui %bitcast3A, %shift_right_logical3A_110 : vector<16xi32>
      %sub3A = arith.constant 1597463007 : i32
      %sub3A_112 = vector.broadcast %sub3A : i32 to vector<16xi32>
      %sub3A_113 = arith.subi %sub3A_112, %shift_right_logical3A_111 : vector<16xi32>
      %bitcast3A_114 = vector.bitcast %sub3A_113 : vector<16xi32> to vector<16xf32>
      %mul3A_115 = arith.constant 5.000000e-01 : f32
      %mul3A_116 = vector.broadcast %mul3A_115 : f32 to vector<16xf32>
      %mul3A_117 = arith.mulf %add3A_109, %mul3A_116 : vector<16xf32>
      %mul3A_118 = arith.mulf %mul3A_117, %bitcast3A_114 : vector<16xf32>
      %mul3A_119 = arith.mulf %mul3A_118, %bitcast3A_114 : vector<16xf32>
      %sub3A_120 = arith.constant 1.500000e+00 : f32
      %sub3A_121 = vector.broadcast %sub3A_120 : f32 to vector<16xf32>
      %sub3A_122 = arith.subf %sub3A_121, %mul3A_119 : vector<16xf32>
      %mul3A_123 = arith.mulf %bitcast3A_114, %sub3A_122 : vector<16xf32>
      %mul3A_124 = arith.mulf %mul3A_117, %mul3A_123 : vector<16xf32>
      %mul3A_125 = arith.mulf %mul3A_124, %mul3A_123 : vector<16xf32>
      %sub3A_126 = arith.constant 1.500000e+00 : f32
      %sub3A_127 = vector.broadcast %sub3A_126 : f32 to vector<16xf32>
      %sub3A_128 = arith.subf %sub3A_127, %mul3A_125 : vector<16xf32>
      %mul3A_129 = arith.mulf %mul3A_123, %sub3A_128 : vector<16xf32>
      %mul3A_130 = arith.mulf %mul3A_117, %mul3A_129 : vector<16xf32>
      %mul3A_131 = arith.mulf %mul3A_130, %mul3A_129 : vector<16xf32>
      %sub3A_132 = arith.constant 1.500000e+00 : f32
      %sub3A_133 = vector.broadcast %sub3A_132 : f32 to vector<16xf32>
      %sub3A_134 = arith.subf %sub3A_133, %mul3A_131 : vector<16xf32>
      %mul3A_135 = arith.mulf %mul3A_129, %sub3A_134 : vector<16xf32>
      %swap3A = arith.index_cast %add3A_100 : i32 to index
      %swap3A_136 = arith.constant 0 : index
      %swap3A_137 = tpu.vector_load %arg15[%swap3A, %swap3A_136] {strides = array<i32>} : memref<640x16xf32, #tpu.memory_space<vmem>>, vector<16xf32>,
      tpu.vector_store %arg15[%swap3A, %swap3A_136], %mul3A_135 {strides = array<i32>} : memref<640x16xf32, #tpu.memory_space<vmem>>, vector<16xf32>,
      %get3A_138 = arith.index_cast %add3A_100 : i32 to index
      %get3A_139 = arith.constant 0 : index
      %get3A_140 = tpu.vector_load %arg14[%get3A_138, %get3A_139] {strides = array<i32>} : memref<640x16xf32, #tpu.memory_space<vmem>>, vector<16xf32>,
      %mul3A_141 = arith.mulf %mul3A_135, %get3A_140 : vector<16xf32>
      %swap3A_142 = arith.index_cast %add3A_100 : i32 to index
      %swap3A_143 = arith.constant 0 : index
      %swap3A_144 = tpu.vector_load %arg16[%swap3A_142, %swap3A_143] {strides = array<i32>} : memref<640x16xf32, #tpu.memory_space<vmem>>, vector<16xf32>,
      tpu.vector_store %arg16[%swap3A_142, %swap3A_143], %mul3A_141 {strides = array<i32>} : memref<640x16xf32, #tpu.memory_space<vmem>>, vector<16xf32>,
      %mul3A_145 = arith.constant 4 : i32
      %mul3A_146 = arith.muli %mul3A_145, %scan3A_96 : i32
      %add3A_147 = arith.constant 1 : i32
      %add3A_148 = arith.addi %mul3A_146, %add3A_147 : i32
      %get3A_149 = arith.index_cast %add3A_148 : i32 to index
      %get3A_150 = arith.constant 0 : index
      %get3A_151 = tpu.vector_load %arg12[%get3A_149, %get3A_150] {strides = array<i32>} : memref<640x16xf32, #tpu.memory_space<vmem>>, vector<16xf32>,
      %get3A_152 = arith.index_cast %add3A_148 : i32 to index
      %get3A_153 = arith.constant 0 : index
      %get3A_154 = tpu.vector_load %arg13[%get3A_152, %get3A_153] {strides = array<i32>} : memref<640x16xf32, #tpu.memory_space<vmem>>, vector<16xf32>,
      %add3A_155 = arith.addf %get3A_151, %get3A_154 : vector<16xf32>
      %add3A_156 = arith.constant 1.000000e+00 : f32
      %add3A_157 = vector.broadcast %add3A_156 : f32 to vector<16xf32>
      %add3A_158 = arith.addf %add3A_155, %add3A_157 : vector<16xf32>
      %bitcast3A_159 = vector.bitcast %add3A_158 : vector<16xf32> to vector<16xi32>
      %shift_right_logical3A_160 = arith.constant 1 : i32
      %shift_right_logical3A_161 = vector.broadcast %shift_right_logical3A_160 : i32 to vector<16xi32>
      %shift_right_logical3A_162 = arith.shrui %bitcast3A_159, %shift_right_logical3A_161 : vector<16xi32>
      %sub3A_163 = arith.constant 1597463007 : i32
      %sub3A_164 = vector.broadcast %sub3A_163 : i32 to vector<16xi32>
      %sub3A_165 = arith.subi %sub3A_164, %shift_right_logical3A_162 : vector<16xi32>
      %bitcast3A_166 = vector.bitcast %sub3A_165 : vector<16xi32> to vector<16xf32>
      %mul3A_167 = arith.constant 5.000000e-01 : f32
      %mul3A_168 = vector.broadcast %mul3A_167 : f32 to vector<16xf32>
      %mul3A_169 = arith.mulf %add3A_158, %mul3A_168 : vector<16xf32>
      %mul3A_170 = arith.mulf %mul3A_169, %bitcast3A_166 : vector<16xf32>
      %mul3A_171 = arith.mulf %mul3A_170, %bitcast3A_166 : vector<16xf32>
      %sub3A_172 = arith.constant 1.500000e+00 : f32
      %sub3A_173 = vector.broadcast %sub3A_172 : f32 to vector<16xf32>
      %sub3A_174 = arith.subf %sub3A_173, %mul3A_171 : vector<16xf32>
      %mul3A_175 = arith.mulf %bitcast3A_166, %sub3A_174 : vector<16xf32>
      %mul3A_176 = arith.mulf %mul3A_169, %mul3A_175 : vector<16xf32>
      %mul3A_177 = arith.mulf %mul3A_176, %mul3A_175 : vector<16xf32>
      %sub3A_178 = arith.constant 1.500000e+00 : f32
      %sub3A_179 = vector.broadcast %sub3A_178 : f32 to vector<16xf32>
      %sub3A_180 = arith.subf %sub3A_179, %mul3A_177 : vector<16xf32>
      %mul3A_181 = arith.mulf %mul3A_175, %sub3A_180 : vector<16xf32>
      %mul3A_182 = arith.mulf %mul3A_169, %mul3A_181 : vector<16xf32>
      %mul3A_183 = arith.mulf %mul3A_182, %mul3A_181 : vector<16xf32>
      %sub3A_184 = arith.constant 1.500000e+00 : f32
      %sub3A_185 = vector.broadcast %sub3A_184 : f32 to vector<16xf32>
      %sub3A_186 = arith.subf %sub3A_185, %mul3A_183 : vector<16xf32>
      %mul3A_187 = arith.mulf %mul3A_181, %sub3A_186 : vector<16xf32>
      %swap3A_188 = arith.index_cast %add3A_148 : i32 to index
      %swap3A_189 = arith.constant 0 : index
      %swap3A_190 = tpu.vector_load %arg15[%swap3A_188, %swap3A_189] {strides = array<i32>} : memref<640x16xf32, #tpu.memory_space<vmem>>, vector<16xf32>,
      tpu.vector_store %arg15[%swap3A_188, %swap3A_189], %mul3A_187 {strides = array<i32>} : memref<640x16xf32, #tpu.memory_space<vmem>>, vector<16xf32>,
      %get3A_191 = arith.index_cast %add3A_148 : i32 to index
      %get3A_192 = arith.constant 0 : index
      %get3A_193 = tpu.vector_load %arg14[%get3A_191, %get3A_192] {strides = array<i32>} : memref<640x16xf32, #tpu.memory_space<vmem>>, vector<16xf32>,
      %mul3A_194 = arith.mulf %mul3A_187, %get3A_193 : vector<16xf32>
      %swap3A_195 = arith.index_cast %add3A_148 : i32 to index
      %swap3A_196 = arith.constant 0 : index
      %swap3A_197 = tpu.vector_load %arg16[%swap3A_195, %swap3A_196] {strides = array<i32>} : memref<640x16xf32, #tpu.memory_space<vmem>>, vector<16xf32>,
      tpu.vector_store %arg16[%swap3A_195, %swap3A_196], %mul3A_194 {strides = array<i32>} : memref<640x16xf32, #tpu.memory_space<vmem>>, vector<16xf32>,
      %mul3A_198 = arith.constant 4 : i32
      %mul3A_199 = arith.muli %mul3A_198, %scan3A_96 : i32
      %add3A_200 = arith.constant 2 : i32
      %add3A_201 = arith.addi %mul3A_199, %add3A_200 : i32
      %get3A_202 = arith.index_cast %add3A_201 : i32 to index
      %get3A_203 = arith.constant 0 : index
      %get3A_204 = tpu.vector_load %arg12[%get3A_202, %get3A_203] {strides = array<i32>} : memref<640x16xf32, #tpu.memory_space<vmem>>, vector<16xf32>,
      %get3A_205 = arith.index_cast %add3A_201 : i32 to index
      %get3A_206 = arith.constant 0 : index
      %get3A_207 = tpu.vector_load %arg13[%get3A_205, %get3A_206] {strides = array<i32>} : memref<640x16xf32, #tpu.memory_space<vmem>>, vector<16xf32>,
      %add3A_208 = arith.addf %get3A_204, %get3A_207 : vector<16xf32>
      %add3A_209 = arith.constant 1.000000e+00 : f32
      %add3A_210 = vector.broadcast %add3A_209 : f32 to vector<16xf32>
      %add3A_211 = arith.addf %add3A_208, %add3A_210 : vector<16xf32>
      %bitcast3A_212 = vector.bitcast %add3A_211 : vector<16xf32> to vector<16xi32>
      %shift_right_logical3A_213 = arith.constant 1 : i32
      %shift_right_logical3A_214 = vector.broadcast %shift_right_logical3A_213 : i32 to vector<16xi32>
      %shift_right_logical3A_215 = arith.shrui %bitcast3A_212, %shift_right_logical3A_214 : vector<16xi32>
      %sub3A_216 = arith.constant 1597463007 : i32
      %sub3A_217 = vector.broadcast %sub3A_216 : i32 to vector<16xi32>
      %sub3A_218 = arith.subi %sub3A_217, %shift_right_logical3A_215 : vector<16xi32>
      %bitcast3A_219 = vector.bitcast %sub3A_218 : vector<16xi32> to vector<16xf32>
      %mul3A_220 = arith.constant 5.000000e-01 : f32
      %mul3A_221 = vector.broadcast %mul3A_220 : f32 to vector<16xf32>
      %mul3A_222 = arith.mulf %add3A_211, %mul3A_221 : vector<16xf32>
      %mul3A_223 = arith.mulf %mul3A_222, %bitcast3A_219 : vector<16xf32>
      %mul3A_224 = arith.mulf %mul3A_223, %bitcast3A_219 : vector<16xf32>
      %sub3A_225 = arith.constant 1.500000e+00 : f32
      %sub3A_226 = vector.broadcast %sub3A_225 : f32 to vector<16xf32>
      %sub3A_227 = arith.subf %sub3A_226, %mul3A_224 : vector<16xf32>
      %mul3A_228 = arith.mulf %bitcast3A_219, %sub3A_227 : vector<16xf32>
      %mul3A_229 = arith.mulf %mul3A_222, %mul3A_228 : vector<16xf32>
      %mul3A_230 = arith.mulf %mul3A_229, %mul3A_228 : vector<16xf32>
      %sub3A_231 = arith.constant 1.500000e+00 : f32
      %sub3A_232 = vector.broadcast %sub3A_231 : f32 to vector<16xf32>
      %sub3A_233 = arith.subf %sub3A_232, %mul3A_230 : vector<16xf32>
      %mul3A_234 = arith.mulf %mul3A_228, %sub3A_233 : vector<16xf32>
      %mul3A_235 = arith.mulf %mul3A_222, %mul3A_234 : vector<16xf32>
      %mul3A_236 = arith.mulf %mul3A_235, %mul3A_234 : vector<16xf32>
      %sub3A_237 = arith.constant 1.500000e+00 : f32
      %sub3A_238 = vector.broadcast %sub3A_237 : f32 to vector<16xf32>
      %sub3A_239 = arith.subf %sub3A_238, %mul3A_236 : vector<16xf32>
      %mul3A_240 = arith.mulf %mul3A_234, %sub3A_239 : vector<16xf32>
      %swap3A_241 = arith.index_cast %add3A_201 : i32 to index
      %swap3A_242 = arith.constant 0 : index
      %swap3A_243 = tpu.vector_load %arg15[%swap3A_241, %swap3A_242] {strides = array<i32>} : memref<640x16xf32, #tpu.memory_space<vmem>>, vector<16xf32>,
      tpu.vector_store %arg15[%swap3A_241, %swap3A_242], %mul3A_240 {strides = array<i32>} : memref<640x16xf32, #tpu.memory_space<vmem>>, vector<16xf32>,
      %get3A_244 = arith.index_cast %add3A_201 : i32 to index
      %get3A_245 = arith.constant 0 : index
      %get3A_246 = tpu.vector_load %arg14[%get3A_244, %get3A_245] {strides = array<i32>} : memref<640x16xf32, #tpu.memory_space<vmem>>, vector<16xf32>,
      %mul3A_247 = arith.mulf %mul3A_240, %get3A_246 : vector<16xf32>
      %swap3A_248 = arith.index_cast %add3A_201 : i32 to index
      %swap3A_249 = arith.constant 0 : index
      %swap3A_250 = tpu.vector_load %arg16[%swap3A_248, %swap3A_249] {strides = array<i32>} : memref<640x16xf32, #tpu.memory_space<vmem>>, vector<16xf32>,
      tpu.vector_store %arg16[%swap3A_248, %swap3A_249], %mul3A_247 {strides = array<i32>} : memref<640x16xf32, #tpu.memory_space<vmem>>, vector<16xf32>,
      %mul3A_251 = arith.constant 4 : i32
      %mul3A_252 = arith.muli %mul3A_251, %scan3A_96 : i32
      %add3A_253 = arith.constant 3 : i32
      %add3A_254 = arith.addi %mul3A_252, %add3A_253 : i32
      %get3A_255 = arith.index_cast %add3A_254 : i32 to index
      %get3A_256 = arith.constant 0 : index
      %get3A_257 = tpu.vector_load %arg12[%get3A_255, %get3A_256] {strides = array<i32>} : memref<640x16xf32, #tpu.memory_space<vmem>>, vector<16xf32>,
      %get3A_258 = arith.index_cast %add3A_254 : i32 to index
      %get3A_259 = arith.constant 0 : index
      %get3A_260 = tpu.vector_load %arg13[%get3A_258, %get3A_259] {strides = array<i32>} : memref<640x16xf32, #tpu.memory_space<vmem>>, vector<16xf32>,
      %add3A_261 = arith.addf %get3A_257, %get3A_260 : vector<16xf32>
      %add3A_262 = arith.constant 1.000000e+00 : f32
      %add3A_263 = vector.broadcast %add3A_262 : f32 to vector<16xf32>
      %add3A_264 = arith.addf %add3A_261, %add3A_263 : vector<16xf32>
      %bitcast3A_265 = vector.bitcast %add3A_264 : vector<16xf32> to vector<16xi32>
      %shift_right_logical3A_266 = arith.constant 1 : i32
      %shift_right_logical3A_267 = vector.broadcast %shift_right_logical3A_266 : i32 to vector<16xi32>
      %shift_right_logical3A_268 = arith.shrui %bitcast3A_265, %shift_right_logical3A_267 : vector<16xi32>
      %sub3A_269 = arith.constant 1597463007 : i32
      %sub3A_270 = vector.broadcast %sub3A_269 : i32 to vector<16xi32>
      %sub3A_271 = arith.subi %sub3A_270, %shift_right_logical3A_268 : vector<16xi32>
      %bitcast3A_272 = vector.bitcast %sub3A_271 : vector<16xi32> to vector<16xf32>
      %mul3A_273 = arith.constant 5.000000e-01 : f32
      %mul3A_274 = vector.broadcast %mul3A_273 : f32 to vector<16xf32>
      %mul3A_275 = arith.mulf %add3A_264, %mul3A_274 : vector<16xf32>
      %mul3A_276 = arith.mulf %mul3A_275, %bitcast3A_272 : vector<16xf32>
      %mul3A_277 = arith.mulf %mul3A_276, %bitcast3A_272 : vector<16xf32>
      %sub3A_278 = arith.constant 1.500000e+00 : f32
      %sub3A_279 = vector.broadcast %sub3A_278 : f32 to vector<16xf32>
      %sub3A_280 = arith.subf %sub3A_279, %mul3A_277 : vector<16xf32>
      %mul3A_281 = arith.mulf %bitcast3A_272, %sub3A_280 : vector<16xf32>
      %mul3A_282 = arith.mulf %mul3A_275, %mul3A_281 : vector<16xf32>
      %mul3A_283 = arith.mulf %mul3A_282, %mul3A_281 : vector<16xf32>
      %sub3A_284 = arith.constant 1.500000e+00 : f32
      %sub3A_285 = vector.broadcast %sub3A_284 : f32 to vector<16xf32>
      %sub3A_286 = arith.subf %sub3A_285, %mul3A_283 : vector<16xf32>
      %mul3A_287 = arith.mulf %mul3A_281, %sub3A_286 : vector<16xf32>
      %mul3A_288 = arith.mulf %mul3A_275, %mul3A_287 : vector<16xf32>
      %mul3A_289 = arith.mulf %mul3A_288, %mul3A_287 : vector<16xf32>
      %sub3A_290 = arith.constant 1.500000e+00 : f32
      %sub3A_291 = vector.broadcast %sub3A_290 : f32 to vector<16xf32>
      %sub3A_292 = arith.subf %sub3A_291, %mul3A_289 : vector<16xf32>
      %mul3A_293 = arith.mulf %mul3A_287, %sub3A_292 : vector<16xf32>
      %swap3A_294 = arith.index_cast %add3A_254 : i32 to index
      %swap3A_295 = arith.constant 0 : index
      %swap3A_296 = tpu.vector_load %arg15[%swap3A_294, %swap3A_295] {strides = array<i32>} : memref<640x16xf32, #tpu.memory_space<vmem>>, vector<16xf32>,
      tpu.vector_store %arg15[%swap3A_294, %swap3A_295], %mul3A_293 {strides = array<i32>} : memref<640x16xf32, #tpu.memory_space<vmem>>, vector<16xf32>,
      %get3A_297 = arith.index_cast %add3A_254 : i32 to index
      %get3A_298 = arith.constant 0 : index
      %get3A_299 = tpu.vector_load %arg14[%get3A_297, %get3A_298] {strides = array<i32>} : memref<640x16xf32, #tpu.memory_space<vmem>>, vector<16xf32>,
      %mul3A_300 = arith.mulf %mul3A_293, %get3A_299 : vector<16xf32>
      %swap3A_301 = arith.index_cast %add3A_254 : i32 to index
      %swap3A_302 = arith.constant 0 : index
      %swap3A_303 = tpu.vector_load %arg16[%swap3A_301, %swap3A_302] {strides = array<i32>} : memref<640x16xf32, #tpu.memory_space<vmem>>, vector<16xf32>,
      tpu.vector_store %arg16[%swap3A_301, %swap3A_302], %mul3A_300 {strides = array<i32>} : memref<640x16xf32, #tpu.memory_space<vmem>>, vector<16xf32>,
    }
    %scan3A_68 = arith.constant 160 : i32
    "tpu.region"() ({
      %run_scoped3A = tpu.sem_alloc : memref<!tpu.dma_semaphore, #tpu.memory_space<semaphore_mem>>
      %dma_start3A_96 = arith.constant 0 : i32
      %dma_start3A_97 = tpu.memref_slice %arg18[%mul3A_4, %dma_start3A_96] : memref<10240x16xf32, #tpu.memory_space<vmem_shared>> -> memref<640x16xf32, #tpu.memory_space<vmem_shared>>
      %dma_start3A_98 = arith.constant 0 : i32
      %dma_start3A_99 = tpu.memref_slice %arg18[%mul3A_4, %dma_start3A_98] : memref<10240x16xf32, #tpu.memory_space<vmem_shared>> -> memref<640x16xf32, #tpu.memory_space<vmem_shared>>
      tpu.enqueue_dma source(%arg16 : memref<640x16xf32, #tpu.memory_space<vmem>>) target(%dma_start3A_99 : memref<640x16xf32, #tpu.memory_space<vmem_shared>>) target_semaphore(%run_scoped3A : memref<!tpu.dma_semaphore, #tpu.memory_space<semaphore_mem>>)
      %dma_wait3A_100 = arith.constant 0 : i32
      %dma_wait3A_101 = tpu.memref_slice %arg18[%mul3A_4, %dma_wait3A_100] : memref<10240x16xf32, #tpu.memory_space<vmem_shared>> -> memref<640x16xf32, #tpu.memory_space<vmem_shared>>
      %dma_wait3A_102 = arith.constant 0 : i32
      %dma_wait3A_103 = tpu.memref_slice %arg18[%mul3A_4, %dma_wait3A_102] : memref<10240x16xf32, #tpu.memory_space<vmem_shared>> -> memref<640x16xf32, #tpu.memory_space<vmem_shared>>
      tpu.wait_dma2 semaphore(%run_scoped3A : memref<!tpu.dma_semaphore, #tpu.memory_space<semaphore_mem>>) src(%arg16 : memref<640x16xf32, #tpu.memory_space<vmem>>) dst(%dma_wait3A_103 : memref<640x16xf32, #tpu.memory_space<vmem_shared>>)
      tpu.yield
    }) : () -> ()
    %eq3A_69 = arith.constant 0 : i32
    %eq3A_70 = arith.cmpi eq, %arg0, %eq3A_69 : i32
    %convert_element_type3A_71 = arith.extui %eq3A_70 : i1 to i32
    %cond3A_72 = arith.constant 0 : i32
    %cond3A_73 = arith.cmpi ne, %convert_element_type3A_71, %cond3A_72 : i32
    scf.if %cond3A_73 {
      "tpu.region"() ({
        %run_scoped3A = tpu.sem_alloc : memref<!tpu.dma_semaphore, #tpu.memory_space<semaphore_mem>>
        %dma_start3A_96 = arith.constant 0 : i32
        %dma_start3A_97 = tpu.memref_slice %arg7[%mul3A_4, %dma_start3A_96] : memref<10240x16xf32, #tpu.memory_space<hbm>> -> memref<640x16xf32, #tpu.memory_space<hbm>>
        %dma_start3A_98 = arith.constant 0 : i32
        %dma_start3A_99 = tpu.memref_slice %arg7[%mul3A_4, %dma_start3A_98] : memref<10240x16xf32, #tpu.memory_space<hbm>> -> memref<640x16xf32, #tpu.memory_space<hbm>>
        tpu.enqueue_dma source(%arg15 : memref<640x16xf32, #tpu.memory_space<vmem>>) target(%dma_start3A_99 : memref<640x16xf32, #tpu.memory_space<hbm>>) target_semaphore(%run_scoped3A : memref<!tpu.dma_semaphore, #tpu.memory_space<semaphore_mem>>)
        %dma_wait3A_100 = arith.constant 0 : i32
        %dma_wait3A_101 = tpu.memref_slice %arg7[%mul3A_4, %dma_wait3A_100] : memref<10240x16xf32, #tpu.memory_space<hbm>> -> memref<640x16xf32, #tpu.memory_space<hbm>>
        %dma_wait3A_102 = arith.constant 0 : i32
        %dma_wait3A_103 = tpu.memref_slice %arg7[%mul3A_4, %dma_wait3A_102] : memref<10240x16xf32, #tpu.memory_space<hbm>> -> memref<640x16xf32, #tpu.memory_space<hbm>>
        tpu.wait_dma2 semaphore(%run_scoped3A : memref<!tpu.dma_semaphore, #tpu.memory_space<semaphore_mem>>) src(%arg15 : memref<640x16xf32, #tpu.memory_space<vmem>>) dst(%dma_wait3A_103 : memref<640x16xf32, #tpu.memory_space<hbm>>)
        tpu.yield
      }) : () -> ()
      "tpu.region"() ({
        %run_scoped3A = tpu.sem_alloc : memref<!tpu.dma_semaphore, #tpu.memory_space<semaphore_mem>>
        %dma_start3A_96 = arith.constant 0 : i32
        %dma_start3A_97 = tpu.memref_slice %arg8[%mul3A_4, %dma_start3A_96] : memref<10240x16xf32, #tpu.memory_space<hbm>> -> memref<640x16xf32, #tpu.memory_space<hbm>>
        %dma_start3A_98 = arith.constant 0 : i32
        %dma_start3A_99 = tpu.memref_slice %arg8[%mul3A_4, %dma_start3A_98] : memref<10240x16xf32, #tpu.memory_space<hbm>> -> memref<640x16xf32, #tpu.memory_space<hbm>>
        tpu.enqueue_dma source(%arg16 : memref<640x16xf32, #tpu.memory_space<vmem>>) target(%dma_start3A_99 : memref<640x16xf32, #tpu.memory_space<hbm>>) target_semaphore(%run_scoped3A : memref<!tpu.dma_semaphore, #tpu.memory_space<semaphore_mem>>)
        %dma_wait3A_100 = arith.constant 0 : i32
        %dma_wait3A_101 = tpu.memref_slice %arg8[%mul3A_4, %dma_wait3A_100] : memref<10240x16xf32, #tpu.memory_space<hbm>> -> memref<640x16xf32, #tpu.memory_space<hbm>>
        %dma_wait3A_102 = arith.constant 0 : i32
        %dma_wait3A_103 = tpu.memref_slice %arg8[%mul3A_4, %dma_wait3A_102] : memref<10240x16xf32, #tpu.memory_space<hbm>> -> memref<640x16xf32, #tpu.memory_space<hbm>>
        tpu.wait_dma2 semaphore(%run_scoped3A : memref<!tpu.dma_semaphore, #tpu.memory_space<semaphore_mem>>) src(%arg16 : memref<640x16xf32, #tpu.memory_space<vmem>>) dst(%dma_wait3A_103 : memref<640x16xf32, #tpu.memory_space<hbm>>)
        tpu.yield
      }) : () -> ()
    } else {
    }
    %barrier3A = arith.constant 0 : index
    tpu.barrier barrier_id(%barrier3A)
    %scan3A_74 = arith.constant 0 : i32
    %scan3A_75 = arith.constant 0 : i32
    %scan3A_76 = arith.constant 4 : i32
    %scan3A_77 = arith.addi %scan3A_75, %scan3A_76 : i32
    %scan3A_78 = arith.constant 1 : i32
    scf.for %scan3A_96 = %scan3A_75 to %scan3A_77 step %scan3A_78  : i32 {
      %dma_start3A_97 = arith.constant 0 : i32
      %dma_start3A_98 = arith.constant 0 : i32
      %dma_start3A_99 = tpu.memref_slice %arg11[%scan3A_96, %dma_start3A_97, %dma_start3A_98] : memref<8x128x16xf32, #tpu.memory_space<vmem>> -> memref<1x128x16xf32, #tpu.memory_space<vmem>>
      %dma_start3A_100 = tpu.memref_squeeze %dma_start3A_99 : memref<1x128x16xf32, #tpu.memory_space<vmem>> -> memref<128x16xf32, #tpu.memory_space<vmem>>
      %dma_start3A_101 = arith.constant 0 : i32
      %dma_start3A_102 = tpu.memref_slice %arg9[%scan3A_96, %dma_start3A_101] : memref<82x128xi32, #tpu.memory_space<vmem>> -> memref<1x128xi32, #tpu.memory_space<vmem>>
      %dma_start3A_103 = tpu.memref_squeeze %dma_start3A_102 : memref<1x128xi32, #tpu.memory_space<vmem>> -> memref<128xi32, #tpu.memory_space<vmem>>
      %dma_start3A_104 = arith.constant 0 : i32
      %dma_start3A_105 = arith.constant 0 : i32
      %dma_start3A_106 = tpu.memref_slice %arg18[%dma_start3A_104, %dma_start3A_105] : memref<10240x16xf32, #tpu.memory_space<vmem_shared>> -> memref<10240x16xf32, #tpu.memory_space<vmem_shared>>
      tpu.enqueue_indirect_dma source(%dma_start3A_106 : memref<10240x16xf32, #tpu.memory_space<vmem_shared>>) target(%dma_start3A_100 : memref<128x16xf32, #tpu.memory_space<vmem>>) offsets(%dma_start3A_103 : memref<128xi32, #tpu.memory_space<vmem>>) semaphore(%arg19 : memref<!tpu.dma_semaphore, #tpu.memory_space<semaphore_mem>>)
    }
    %scan3A_79 = arith.constant 4 : i32
    %while3A = arith.constant 0 : i32
    %while3A_80 = arith.constant 0 : i32
    %while3A_81 = arith.subi %select_n3A, %while3A_80 : i32
    %while3A_82 = arith.addi %while3A_80, %while3A_81 : i32
    %while3A_83 = arith.constant 1 : i32
    %while3A_84 = arith.divsi %while3A_81, %while3A_83 : i32
    %while3A_85 = arith.muli %while3A_84, %while3A_83 : i32
    %while3A_86 = arith.addi %while3A_80, %while3A_85 : i32
    %while3A_87 = arith.constant 1 : i32
    scf.for %while3A_96 = %while3A_80 to %while3A_86 step %while3A_87  : i32 {
      %rem3A = arith.constant 8 : i32
      %rem3A_97 = arith.remsi %while3A_96, %rem3A : i32
      %dma_wait3A_98 = arith.constant 0 : i32
      %dma_wait3A_99 = arith.constant 0 : i32
      %dma_wait3A_100 = tpu.memref_slice %arg11[%rem3A_97, %dma_wait3A_98, %dma_wait3A_99] : memref<8x128x16xf32, #tpu.memory_space<vmem>> -> memref<1x128x16xf32, #tpu.memory_space<vmem>>
      %dma_wait3A_101 = tpu.memref_squeeze %dma_wait3A_100 : memref<1x128x16xf32, #tpu.memory_space<vmem>> -> memref<128x16xf32, #tpu.memory_space<vmem>>
      %dma_wait3A_102 = arith.constant 0 : i32
      %dma_wait3A_103 = tpu.memref_slice %arg9[%while3A_96, %dma_wait3A_102] : memref<82x128xi32, #tpu.memory_space<vmem>> -> memref<1x128xi32, #tpu.memory_space<vmem>>
      %dma_wait3A_104 = tpu.memref_squeeze %dma_wait3A_103 : memref<1x128xi32, #tpu.memory_space<vmem>> -> memref<128xi32, #tpu.memory_space<vmem>>
      %dma_wait3A_105 = arith.constant 0 : i32
      %dma_wait3A_106 = arith.constant 0 : i32
      %dma_wait3A_107 = tpu.memref_slice %arg18[%dma_wait3A_105, %dma_wait3A_106] : memref<10240x16xf32, #tpu.memory_space<vmem_shared>> -> memref<10240x16xf32, #tpu.memory_space<vmem_shared>>
      tpu.wait_indirect_dma semaphore(%arg19 : memref<!tpu.dma_semaphore, #tpu.memory_space<semaphore_mem>>) src(%dma_wait3A_107 : memref<10240x16xf32, #tpu.memory_space<vmem_shared>>) dst(%dma_wait3A_101 : memref<128x16xf32, #tpu.memory_space<vmem>>)
      %dma_start3A_108 = arith.constant 0 : i32
      %dma_start3A_109 = arith.constant 0 : i32
      %dma_start3A_110 = tpu.memref_slice %arg11[%rem3A_97, %dma_start3A_108, %dma_start3A_109] : memref<8x128x16xf32, #tpu.memory_space<vmem>> -> memref<1x128x16xf32, #tpu.memory_space<vmem>>
      %dma_start3A_111 = tpu.memref_squeeze %dma_start3A_110 : memref<1x128x16xf32, #tpu.memory_space<vmem>> -> memref<128x16xf32, #tpu.memory_space<vmem>>
      %dma_start3A_112 = arith.constant 0 : i32
      %dma_start3A_113 = tpu.memref_slice %arg10[%while3A_96, %dma_start3A_112] : memref<82x128xi32, #tpu.memory_space<vmem>> -> memref<1x128xi32, #tpu.memory_space<vmem>>
      %dma_start3A_114 = tpu.memref_squeeze %dma_start3A_113 : memref<1x128xi32, #tpu.memory_space<vmem>> -> memref<128xi32, #tpu.memory_space<vmem>>
      %dma_start3A_115 = arith.constant 0 : i32
      %dma_start3A_116 = arith.constant 0 : i32
      %dma_start3A_117 = tpu.memref_slice %arg17[%dma_start3A_115, %dma_start3A_116] : memref<10240x16xf32, #tpu.memory_space<vmem_shared>> -> memref<10240x16xf32, #tpu.memory_space<vmem_shared>>
      tpu.enqueue_indirect_dma source(%dma_start3A_111 : memref<128x16xf32, #tpu.memory_space<vmem>>) target(%dma_start3A_117 : memref<10240x16xf32, #tpu.memory_space<vmem_shared>>) offsets(%dma_start3A_114 : memref<128xi32, #tpu.memory_space<vmem>>) semaphore(%arg20 : memref<!tpu.dma_semaphore, #tpu.memory_space<semaphore_mem>>) {add = true}
      %ge3A = arith.constant 4 : i32
      %ge3A_118 = arith.cmpi sge, %while3A_96, %ge3A : i32
      %convert_element_type3A_119 = arith.extui %ge3A_118 : i1 to i32
      %cond3A_120 = arith.constant 0 : i32
      %cond3A_121 = arith.cmpi ne, %convert_element_type3A_119, %cond3A_120 : i32
      scf.if %cond3A_121 {
        %dma_wait3A_127 = arith.constant 0 : i32
        %dma_wait3A_128 = arith.constant 0 : i32
        %dma_wait3A_129 = arith.constant 0 : i32
        %dma_wait3A_130 = tpu.memref_slice %arg11[%rem3A_97, %dma_wait3A_128, %dma_wait3A_129] : memref<8x128x16xf32, #tpu.memory_space<vmem>> -> memref<1x128x16xf32, #tpu.memory_space<vmem>>
        %dma_wait3A_131 = tpu.memref_squeeze %dma_wait3A_130 : memref<1x128x16xf32, #tpu.memory_space<vmem>> -> memref<128x16xf32, #tpu.memory_space<vmem>>
        %dma_wait3A_132 = arith.constant 0 : i32
        %dma_wait3A_133 = tpu.memref_slice %arg10[%dma_wait3A_127, %dma_wait3A_132] : memref<82x128xi32, #tpu.memory_space<vmem>> -> memref<1x128xi32, #tpu.memory_space<vmem>>
        %dma_wait3A_134 = tpu.memref_squeeze %dma_wait3A_133 : memref<1x128xi32, #tpu.memory_space<vmem>> -> memref<128xi32, #tpu.memory_space<vmem>>
        %dma_wait3A_135 = arith.constant 0 : i32
        %dma_wait3A_136 = arith.constant 0 : i32
        %dma_wait3A_137 = tpu.memref_slice %arg17[%dma_wait3A_135, %dma_wait3A_136] : memref<10240x16xf32, #tpu.memory_space<vmem_shared>> -> memref<10240x16xf32, #tpu.memory_space<vmem_shared>>
        tpu.wait_indirect_dma semaphore(%arg20 : memref<!tpu.dma_semaphore, #tpu.memory_space<semaphore_mem>>) src(%dma_wait3A_131 : memref<128x16xf32, #tpu.memory_space<vmem>>) dst(%dma_wait3A_137 : memref<10240x16xf32, #tpu.memory_space<vmem_shared>>)
      } else {
      }
      %add3A_122 = arith.constant 4 : i32
      %add3A_123 = arith.addi %while3A_96, %add3A_122 : i32
      %lt3A = arith.cmpi slt, %add3A_123, %select_n3A : i32
      %convert_element_type3A_124 = arith.extui %lt3A : i1 to i32
      %cond3A_125 = arith.constant 0 : i32
      %cond3A_126 = arith.cmpi ne, %convert_element_type3A_124, %cond3A_125 : i32
      scf.if %cond3A_126 {
        %add3A_127 = arith.constant 4 : i32
        %add3A_128 = arith.addi %while3A_96, %add3A_127 : i32
        %add3A_129 = arith.constant 4 : i32
        %add3A_130 = arith.addi %while3A_96, %add3A_129 : i32
        %rem3A_131 = arith.constant 8 : i32
        %rem3A_132 = arith.remsi %add3A_130, %rem3A_131 : i32
        %dma_start3A_133 = arith.constant 0 : i32
        %dma_start3A_134 = arith.constant 0 : i32
        %dma_start3A_135 = tpu.memref_slice %arg11[%rem3A_132, %dma_start3A_133, %dma_start3A_134] : memref<8x128x16xf32, #tpu.memory_space<vmem>> -> memref<1x128x16xf32, #tpu.memory_space<vmem>>
        %dma_start3A_136 = tpu.memref_squeeze %dma_start3A_135 : memref<1x128x16xf32, #tpu.memory_space<vmem>> -> memref<128x16xf32, #tpu.memory_space<vmem>>
        %dma_start3A_137 = arith.constant 0 : i32
        %dma_start3A_138 = tpu.memref_slice %arg9[%add3A_128, %dma_start3A_137] : memref<82x128xi32, #tpu.memory_space<vmem>> -> memref<1x128xi32, #tpu.memory_space<vmem>>
        %dma_start3A_139 = tpu.memref_squeeze %dma_start3A_138 : memref<1x128xi32, #tpu.memory_space<vmem>> -> memref<128xi32, #tpu.memory_space<vmem>>
        %dma_start3A_140 = arith.constant 0 : i32
        %dma_start3A_141 = arith.constant 0 : i32
        %dma_start3A_142 = tpu.memref_slice %arg18[%dma_start3A_140, %dma_start3A_141] : memref<10240x16xf32, #tpu.memory_space<vmem_shared>> -> memref<10240x16xf32, #tpu.memory_space<vmem_shared>>
        tpu.enqueue_indirect_dma source(%dma_start3A_142 : memref<10240x16xf32, #tpu.memory_space<vmem_shared>>) target(%dma_start3A_136 : memref<128x16xf32, #tpu.memory_space<vmem>>) offsets(%dma_start3A_139 : memref<128xi32, #tpu.memory_space<vmem>>) semaphore(%arg19 : memref<!tpu.dma_semaphore, #tpu.memory_space<semaphore_mem>>)
      } else {
      }
    }
    %while3A_88 = arith.constant 1 : i32
    scf.for %while3A_96 = %while3A_86 to %while3A_82 step %while3A_88  : i32 {
      %rem3A = arith.constant 8 : i32
      %rem3A_97 = arith.remsi %while3A_96, %rem3A : i32
      %dma_wait3A_98 = arith.constant 0 : i32
      %dma_wait3A_99 = arith.constant 0 : i32
      %dma_wait3A_100 = tpu.memref_slice %arg11[%rem3A_97, %dma_wait3A_98, %dma_wait3A_99] : memref<8x128x16xf32, #tpu.memory_space<vmem>> -> memref<1x128x16xf32, #tpu.memory_space<vmem>>
      %dma_wait3A_101 = tpu.memref_squeeze %dma_wait3A_100 : memref<1x128x16xf32, #tpu.memory_space<vmem>> -> memref<128x16xf32, #tpu.memory_space<vmem>>
      %dma_wait3A_102 = arith.constant 0 : i32
      %dma_wait3A_103 = tpu.memref_slice %arg9[%while3A_96, %dma_wait3A_102] : memref<82x128xi32, #tpu.memory_space<vmem>> -> memref<1x128xi32, #tpu.memory_space<vmem>>
      %dma_wait3A_104 = tpu.memref_squeeze %dma_wait3A_103 : memref<1x128xi32, #tpu.memory_space<vmem>> -> memref<128xi32, #tpu.memory_space<vmem>>
      %dma_wait3A_105 = arith.constant 0 : i32
      %dma_wait3A_106 = arith.constant 0 : i32
      %dma_wait3A_107 = tpu.memref_slice %arg18[%dma_wait3A_105, %dma_wait3A_106] : memref<10240x16xf32, #tpu.memory_space<vmem_shared>> -> memref<10240x16xf32, #tpu.memory_space<vmem_shared>>
      tpu.wait_indirect_dma semaphore(%arg19 : memref<!tpu.dma_semaphore, #tpu.memory_space<semaphore_mem>>) src(%dma_wait3A_107 : memref<10240x16xf32, #tpu.memory_space<vmem_shared>>) dst(%dma_wait3A_101 : memref<128x16xf32, #tpu.memory_space<vmem>>)
      %dma_start3A_108 = arith.constant 0 : i32
      %dma_start3A_109 = arith.constant 0 : i32
      %dma_start3A_110 = tpu.memref_slice %arg11[%rem3A_97, %dma_start3A_108, %dma_start3A_109] : memref<8x128x16xf32, #tpu.memory_space<vmem>> -> memref<1x128x16xf32, #tpu.memory_space<vmem>>
      %dma_start3A_111 = tpu.memref_squeeze %dma_start3A_110 : memref<1x128x16xf32, #tpu.memory_space<vmem>> -> memref<128x16xf32, #tpu.memory_space<vmem>>
      %dma_start3A_112 = arith.constant 0 : i32
      %dma_start3A_113 = tpu.memref_slice %arg10[%while3A_96, %dma_start3A_112] : memref<82x128xi32, #tpu.memory_space<vmem>> -> memref<1x128xi32, #tpu.memory_space<vmem>>
      %dma_start3A_114 = tpu.memref_squeeze %dma_start3A_113 : memref<1x128xi32, #tpu.memory_space<vmem>> -> memref<128xi32, #tpu.memory_space<vmem>>
      %dma_start3A_115 = arith.constant 0 : i32
      %dma_start3A_116 = arith.constant 0 : i32
      %dma_start3A_117 = tpu.memref_slice %arg17[%dma_start3A_115, %dma_start3A_116] : memref<10240x16xf32, #tpu.memory_space<vmem_shared>> -> memref<10240x16xf32, #tpu.memory_space<vmem_shared>>
      tpu.enqueue_indirect_dma source(%dma_start3A_111 : memref<128x16xf32, #tpu.memory_space<vmem>>) target(%dma_start3A_117 : memref<10240x16xf32, #tpu.memory_space<vmem_shared>>) offsets(%dma_start3A_114 : memref<128xi32, #tpu.memory_space<vmem>>) semaphore(%arg20 : memref<!tpu.dma_semaphore, #tpu.memory_space<semaphore_mem>>) {add = true}
      %ge3A = arith.constant 4 : i32
      %ge3A_118 = arith.cmpi sge, %while3A_96, %ge3A : i32
      %convert_element_type3A_119 = arith.extui %ge3A_118 : i1 to i32
      %cond3A_120 = arith.constant 0 : i32
      %cond3A_121 = arith.cmpi ne, %convert_element_type3A_119, %cond3A_120 : i32
      scf.if %cond3A_121 {
        %dma_wait3A_127 = arith.constant 0 : i32
        %dma_wait3A_128 = arith.constant 0 : i32
        %dma_wait3A_129 = arith.constant 0 : i32
        %dma_wait3A_130 = tpu.memref_slice %arg11[%rem3A_97, %dma_wait3A_128, %dma_wait3A_129] : memref<8x128x16xf32, #tpu.memory_space<vmem>> -> memref<1x128x16xf32, #tpu.memory_space<vmem>>
        %dma_wait3A_131 = tpu.memref_squeeze %dma_wait3A_130 : memref<1x128x16xf32, #tpu.memory_space<vmem>> -> memref<128x16xf32, #tpu.memory_space<vmem>>
        %dma_wait3A_132 = arith.constant 0 : i32
        %dma_wait3A_133 = tpu.memref_slice %arg10[%dma_wait3A_127, %dma_wait3A_132] : memref<82x128xi32, #tpu.memory_space<vmem>> -> memref<1x128xi32, #tpu.memory_space<vmem>>
        %dma_wait3A_134 = tpu.memref_squeeze %dma_wait3A_133 : memref<1x128xi32, #tpu.memory_space<vmem>> -> memref<128xi32, #tpu.memory_space<vmem>>
        %dma_wait3A_135 = arith.constant 0 : i32
        %dma_wait3A_136 = arith.constant 0 : i32
        %dma_wait3A_137 = tpu.memref_slice %arg17[%dma_wait3A_135, %dma_wait3A_136] : memref<10240x16xf32, #tpu.memory_space<vmem_shared>> -> memref<10240x16xf32, #tpu.memory_space<vmem_shared>>
        tpu.wait_indirect_dma semaphore(%arg20 : memref<!tpu.dma_semaphore, #tpu.memory_space<semaphore_mem>>) src(%dma_wait3A_131 : memref<128x16xf32, #tpu.memory_space<vmem>>) dst(%dma_wait3A_137 : memref<10240x16xf32, #tpu.memory_space<vmem_shared>>)
      } else {
      }
      %add3A_122 = arith.constant 4 : i32
      %add3A_123 = arith.addi %while3A_96, %add3A_122 : i32
      %lt3A = arith.cmpi slt, %add3A_123, %select_n3A : i32
      %convert_element_type3A_124 = arith.extui %lt3A : i1 to i32
      %cond3A_125 = arith.constant 0 : i32
      %cond3A_126 = arith.cmpi ne, %convert_element_type3A_124, %cond3A_125 : i32
      scf.if %cond3A_126 {
        %add3A_127 = arith.constant 4 : i32
        %add3A_128 = arith.addi %while3A_96, %add3A_127 : i32
        %add3A_129 = arith.constant 4 : i32
        %add3A_130 = arith.addi %while3A_96, %add3A_129 : i32
        %rem3A_131 = arith.constant 8 : i32
        %rem3A_132 = arith.remsi %add3A_130, %rem3A_131 : i32
        %dma_start3A_133 = arith.constant 0 : i32
        %dma_start3A_134 = arith.constant 0 : i32
        %dma_start3A_135 = tpu.memref_slice %arg11[%rem3A_132, %dma_start3A_133, %dma_start3A_134] : memref<8x128x16xf32, #tpu.memory_space<vmem>> -> memref<1x128x16xf32, #tpu.memory_space<vmem>>
        %dma_start3A_136 = tpu.memref_squeeze %dma_start3A_135 : memref<1x128x16xf32, #tpu.memory_space<vmem>> -> memref<128x16xf32, #tpu.memory_space<vmem>>
        %dma_start3A_137 = arith.constant 0 : i32
        %dma_start3A_138 = tpu.memref_slice %arg9[%add3A_128, %dma_start3A_137] : memref<82x128xi32, #tpu.memory_space<vmem>> -> memref<1x128xi32, #tpu.memory_space<vmem>>
        %dma_start3A_139 = tpu.memref_squeeze %dma_start3A_138 : memref<1x128xi32, #tpu.memory_space<vmem>> -> memref<128xi32, #tpu.memory_space<vmem>>
        %dma_start3A_140 = arith.constant 0 : i32
        %dma_start3A_141 = arith.constant 0 : i32
        %dma_start3A_142 = tpu.memref_slice %arg18[%dma_start3A_140, %dma_start3A_141] : memref<10240x16xf32, #tpu.memory_space<vmem_shared>> -> memref<10240x16xf32, #tpu.memory_space<vmem_shared>>
        tpu.enqueue_indirect_dma source(%dma_start3A_142 : memref<10240x16xf32, #tpu.memory_space<vmem_shared>>) target(%dma_start3A_136 : memref<128x16xf32, #tpu.memory_space<vmem>>) offsets(%dma_start3A_139 : memref<128xi32, #tpu.memory_space<vmem>>) semaphore(%arg19 : memref<!tpu.dma_semaphore, #tpu.memory_space<semaphore_mem>>)
      } else {
      }
    }
    %scan3A_89 = arith.constant 0 : i32
    %scan3A_90 = arith.constant 0 : i32
    %scan3A_91 = arith.constant 4 : i32
    %scan3A_92 = arith.addi %scan3A_90, %scan3A_91 : i32
    %scan3A_93 = arith.constant 1 : i32
    scf.for %scan3A_96 = %scan3A_90 to %scan3A_92 step %scan3A_93  : i32 {
      %dma_wait3A_97 = arith.constant 0 : i32
      %dma_wait3A_98 = arith.constant 0 : i32
      %dma_wait3A_99 = arith.constant 0 : i32
      %dma_wait3A_100 = tpu.memref_slice %arg11[%scan3A_96, %dma_wait3A_98, %dma_wait3A_99] : memref<8x128x16xf32, #tpu.memory_space<vmem>> -> memref<1x128x16xf32, #tpu.memory_space<vmem>>
      %dma_wait3A_101 = tpu.memref_squeeze %dma_wait3A_100 : memref<1x128x16xf32, #tpu.memory_space<vmem>> -> memref<128x16xf32, #tpu.memory_space<vmem>>
      %dma_wait3A_102 = arith.constant 0 : i32
      %dma_wait3A_103 = tpu.memref_slice %arg10[%dma_wait3A_97, %dma_wait3A_102] : memref<82x128xi32, #tpu.memory_space<vmem>> -> memref<1x128xi32, #tpu.memory_space<vmem>>
      %dma_wait3A_104 = tpu.memref_squeeze %dma_wait3A_103 : memref<1x128xi32, #tpu.memory_space<vmem>> -> memref<128xi32, #tpu.memory_space<vmem>>
      %dma_wait3A_105 = arith.constant 0 : i32
      %dma_wait3A_106 = arith.constant 0 : i32
      %dma_wait3A_107 = tpu.memref_slice %arg17[%dma_wait3A_105, %dma_wait3A_106] : memref<10240x16xf32, #tpu.memory_space<vmem_shared>> -> memref<10240x16xf32, #tpu.memory_space<vmem_shared>>
      tpu.wait_indirect_dma semaphore(%arg20 : memref<!tpu.dma_semaphore, #tpu.memory_space<semaphore_mem>>) src(%dma_wait3A_101 : memref<128x16xf32, #tpu.memory_space<vmem>>) dst(%dma_wait3A_107 : memref<10240x16xf32, #tpu.memory_space<vmem_shared>>)
    }
    %scan3A_94 = arith.constant 4 : i32
    %barrier3A_95 = arith.constant 0 : index
    tpu.barrier barrier_id(%barrier3A_95)
    "tpu.region"() ({
      %run_scoped3A = tpu.sem_alloc : memref<!tpu.dma_semaphore, #tpu.memory_space<semaphore_mem>>
      %dma_start3A_96 = arith.constant 0 : i32
      %dma_start3A_97 = tpu.memref_slice %arg6[%arg0, %mul3A_4, %dma_start3A_96] : memref<2x10240x16xf32, #tpu.memory_space<hbm>> -> memref<1x640x16xf32, #tpu.memory_space<hbm>>
      %dma_start3A_98 = tpu.memref_squeeze %dma_start3A_97 : memref<1x640x16xf32, #tpu.memory_space<hbm>> -> memref<640x16xf32, #tpu.memory_space<hbm>>
      %dma_start3A_99 = arith.constant 0 : i32
      %dma_start3A_100 = tpu.memref_slice %arg17[%mul3A_4, %dma_start3A_99] : memref<10240x16xf32, #tpu.memory_space<vmem_shared>> -> memref<640x16xf32, #tpu.memory_space<vmem_shared>>
      tpu.enqueue_dma source(%dma_start3A_100 : memref<640x16xf32, #tpu.memory_space<vmem_shared>>) target(%dma_start3A_98 : memref<640x16xf32, #tpu.memory_space<hbm>>) target_semaphore(%run_scoped3A : memref<!tpu.dma_semaphore, #tpu.memory_space<semaphore_mem>>)
      %dma_wait3A_101 = arith.constant 0 : i32
      %dma_wait3A_102 = tpu.memref_slice %arg6[%arg0, %mul3A_4, %dma_wait3A_101] : memref<2x10240x16xf32, #tpu.memory_space<hbm>> -> memref<1x640x16xf32, #tpu.memory_space<hbm>>
      %dma_wait3A_103 = tpu.memref_squeeze %dma_wait3A_102 : memref<1x640x16xf32, #tpu.memory_space<hbm>> -> memref<640x16xf32, #tpu.memory_space<hbm>>
      %dma_wait3A_104 = arith.constant 0 : i32
      %dma_wait3A_105 = tpu.memref_slice %arg17[%mul3A_4, %dma_wait3A_104] : memref<10240x16xf32, #tpu.memory_space<vmem_shared>> -> memref<640x16xf32, #tpu.memory_space<vmem_shared>>
      tpu.wait_dma2 semaphore(%run_scoped3A : memref<!tpu.dma_semaphore, #tpu.memory_space<semaphore_mem>>) src(%dma_wait3A_105 : memref<640x16xf32, #tpu.memory_space<vmem_shared>>) dst(%dma_wait3A_103 : memref<640x16xf32, #tpu.memory_space<hbm>>)
      tpu.yield
    }) : () -> ()
    return
  }
}

#map = affine_map<(d0, d1) -> (0, 0, 0)>
#map1 = affine_map<(d0, d1) -> (0, 0)>
module attributes {stable_mosaic.version = 14 : i64} {
  func.func @_sc_pass2(%arg0: i32, %arg1: i32, %arg2: memref<2x2500x128xi32, #tpu.memory_space<hbm>>, %arg3: memref<10240x16xf32, #tpu.memory_space<hbm>>, %arg4: memref<10240x16xf32, #tpu.memory_space<hbm>>, %arg5: memref<2x10240x16xf32, #tpu.memory_space<hbm>>, %arg6: memref<10240x16xf32, #tpu.memory_space<hbm>>, %arg7: memref<2x10240x16xf32, #tpu.memory_space<hbm>>, %arg8: memref<10240x16xf32, #tpu.memory_space<hbm>>, %arg9: memref<82x128xi32, #tpu.memory_space<vmem>>, %arg10: memref<82x128xi32, #tpu.memory_space<vmem>>, %arg11: memref<8x128x16xf32, #tpu.memory_space<vmem>>, %arg12: memref<640x16xf32, #tpu.memory_space<vmem>>, %arg13: memref<640x16xf32, #tpu.memory_space<vmem>>, %arg14: memref<640x16xf32, #tpu.memory_space<vmem>>, %arg15: memref<640x16xf32, #tpu.memory_space<vmem>>, %arg16: memref<640x16xf32, #tpu.memory_space<vmem>>, %arg17: memref<10240x16xf32, #tpu.memory_space<vmem_shared>>, %arg18: memref<10240x16xf32, #tpu.memory_space<vmem_shared>>, %arg19: memref<!tpu.dma_semaphore, #tpu.memory_space<semaphore_mem>>, %arg20: memref<!tpu.dma_semaphore, #tpu.memory_space<semaphore_mem>>) attributes {dimension_semantics = [#tpu.dimension_semantics<core_parallel>, #tpu.dimension_semantics<subcore_parallel>], iteration_bounds = array<i64: 2, 16>, scalar_prefetch = 0 : i64, scratch_operands = 12 : i64, tpu.core_type = #tpu.core_type<sc_vector_subcore>, window_params = [{transform_indices = #map}, {transform_indices = #map1}, {transform_indices = #map1}, {transform_indices = #map}, {transform_indices = #map1}, {transform_indices = #map}, {transform_indices = #map1}]} {
    %mul3A = arith.constant 16 : i32
    %mul3A_0 = arith.muli %arg0, %mul3A : i32
    %add3A = arith.addi %mul3A_0, %arg1 : i32
    %eq3A = arith.constant 31 : i32
    %eq3A_1 = arith.cmpi eq, %add3A, %eq3A : i32
    %jit3A = arith.constant 82 : i32
    %jit3A_2 = arith.constant 78 : i32
    %select_n3A = arith.select %eq3A_1, %jit3A, %jit3A_2 : i32
    %mul3A_3 = arith.constant 640 : i32
    %mul3A_4 = arith.muli %arg1, %mul3A_3 : i32
    %dma_start3A = arith.constant 0 : i32
    %dma_start3A_5 = tpu.memref_slice %arg17[%mul3A_4, %dma_start3A] : memref<10240x16xf32, #tpu.memory_space<vmem_shared>> -> memref<640x16xf32, #tpu.memory_space<vmem_shared>>
    %dma_start3A_6 = arith.constant 0 : i32
    %dma_start3A_7 = tpu.memref_slice %arg6[%mul3A_4, %dma_start3A_6] : memref<10240x16xf32, #tpu.memory_space<hbm>> -> memref<640x16xf32, #tpu.memory_space<hbm>>
    tpu.enqueue_dma source(%dma_start3A_7 : memref<640x16xf32, #tpu.memory_space<hbm>>) target(%dma_start3A_5 : memref<640x16xf32, #tpu.memory_space<vmem_shared>>) target_semaphore(%arg19 : memref<!tpu.dma_semaphore, #tpu.memory_space<semaphore_mem>>)
    %dma_start3A_8 = arith.constant 0 : i32
    %dma_start3A_9 = arith.constant 0 : i32
    %dma_start3A_10 = tpu.memref_slice %arg5[%dma_start3A_8, %mul3A_4, %dma_start3A_9] : memref<2x10240x16xf32, #tpu.memory_space<hbm>> -> memref<1x640x16xf32, #tpu.memory_space<hbm>>
    %dma_start3A_11 = tpu.memref_squeeze %dma_start3A_10 : memref<1x640x16xf32, #tpu.memory_space<hbm>> -> memref<640x16xf32, #tpu.memory_space<hbm>>
    %dma_start3A_12 = arith.constant 0 : i32
    %dma_start3A_13 = tpu.memref_slice %arg5[%dma_start3A_8, %mul3A_4, %dma_start3A_12] : memref<2x10240x16xf32, #tpu.memory_space<hbm>> -> memref<1x640x16xf32, #tpu.memory_space<hbm>>
    %dma_start3A_14 = tpu.memref_squeeze %dma_start3A_13 : memref<1x640x16xf32, #tpu.memory_space<hbm>> -> memref<640x16xf32, #tpu.memory_space<hbm>>
    tpu.enqueue_dma source(%dma_start3A_14 : memref<640x16xf32, #tpu.memory_space<hbm>>) target(%arg12 : memref<640x16xf32, #tpu.memory_space<vmem>>) target_semaphore(%arg19 : memref<!tpu.dma_semaphore, #tpu.memory_space<semaphore_mem>>)
    %dma_start3A_15 = arith.constant 1 : i32
    %dma_start3A_16 = arith.constant 0 : i32
    %dma_start3A_17 = tpu.memref_slice %arg5[%dma_start3A_15, %mul3A_4, %dma_start3A_16] : memref<2x10240x16xf32, #tpu.memory_space<hbm>> -> memref<1x640x16xf32, #tpu.memory_space<hbm>>
    %dma_start3A_18 = tpu.memref_squeeze %dma_start3A_17 : memref<1x640x16xf32, #tpu.memory_space<hbm>> -> memref<640x16xf32, #tpu.memory_space<hbm>>
    %dma_start3A_19 = arith.constant 0 : i32
    %dma_start3A_20 = tpu.memref_slice %arg5[%dma_start3A_15, %mul3A_4, %dma_start3A_19] : memref<2x10240x16xf32, #tpu.memory_space<hbm>> -> memref<1x640x16xf32, #tpu.memory_space<hbm>>
    %dma_start3A_21 = tpu.memref_squeeze %dma_start3A_20 : memref<1x640x16xf32, #tpu.memory_space<hbm>> -> memref<640x16xf32, #tpu.memory_space<hbm>>
    tpu.enqueue_dma source(%dma_start3A_21 : memref<640x16xf32, #tpu.memory_space<hbm>>) target(%arg13 : memref<640x16xf32, #tpu.memory_space<vmem>>) target_semaphore(%arg19 : memref<!tpu.dma_semaphore, #tpu.memory_space<semaphore_mem>>)
    %dma_start3A_22 = arith.constant 0 : i32
    %dma_start3A_23 = tpu.memref_slice %arg4[%mul3A_4, %dma_start3A_22] : memref<10240x16xf32, #tpu.memory_space<hbm>> -> memref<640x16xf32, #tpu.memory_space<hbm>>
    %dma_start3A_24 = arith.constant 0 : i32
    %dma_start3A_25 = tpu.memref_slice %arg4[%mul3A_4, %dma_start3A_24] : memref<10240x16xf32, #tpu.memory_space<hbm>> -> memref<640x16xf32, #tpu.memory_space<hbm>>
    tpu.enqueue_dma source(%dma_start3A_25 : memref<640x16xf32, #tpu.memory_space<hbm>>) target(%arg14 : memref<640x16xf32, #tpu.memory_space<vmem>>) target_semaphore(%arg19 : memref<!tpu.dma_semaphore, #tpu.memory_space<semaphore_mem>>)
    %dma_start3A_26 = arith.constant 0 : i32
    %dma_start3A_27 = tpu.memref_slice %arg3[%mul3A_4, %dma_start3A_26] : memref<10240x16xf32, #tpu.memory_space<hbm>> -> memref<640x16xf32, #tpu.memory_space<hbm>>
    %dma_start3A_28 = arith.constant 0 : i32
    %dma_start3A_29 = tpu.memref_slice %arg3[%mul3A_4, %dma_start3A_28] : memref<10240x16xf32, #tpu.memory_space<hbm>> -> memref<640x16xf32, #tpu.memory_space<hbm>>
    tpu.enqueue_dma source(%dma_start3A_29 : memref<640x16xf32, #tpu.memory_space<hbm>>) target(%arg15 : memref<640x16xf32, #tpu.memory_space<vmem>>) target_semaphore(%arg19 : memref<!tpu.dma_semaphore, #tpu.memory_space<semaphore_mem>>)
    %eq3A_30 = arith.constant 31 : i32
    %eq3A_31 = arith.cmpi eq, %add3A, %eq3A_30 : i32
    %convert_element_type3A = arith.extui %eq3A_31 : i1 to i32
    %cond3A = arith.constant 0 : i32
    %cond3A_32 = arith.cmpi ne, %convert_element_type3A, %cond3A : i32
    scf.if %cond3A_32 {
      %run_scoped3A = arith.constant 0 : i32
      "tpu.region"() ({
        %run_scoped3A_104 = tpu.sem_alloc : memref<!tpu.dma_semaphore, #tpu.memory_space<semaphore_mem>>
        %dma_start3A_105 = arith.constant 2418 : i32
        %dma_start3A_106 = arith.constant 0 : i32
        %dma_start3A_107 = tpu.memref_slice %arg2[%run_scoped3A, %dma_start3A_105, %dma_start3A_106] : memref<2x2500x128xi32, #tpu.memory_space<hbm>> -> memref<1x82x128xi32, #tpu.memory_space<hbm>>
        %dma_start3A_108 = tpu.memref_squeeze %dma_start3A_107 : memref<1x82x128xi32, #tpu.memory_space<hbm>> -> memref<82x128xi32, #tpu.memory_space<hbm>>
        %dma_start3A_109 = arith.constant 2418 : i32
        %dma_start3A_110 = arith.constant 0 : i32
        %dma_start3A_111 = tpu.memref_slice %arg2[%run_scoped3A, %dma_start3A_109, %dma_start3A_110] : memref<2x2500x128xi32, #tpu.memory_space<hbm>> -> memref<1x82x128xi32, #tpu.memory_space<hbm>>
        %dma_start3A_112 = tpu.memref_squeeze %dma_start3A_111 : memref<1x82x128xi32, #tpu.memory_space<hbm>> -> memref<82x128xi32, #tpu.memory_space<hbm>>
        tpu.enqueue_dma source(%dma_start3A_112 : memref<82x128xi32, #tpu.memory_space<hbm>>) target(%arg9 : memref<82x128xi32, #tpu.memory_space<vmem>>) target_semaphore(%run_scoped3A_104 : memref<!tpu.dma_semaphore, #tpu.memory_space<semaphore_mem>>)
        %dma_wait3A_113 = arith.constant 2418 : i32
        %dma_wait3A_114 = arith.constant 0 : i32
        %dma_wait3A_115 = tpu.memref_slice %arg2[%run_scoped3A, %dma_wait3A_113, %dma_wait3A_114] : memref<2x2500x128xi32, #tpu.memory_space<hbm>> -> memref<1x82x128xi32, #tpu.memory_space<hbm>>
        %dma_wait3A_116 = tpu.memref_squeeze %dma_wait3A_115 : memref<1x82x128xi32, #tpu.memory_space<hbm>> -> memref<82x128xi32, #tpu.memory_space<hbm>>
        %dma_wait3A_117 = arith.constant 2418 : i32
        %dma_wait3A_118 = arith.constant 0 : i32
        %dma_wait3A_119 = tpu.memref_slice %arg2[%run_scoped3A, %dma_wait3A_117, %dma_wait3A_118] : memref<2x2500x128xi32, #tpu.memory_space<hbm>> -> memref<1x82x128xi32, #tpu.memory_space<hbm>>
        %dma_wait3A_120 = tpu.memref_squeeze %dma_wait3A_119 : memref<1x82x128xi32, #tpu.memory_space<hbm>> -> memref<82x128xi32, #tpu.memory_space<hbm>>
        tpu.wait_dma2 semaphore(%run_scoped3A_104 : memref<!tpu.dma_semaphore, #tpu.memory_space<semaphore_mem>>) src(%dma_wait3A_120 : memref<82x128xi32, #tpu.memory_space<hbm>>) dst(%arg9 : memref<82x128xi32, #tpu.memory_space<vmem>>)
        tpu.yield
      }) : () -> ()
    } else {
    }
    %ne3A = arith.constant 31 : i32
    %ne3A_33 = arith.cmpi ne, %add3A, %ne3A : i32
    %convert_element_type3A_34 = arith.extui %ne3A_33 : i1 to i32
    %cond3A_35 = arith.constant 0 : i32
    %cond3A_36 = arith.cmpi ne, %convert_element_type3A_34, %cond3A_35 : i32
    scf.if %cond3A_36 {
      %mul3A_104 = arith.constant 78 : i32
      %mul3A_105 = arith.muli %add3A, %mul3A_104 : i32
      %run_scoped3A = arith.constant 0 : i32
      "tpu.region"() ({
        %run_scoped3A_106 = tpu.sem_alloc : memref<!tpu.dma_semaphore, #tpu.memory_space<semaphore_mem>>
        %dma_start3A_107 = arith.constant 0 : i32
        %dma_start3A_108 = arith.constant 0 : i32
        %dma_start3A_109 = tpu.memref_slice %arg9[%dma_start3A_107, %dma_start3A_108] : memref<82x128xi32, #tpu.memory_space<vmem>> -> memref<78x128xi32, #tpu.memory_space<vmem>>
        %dma_start3A_110 = arith.constant 0 : i32
        %dma_start3A_111 = tpu.memref_slice %arg2[%run_scoped3A, %mul3A_105, %dma_start3A_110] : memref<2x2500x128xi32, #tpu.memory_space<hbm>> -> memref<1x78x128xi32, #tpu.memory_space<hbm>>
        %dma_start3A_112 = tpu.memref_squeeze %dma_start3A_111 : memref<1x78x128xi32, #tpu.memory_space<hbm>> -> memref<78x128xi32, #tpu.memory_space<hbm>>
        %dma_start3A_113 = arith.constant 0 : i32
        %dma_start3A_114 = arith.constant 0 : i32
        %dma_start3A_115 = tpu.memref_slice %arg9[%dma_start3A_113, %dma_start3A_114] : memref<82x128xi32, #tpu.memory_space<vmem>> -> memref<78x128xi32, #tpu.memory_space<vmem>>
        %dma_start3A_116 = arith.constant 0 : i32
        %dma_start3A_117 = tpu.memref_slice %arg2[%run_scoped3A, %mul3A_105, %dma_start3A_116] : memref<2x2500x128xi32, #tpu.memory_space<hbm>> -> memref<1x78x128xi32, #tpu.memory_space<hbm>>
        %dma_start3A_118 = tpu.memref_squeeze %dma_start3A_117 : memref<1x78x128xi32, #tpu.memory_space<hbm>> -> memref<78x128xi32, #tpu.memory_space<hbm>>
        tpu.enqueue_dma source(%dma_start3A_118 : memref<78x128xi32, #tpu.memory_space<hbm>>) target(%dma_start3A_115 : memref<78x128xi32, #tpu.memory_space<vmem>>) target_semaphore(%run_scoped3A_106 : memref<!tpu.dma_semaphore, #tpu.memory_space<semaphore_mem>>)
        %dma_wait3A_119 = arith.constant 0 : i32
        %dma_wait3A_120 = arith.constant 0 : i32
        %dma_wait3A_121 = tpu.memref_slice %arg9[%dma_wait3A_119, %dma_wait3A_120] : memref<82x128xi32, #tpu.memory_space<vmem>> -> memref<78x128xi32, #tpu.memory_space<vmem>>
        %dma_wait3A_122 = arith.constant 0 : i32
        %dma_wait3A_123 = tpu.memref_slice %arg2[%run_scoped3A, %mul3A_105, %dma_wait3A_122] : memref<2x2500x128xi32, #tpu.memory_space<hbm>> -> memref<1x78x128xi32, #tpu.memory_space<hbm>>
        %dma_wait3A_124 = tpu.memref_squeeze %dma_wait3A_123 : memref<1x78x128xi32, #tpu.memory_space<hbm>> -> memref<78x128xi32, #tpu.memory_space<hbm>>
        %dma_wait3A_125 = arith.constant 0 : i32
        %dma_wait3A_126 = arith.constant 0 : i32
        %dma_wait3A_127 = tpu.memref_slice %arg9[%dma_wait3A_125, %dma_wait3A_126] : memref<82x128xi32, #tpu.memory_space<vmem>> -> memref<78x128xi32, #tpu.memory_space<vmem>>
        %dma_wait3A_128 = arith.constant 0 : i32
        %dma_wait3A_129 = tpu.memref_slice %arg2[%run_scoped3A, %mul3A_105, %dma_wait3A_128] : memref<2x2500x128xi32, #tpu.memory_space<hbm>> -> memref<1x78x128xi32, #tpu.memory_space<hbm>>
        %dma_wait3A_130 = tpu.memref_squeeze %dma_wait3A_129 : memref<1x78x128xi32, #tpu.memory_space<hbm>> -> memref<78x128xi32, #tpu.memory_space<hbm>>
        tpu.wait_dma2 semaphore(%run_scoped3A_106 : memref<!tpu.dma_semaphore, #tpu.memory_space<semaphore_mem>>) src(%dma_wait3A_130 : memref<78x128xi32, #tpu.memory_space<hbm>>) dst(%dma_wait3A_127 : memref<78x128xi32, #tpu.memory_space<vmem>>)
        tpu.yield
      }) : () -> ()
    } else {
    }
    %eq3A_37 = arith.constant 31 : i32
    %eq3A_38 = arith.cmpi eq, %add3A, %eq3A_37 : i32
    %convert_element_type3A_39 = arith.extui %eq3A_38 : i1 to i32
    %cond3A_40 = arith.constant 0 : i32
    %cond3A_41 = arith.cmpi ne, %convert_element_type3A_39, %cond3A_40 : i32
    scf.if %cond3A_41 {
      %run_scoped3A = arith.constant 1 : i32
      "tpu.region"() ({
        %run_scoped3A_104 = tpu.sem_alloc : memref<!tpu.dma_semaphore, #tpu.memory_space<semaphore_mem>>
        %dma_start3A_105 = arith.constant 2418 : i32
        %dma_start3A_106 = arith.constant 0 : i32
        %dma_start3A_107 = tpu.memref_slice %arg2[%run_scoped3A, %dma_start3A_105, %dma_start3A_106] : memref<2x2500x128xi32, #tpu.memory_space<hbm>> -> memref<1x82x128xi32, #tpu.memory_space<hbm>>
        %dma_start3A_108 = tpu.memref_squeeze %dma_start3A_107 : memref<1x82x128xi32, #tpu.memory_space<hbm>> -> memref<82x128xi32, #tpu.memory_space<hbm>>
        %dma_start3A_109 = arith.constant 2418 : i32
        %dma_start3A_110 = arith.constant 0 : i32
        %dma_start3A_111 = tpu.memref_slice %arg2[%run_scoped3A, %dma_start3A_109, %dma_start3A_110] : memref<2x2500x128xi32, #tpu.memory_space<hbm>> -> memref<1x82x128xi32, #tpu.memory_space<hbm>>
        %dma_start3A_112 = tpu.memref_squeeze %dma_start3A_111 : memref<1x82x128xi32, #tpu.memory_space<hbm>> -> memref<82x128xi32, #tpu.memory_space<hbm>>
        tpu.enqueue_dma source(%dma_start3A_112 : memref<82x128xi32, #tpu.memory_space<hbm>>) target(%arg10 : memref<82x128xi32, #tpu.memory_space<vmem>>) target_semaphore(%run_scoped3A_104 : memref<!tpu.dma_semaphore, #tpu.memory_space<semaphore_mem>>)
        %dma_wait3A_113 = arith.constant 2418 : i32
        %dma_wait3A_114 = arith.constant 0 : i32
        %dma_wait3A_115 = tpu.memref_slice %arg2[%run_scoped3A, %dma_wait3A_113, %dma_wait3A_114] : memref<2x2500x128xi32, #tpu.memory_space<hbm>> -> memref<1x82x128xi32, #tpu.memory_space<hbm>>
        %dma_wait3A_116 = tpu.memref_squeeze %dma_wait3A_115 : memref<1x82x128xi32, #tpu.memory_space<hbm>> -> memref<82x128xi32, #tpu.memory_space<hbm>>
        %dma_wait3A_117 = arith.constant 2418 : i32
        %dma_wait3A_118 = arith.constant 0 : i32
        %dma_wait3A_119 = tpu.memref_slice %arg2[%run_scoped3A, %dma_wait3A_117, %dma_wait3A_118] : memref<2x2500x128xi32, #tpu.memory_space<hbm>> -> memref<1x82x128xi32, #tpu.memory_space<hbm>>
        %dma_wait3A_120 = tpu.memref_squeeze %dma_wait3A_119 : memref<1x82x128xi32, #tpu.memory_space<hbm>> -> memref<82x128xi32, #tpu.memory_space<hbm>>
        tpu.wait_dma2 semaphore(%run_scoped3A_104 : memref<!tpu.dma_semaphore, #tpu.memory_space<semaphore_mem>>) src(%dma_wait3A_120 : memref<82x128xi32, #tpu.memory_space<hbm>>) dst(%arg10 : memref<82x128xi32, #tpu.memory_space<vmem>>)
        tpu.yield
      }) : () -> ()
    } else {
    }
    %ne3A_42 = arith.constant 31 : i32
    %ne3A_43 = arith.cmpi ne, %add3A, %ne3A_42 : i32
    %convert_element_type3A_44 = arith.extui %ne3A_43 : i1 to i32
    %cond3A_45 = arith.constant 0 : i32
    %cond3A_46 = arith.cmpi ne, %convert_element_type3A_44, %cond3A_45 : i32
    scf.if %cond3A_46 {
      %mul3A_104 = arith.constant 78 : i32
      %mul3A_105 = arith.muli %add3A, %mul3A_104 : i32
      %run_scoped3A = arith.constant 1 : i32
      "tpu.region"() ({
        %run_scoped3A_106 = tpu.sem_alloc : memref<!tpu.dma_semaphore, #tpu.memory_space<semaphore_mem>>
        %dma_start3A_107 = arith.constant 0 : i32
        %dma_start3A_108 = arith.constant 0 : i32
        %dma_start3A_109 = tpu.memref_slice %arg10[%dma_start3A_107, %dma_start3A_108] : memref<82x128xi32, #tpu.memory_space<vmem>> -> memref<78x128xi32, #tpu.memory_space<vmem>>
        %dma_start3A_110 = arith.constant 0 : i32
        %dma_start3A_111 = tpu.memref_slice %arg2[%run_scoped3A, %mul3A_105, %dma_start3A_110] : memref<2x2500x128xi32, #tpu.memory_space<hbm>> -> memref<1x78x128xi32, #tpu.memory_space<hbm>>
        %dma_start3A_112 = tpu.memref_squeeze %dma_start3A_111 : memref<1x78x128xi32, #tpu.memory_space<hbm>> -> memref<78x128xi32, #tpu.memory_space<hbm>>
        %dma_start3A_113 = arith.constant 0 : i32
        %dma_start3A_114 = arith.constant 0 : i32
        %dma_start3A_115 = tpu.memref_slice %arg10[%dma_start3A_113, %dma_start3A_114] : memref<82x128xi32, #tpu.memory_space<vmem>> -> memref<78x128xi32, #tpu.memory_space<vmem>>
        %dma_start3A_116 = arith.constant 0 : i32
        %dma_start3A_117 = tpu.memref_slice %arg2[%run_scoped3A, %mul3A_105, %dma_start3A_116] : memref<2x2500x128xi32, #tpu.memory_space<hbm>> -> memref<1x78x128xi32, #tpu.memory_space<hbm>>
        %dma_start3A_118 = tpu.memref_squeeze %dma_start3A_117 : memref<1x78x128xi32, #tpu.memory_space<hbm>> -> memref<78x128xi32, #tpu.memory_space<hbm>>
        tpu.enqueue_dma source(%dma_start3A_118 : memref<78x128xi32, #tpu.memory_space<hbm>>) target(%dma_start3A_115 : memref<78x128xi32, #tpu.memory_space<vmem>>) target_semaphore(%run_scoped3A_106 : memref<!tpu.dma_semaphore, #tpu.memory_space<semaphore_mem>>)
        %dma_wait3A_119 = arith.constant 0 : i32
        %dma_wait3A_120 = arith.constant 0 : i32
        %dma_wait3A_121 = tpu.memref_slice %arg10[%dma_wait3A_119, %dma_wait3A_120] : memref<82x128xi32, #tpu.memory_space<vmem>> -> memref<78x128xi32, #tpu.memory_space<vmem>>
        %dma_wait3A_122 = arith.constant 0 : i32
        %dma_wait3A_123 = tpu.memref_slice %arg2[%run_scoped3A, %mul3A_105, %dma_wait3A_122] : memref<2x2500x128xi32, #tpu.memory_space<hbm>> -> memref<1x78x128xi32, #tpu.memory_space<hbm>>
        %dma_wait3A_124 = tpu.memref_squeeze %dma_wait3A_123 : memref<1x78x128xi32, #tpu.memory_space<hbm>> -> memref<78x128xi32, #tpu.memory_space<hbm>>
        %dma_wait3A_125 = arith.constant 0 : i32
        %dma_wait3A_126 = arith.constant 0 : i32
        %dma_wait3A_127 = tpu.memref_slice %arg10[%dma_wait3A_125, %dma_wait3A_126] : memref<82x128xi32, #tpu.memory_space<vmem>> -> memref<78x128xi32, #tpu.memory_space<vmem>>
        %dma_wait3A_128 = arith.constant 0 : i32
        %dma_wait3A_129 = tpu.memref_slice %arg2[%run_scoped3A, %mul3A_105, %dma_wait3A_128] : memref<2x2500x128xi32, #tpu.memory_space<hbm>> -> memref<1x78x128xi32, #tpu.memory_space<hbm>>
        %dma_wait3A_130 = tpu.memref_squeeze %dma_wait3A_129 : memref<1x78x128xi32, #tpu.memory_space<hbm>> -> memref<78x128xi32, #tpu.memory_space<hbm>>
        tpu.wait_dma2 semaphore(%run_scoped3A_106 : memref<!tpu.dma_semaphore, #tpu.memory_space<semaphore_mem>>) src(%dma_wait3A_130 : memref<78x128xi32, #tpu.memory_space<hbm>>) dst(%dma_wait3A_127 : memref<78x128xi32, #tpu.memory_space<vmem>>)
        tpu.yield
      }) : () -> ()
    } else {
    }
    %dma_wait3A = arith.constant 0 : i32
    %dma_wait3A_47 = tpu.memref_slice %arg17[%mul3A_4, %dma_wait3A] : memref<10240x16xf32, #tpu.memory_space<vmem_shared>> -> memref<640x16xf32, #tpu.memory_space<vmem_shared>>
    %dma_wait3A_48 = arith.constant 0 : i32
    %dma_wait3A_49 = tpu.memref_slice %arg6[%mul3A_4, %dma_wait3A_48] : memref<10240x16xf32, #tpu.memory_space<hbm>> -> memref<640x16xf32, #tpu.memory_space<hbm>>
    tpu.wait_dma2 semaphore(%arg19 : memref<!tpu.dma_semaphore, #tpu.memory_space<semaphore_mem>>) src(%dma_wait3A_49 : memref<640x16xf32, #tpu.memory_space<hbm>>) dst(%dma_wait3A_47 : memref<640x16xf32, #tpu.memory_space<vmem_shared>>)
    %dma_wait3A_50 = arith.constant 0 : i32
    %dma_wait3A_51 = arith.constant 0 : i32
    %dma_wait3A_52 = tpu.memref_slice %arg5[%dma_wait3A_50, %mul3A_4, %dma_wait3A_51] : memref<2x10240x16xf32, #tpu.memory_space<hbm>> -> memref<1x640x16xf32, #tpu.memory_space<hbm>>
    %dma_wait3A_53 = tpu.memref_squeeze %dma_wait3A_52 : memref<1x640x16xf32, #tpu.memory_space<hbm>> -> memref<640x16xf32, #tpu.memory_space<hbm>>
    %dma_wait3A_54 = arith.constant 0 : i32
    %dma_wait3A_55 = tpu.memref_slice %arg5[%dma_wait3A_50, %mul3A_4, %dma_wait3A_54] : memref<2x10240x16xf32, #tpu.memory_space<hbm>> -> memref<1x640x16xf32, #tpu.memory_space<hbm>>
    %dma_wait3A_56 = tpu.memref_squeeze %dma_wait3A_55 : memref<1x640x16xf32, #tpu.memory_space<hbm>> -> memref<640x16xf32, #tpu.memory_space<hbm>>
    tpu.wait_dma2 semaphore(%arg19 : memref<!tpu.dma_semaphore, #tpu.memory_space<semaphore_mem>>) src(%dma_wait3A_56 : memref<640x16xf32, #tpu.memory_space<hbm>>) dst(%arg12 : memref<640x16xf32, #tpu.memory_space<vmem>>)
    %dma_wait3A_57 = arith.constant 1 : i32
    %dma_wait3A_58 = arith.constant 0 : i32
    %dma_wait3A_59 = tpu.memref_slice %arg5[%dma_wait3A_57, %mul3A_4, %dma_wait3A_58] : memref<2x10240x16xf32, #tpu.memory_space<hbm>> -> memref<1x640x16xf32, #tpu.memory_space<hbm>>
    %dma_wait3A_60 = tpu.memref_squeeze %dma_wait3A_59 : memref<1x640x16xf32, #tpu.memory_space<hbm>> -> memref<640x16xf32, #tpu.memory_space<hbm>>
    %dma_wait3A_61 = arith.constant 0 : i32
    %dma_wait3A_62 = tpu.memref_slice %arg5[%dma_wait3A_57, %mul3A_4, %dma_wait3A_61] : memref<2x10240x16xf32, #tpu.memory_space<hbm>> -> memref<1x640x16xf32, #tpu.memory_space<hbm>>
    %dma_wait3A_63 = tpu.memref_squeeze %dma_wait3A_62 : memref<1x640x16xf32, #tpu.memory_space<hbm>> -> memref<640x16xf32, #tpu.memory_space<hbm>>
    tpu.wait_dma2 semaphore(%arg19 : memref<!tpu.dma_semaphore, #tpu.memory_space<semaphore_mem>>) src(%dma_wait3A_63 : memref<640x16xf32, #tpu.memory_space<hbm>>) dst(%arg13 : memref<640x16xf32, #tpu.memory_space<vmem>>)
    %dma_wait3A_64 = arith.constant 0 : i32
    %dma_wait3A_65 = tpu.memref_slice %arg4[%mul3A_4, %dma_wait3A_64] : memref<10240x16xf32, #tpu.memory_space<hbm>> -> memref<640x16xf32, #tpu.memory_space<hbm>>
    %dma_wait3A_66 = arith.constant 0 : i32
    %dma_wait3A_67 = tpu.memref_slice %arg4[%mul3A_4, %dma_wait3A_66] : memref<10240x16xf32, #tpu.memory_space<hbm>> -> memref<640x16xf32, #tpu.memory_space<hbm>>
    tpu.wait_dma2 semaphore(%arg19 : memref<!tpu.dma_semaphore, #tpu.memory_space<semaphore_mem>>) src(%dma_wait3A_67 : memref<640x16xf32, #tpu.memory_space<hbm>>) dst(%arg14 : memref<640x16xf32, #tpu.memory_space<vmem>>)
    %dma_wait3A_68 = arith.constant 0 : i32
    %dma_wait3A_69 = tpu.memref_slice %arg3[%mul3A_4, %dma_wait3A_68] : memref<10240x16xf32, #tpu.memory_space<hbm>> -> memref<640x16xf32, #tpu.memory_space<hbm>>
    %dma_wait3A_70 = arith.constant 0 : i32
    %dma_wait3A_71 = tpu.memref_slice %arg3[%mul3A_4, %dma_wait3A_70] : memref<10240x16xf32, #tpu.memory_space<hbm>> -> memref<640x16xf32, #tpu.memory_space<hbm>>
    tpu.wait_dma2 semaphore(%arg19 : memref<!tpu.dma_semaphore, #tpu.memory_space<semaphore_mem>>) src(%dma_wait3A_71 : memref<640x16xf32, #tpu.memory_space<hbm>>) dst(%arg15 : memref<640x16xf32, #tpu.memory_space<vmem>>)
    %scan3A = arith.constant 0 : i32
    %scan3A_72 = arith.constant 0 : i32
    %scan3A_73 = arith.constant 160 : i32
    %scan3A_74 = arith.addi %scan3A_72, %scan3A_73 : i32
    %scan3A_75 = arith.constant 1 : i32
    scf.for %scan3A_104 = %scan3A_72 to %scan3A_74 step %scan3A_75  : i32 {
      %mul3A_105 = arith.constant 4 : i32
      %mul3A_106 = arith.muli %mul3A_105, %scan3A_104 : i32
      %add3A_107 = arith.constant 0 : i32
      %add3A_108 = arith.addi %mul3A_106, %add3A_107 : i32
      %get3A = arith.index_cast %add3A_108 : i32 to index
      %get3A_109 = arith.constant 0 : index
      %get3A_110 = tpu.vector_load %arg15[%get3A, %get3A_109] {strides = array<i32>} : memref<640x16xf32, #tpu.memory_space<vmem>>, vector<16xf32>,
      %get3A_111 = arith.index_cast %add3A_108 : i32 to index
      %get3A_112 = arith.constant 0 : index
      %get3A_113 = tpu.vector_load %arg12[%get3A_111, %get3A_112] {strides = array<i32>} : memref<640x16xf32, #tpu.memory_space<vmem>>, vector<16xf32>,
      %get3A_114 = arith.index_cast %add3A_108 : i32 to index
      %get3A_115 = arith.constant 0 : index
      %get3A_116 = tpu.vector_load %arg13[%get3A_114, %get3A_115] {strides = array<i32>} : memref<640x16xf32, #tpu.memory_space<vmem>>, vector<16xf32>,
      %add3A_117 = arith.addf %get3A_113, %get3A_116 : vector<16xf32>
      %get3A_118 = arith.index_cast %add3A_108 : i32 to index
      %get3A_119 = arith.constant 0 : index
      %get3A_120 = tpu.vector_load %arg14[%get3A_118, %get3A_119] {strides = array<i32>} : memref<640x16xf32, #tpu.memory_space<vmem>>, vector<16xf32>,
      %add3A_121 = arith.addf %add3A_117, %get3A_120 : vector<16xf32>
      %mul3A_122 = arith.mulf %get3A_110, %add3A_121 : vector<16xf32>
      %max3A = arith.constant 0.000000e+00 : f32
      %max3A_123 = vector.broadcast %max3A : f32 to vector<16xf32>
      %max3A_124 = arith.maximumf %mul3A_122, %max3A_123 : vector<16xf32>
      %mul3A_125 = arith.mulf %get3A_110, %max3A_124 : vector<16xf32>
      %swap3A = arith.index_cast %add3A_108 : i32 to index
      %swap3A_126 = arith.constant 0 : index
      %swap3A_127 = tpu.vector_load %arg16[%swap3A, %swap3A_126] {strides = array<i32>} : memref<640x16xf32, #tpu.memory_space<vmem>>, vector<16xf32>,
      tpu.vector_store %arg16[%swap3A, %swap3A_126], %mul3A_125 {strides = array<i32>} : memref<640x16xf32, #tpu.memory_space<vmem>>, vector<16xf32>,
      %mul3A_128 = arith.constant 4 : i32
      %mul3A_129 = arith.muli %mul3A_128, %scan3A_104 : i32
      %add3A_130 = arith.constant 1 : i32
      %add3A_131 = arith.addi %mul3A_129, %add3A_130 : i32
      %get3A_132 = arith.index_cast %add3A_131 : i32 to index
      %get3A_133 = arith.constant 0 : index
      %get3A_134 = tpu.vector_load %arg15[%get3A_132, %get3A_133] {strides = array<i32>} : memref<640x16xf32, #tpu.memory_space<vmem>>, vector<16xf32>,
      %get3A_135 = arith.index_cast %add3A_131 : i32 to index
      %get3A_136 = arith.constant 0 : index
      %get3A_137 = tpu.vector_load %arg12[%get3A_135, %get3A_136] {strides = array<i32>} : memref<640x16xf32, #tpu.memory_space<vmem>>, vector<16xf32>,
      %get3A_138 = arith.index_cast %add3A_131 : i32 to index
      %get3A_139 = arith.constant 0 : index
      %get3A_140 = tpu.vector_load %arg13[%get3A_138, %get3A_139] {strides = array<i32>} : memref<640x16xf32, #tpu.memory_space<vmem>>, vector<16xf32>,
      %add3A_141 = arith.addf %get3A_137, %get3A_140 : vector<16xf32>
      %get3A_142 = arith.index_cast %add3A_131 : i32 to index
      %get3A_143 = arith.constant 0 : index
      %get3A_144 = tpu.vector_load %arg14[%get3A_142, %get3A_143] {strides = array<i32>} : memref<640x16xf32, #tpu.memory_space<vmem>>, vector<16xf32>,
      %add3A_145 = arith.addf %add3A_141, %get3A_144 : vector<16xf32>
      %mul3A_146 = arith.mulf %get3A_134, %add3A_145 : vector<16xf32>
      %max3A_147 = arith.constant 0.000000e+00 : f32
      %max3A_148 = vector.broadcast %max3A_147 : f32 to vector<16xf32>
      %max3A_149 = arith.maximumf %mul3A_146, %max3A_148 : vector<16xf32>
      %mul3A_150 = arith.mulf %get3A_134, %max3A_149 : vector<16xf32>
      %swap3A_151 = arith.index_cast %add3A_131 : i32 to index
      %swap3A_152 = arith.constant 0 : index
      %swap3A_153 = tpu.vector_load %arg16[%swap3A_151, %swap3A_152] {strides = array<i32>} : memref<640x16xf32, #tpu.memory_space<vmem>>, vector<16xf32>,
      tpu.vector_store %arg16[%swap3A_151, %swap3A_152], %mul3A_150 {strides = array<i32>} : memref<640x16xf32, #tpu.memory_space<vmem>>, vector<16xf32>,
      %mul3A_154 = arith.constant 4 : i32
      %mul3A_155 = arith.muli %mul3A_154, %scan3A_104 : i32
      %add3A_156 = arith.constant 2 : i32
      %add3A_157 = arith.addi %mul3A_155, %add3A_156 : i32
      %get3A_158 = arith.index_cast %add3A_157 : i32 to index
      %get3A_159 = arith.constant 0 : index
      %get3A_160 = tpu.vector_load %arg15[%get3A_158, %get3A_159] {strides = array<i32>} : memref<640x16xf32, #tpu.memory_space<vmem>>, vector<16xf32>,
      %get3A_161 = arith.index_cast %add3A_157 : i32 to index
      %get3A_162 = arith.constant 0 : index
      %get3A_163 = tpu.vector_load %arg12[%get3A_161, %get3A_162] {strides = array<i32>} : memref<640x16xf32, #tpu.memory_space<vmem>>, vector<16xf32>,
      %get3A_164 = arith.index_cast %add3A_157 : i32 to index
      %get3A_165 = arith.constant 0 : index
      %get3A_166 = tpu.vector_load %arg13[%get3A_164, %get3A_165] {strides = array<i32>} : memref<640x16xf32, #tpu.memory_space<vmem>>, vector<16xf32>,
      %add3A_167 = arith.addf %get3A_163, %get3A_166 : vector<16xf32>
      %get3A_168 = arith.index_cast %add3A_157 : i32 to index
      %get3A_169 = arith.constant 0 : index
      %get3A_170 = tpu.vector_load %arg14[%get3A_168, %get3A_169] {strides = array<i32>} : memref<640x16xf32, #tpu.memory_space<vmem>>, vector<16xf32>,
      %add3A_171 = arith.addf %add3A_167, %get3A_170 : vector<16xf32>
      %mul3A_172 = arith.mulf %get3A_160, %add3A_171 : vector<16xf32>
      %max3A_173 = arith.constant 0.000000e+00 : f32
      %max3A_174 = vector.broadcast %max3A_173 : f32 to vector<16xf32>
      %max3A_175 = arith.maximumf %mul3A_172, %max3A_174 : vector<16xf32>
      %mul3A_176 = arith.mulf %get3A_160, %max3A_175 : vector<16xf32>
      %swap3A_177 = arith.index_cast %add3A_157 : i32 to index
      %swap3A_178 = arith.constant 0 : index
      %swap3A_179 = tpu.vector_load %arg16[%swap3A_177, %swap3A_178] {strides = array<i32>} : memref<640x16xf32, #tpu.memory_space<vmem>>, vector<16xf32>,
      tpu.vector_store %arg16[%swap3A_177, %swap3A_178], %mul3A_176 {strides = array<i32>} : memref<640x16xf32, #tpu.memory_space<vmem>>, vector<16xf32>,
      %mul3A_180 = arith.constant 4 : i32
      %mul3A_181 = arith.muli %mul3A_180, %scan3A_104 : i32
      %add3A_182 = arith.constant 3 : i32
      %add3A_183 = arith.addi %mul3A_181, %add3A_182 : i32
      %get3A_184 = arith.index_cast %add3A_183 : i32 to index
      %get3A_185 = arith.constant 0 : index
      %get3A_186 = tpu.vector_load %arg15[%get3A_184, %get3A_185] {strides = array<i32>} : memref<640x16xf32, #tpu.memory_space<vmem>>, vector<16xf32>,
      %get3A_187 = arith.index_cast %add3A_183 : i32 to index
      %get3A_188 = arith.constant 0 : index
      %get3A_189 = tpu.vector_load %arg12[%get3A_187, %get3A_188] {strides = array<i32>} : memref<640x16xf32, #tpu.memory_space<vmem>>, vector<16xf32>,
      %get3A_190 = arith.index_cast %add3A_183 : i32 to index
      %get3A_191 = arith.constant 0 : index
      %get3A_192 = tpu.vector_load %arg13[%get3A_190, %get3A_191] {strides = array<i32>} : memref<640x16xf32, #tpu.memory_space<vmem>>, vector<16xf32>,
      %add3A_193 = arith.addf %get3A_189, %get3A_192 : vector<16xf32>
      %get3A_194 = arith.index_cast %add3A_183 : i32 to index
      %get3A_195 = arith.constant 0 : index
      %get3A_196 = tpu.vector_load %arg14[%get3A_194, %get3A_195] {strides = array<i32>} : memref<640x16xf32, #tpu.memory_space<vmem>>, vector<16xf32>,
      %add3A_197 = arith.addf %add3A_193, %get3A_196 : vector<16xf32>
      %mul3A_198 = arith.mulf %get3A_186, %add3A_197 : vector<16xf32>
      %max3A_199 = arith.constant 0.000000e+00 : f32
      %max3A_200 = vector.broadcast %max3A_199 : f32 to vector<16xf32>
      %max3A_201 = arith.maximumf %mul3A_198, %max3A_200 : vector<16xf32>
      %mul3A_202 = arith.mulf %get3A_186, %max3A_201 : vector<16xf32>
      %swap3A_203 = arith.index_cast %add3A_183 : i32 to index
      %swap3A_204 = arith.constant 0 : index
      %swap3A_205 = tpu.vector_load %arg16[%swap3A_203, %swap3A_204] {strides = array<i32>} : memref<640x16xf32, #tpu.memory_space<vmem>>, vector<16xf32>,
      tpu.vector_store %arg16[%swap3A_203, %swap3A_204], %mul3A_202 {strides = array<i32>} : memref<640x16xf32, #tpu.memory_space<vmem>>, vector<16xf32>,
    }
    %scan3A_76 = arith.constant 160 : i32
    "tpu.region"() ({
      %run_scoped3A = tpu.sem_alloc : memref<!tpu.dma_semaphore, #tpu.memory_space<semaphore_mem>>
      %dma_start3A_104 = arith.constant 0 : i32
      %dma_start3A_105 = tpu.memref_slice %arg18[%mul3A_4, %dma_start3A_104] : memref<10240x16xf32, #tpu.memory_space<vmem_shared>> -> memref<640x16xf32, #tpu.memory_space<vmem_shared>>
      %dma_start3A_106 = arith.constant 0 : i32
      %dma_start3A_107 = tpu.memref_slice %arg18[%mul3A_4, %dma_start3A_106] : memref<10240x16xf32, #tpu.memory_space<vmem_shared>> -> memref<640x16xf32, #tpu.memory_space<vmem_shared>>
      tpu.enqueue_dma source(%arg16 : memref<640x16xf32, #tpu.memory_space<vmem>>) target(%dma_start3A_107 : memref<640x16xf32, #tpu.memory_space<vmem_shared>>) target_semaphore(%run_scoped3A : memref<!tpu.dma_semaphore, #tpu.memory_space<semaphore_mem>>)
      %dma_wait3A_108 = arith.constant 0 : i32
      %dma_wait3A_109 = tpu.memref_slice %arg18[%mul3A_4, %dma_wait3A_108] : memref<10240x16xf32, #tpu.memory_space<vmem_shared>> -> memref<640x16xf32, #tpu.memory_space<vmem_shared>>
      %dma_wait3A_110 = arith.constant 0 : i32
      %dma_wait3A_111 = tpu.memref_slice %arg18[%mul3A_4, %dma_wait3A_110] : memref<10240x16xf32, #tpu.memory_space<vmem_shared>> -> memref<640x16xf32, #tpu.memory_space<vmem_shared>>
      tpu.wait_dma2 semaphore(%run_scoped3A : memref<!tpu.dma_semaphore, #tpu.memory_space<semaphore_mem>>) src(%arg16 : memref<640x16xf32, #tpu.memory_space<vmem>>) dst(%dma_wait3A_111 : memref<640x16xf32, #tpu.memory_space<vmem_shared>>)
      tpu.yield
    }) : () -> ()
    %eq3A_77 = arith.constant 0 : i32
    %eq3A_78 = arith.cmpi eq, %arg0, %eq3A_77 : i32
    %convert_element_type3A_79 = arith.extui %eq3A_78 : i1 to i32
    %cond3A_80 = arith.constant 0 : i32
    %cond3A_81 = arith.cmpi ne, %convert_element_type3A_79, %cond3A_80 : i32
    scf.if %cond3A_81 {
      "tpu.region"() ({
        %run_scoped3A = tpu.sem_alloc : memref<!tpu.dma_semaphore, #tpu.memory_space<semaphore_mem>>
        %dma_start3A_104 = arith.constant 0 : i32
        %dma_start3A_105 = tpu.memref_slice %arg8[%mul3A_4, %dma_start3A_104] : memref<10240x16xf32, #tpu.memory_space<hbm>> -> memref<640x16xf32, #tpu.memory_space<hbm>>
        %dma_start3A_106 = arith.constant 0 : i32
        %dma_start3A_107 = tpu.memref_slice %arg8[%mul3A_4, %dma_start3A_106] : memref<10240x16xf32, #tpu.memory_space<hbm>> -> memref<640x16xf32, #tpu.memory_space<hbm>>
        tpu.enqueue_dma source(%arg16 : memref<640x16xf32, #tpu.memory_space<vmem>>) target(%dma_start3A_107 : memref<640x16xf32, #tpu.memory_space<hbm>>) target_semaphore(%run_scoped3A : memref<!tpu.dma_semaphore, #tpu.memory_space<semaphore_mem>>)
        %dma_wait3A_108 = arith.constant 0 : i32
        %dma_wait3A_109 = tpu.memref_slice %arg8[%mul3A_4, %dma_wait3A_108] : memref<10240x16xf32, #tpu.memory_space<hbm>> -> memref<640x16xf32, #tpu.memory_space<hbm>>
        %dma_wait3A_110 = arith.constant 0 : i32
        %dma_wait3A_111 = tpu.memref_slice %arg8[%mul3A_4, %dma_wait3A_110] : memref<10240x16xf32, #tpu.memory_space<hbm>> -> memref<640x16xf32, #tpu.memory_space<hbm>>
        tpu.wait_dma2 semaphore(%run_scoped3A : memref<!tpu.dma_semaphore, #tpu.memory_space<semaphore_mem>>) src(%arg16 : memref<640x16xf32, #tpu.memory_space<vmem>>) dst(%dma_wait3A_111 : memref<640x16xf32, #tpu.memory_space<hbm>>)
        tpu.yield
      }) : () -> ()
    } else {
    }
    %barrier3A = arith.constant 0 : index
    tpu.barrier barrier_id(%barrier3A)
    %scan3A_82 = arith.constant 0 : i32
    %scan3A_83 = arith.constant 0 : i32
    %scan3A_84 = arith.constant 4 : i32
    %scan3A_85 = arith.addi %scan3A_83, %scan3A_84 : i32
    %scan3A_86 = arith.constant 1 : i32
    scf.for %scan3A_104 = %scan3A_83 to %scan3A_85 step %scan3A_86  : i32 {
      %dma_start3A_105 = arith.constant 0 : i32
      %dma_start3A_106 = arith.constant 0 : i32
      %dma_start3A_107 = tpu.memref_slice %arg11[%scan3A_104, %dma_start3A_105, %dma_start3A_106] : memref<8x128x16xf32, #tpu.memory_space<vmem>> -> memref<1x128x16xf32, #tpu.memory_space<vmem>>
      %dma_start3A_108 = tpu.memref_squeeze %dma_start3A_107 : memref<1x128x16xf32, #tpu.memory_space<vmem>> -> memref<128x16xf32, #tpu.memory_space<vmem>>
      %dma_start3A_109 = arith.constant 0 : i32
      %dma_start3A_110 = tpu.memref_slice %arg9[%scan3A_104, %dma_start3A_109] : memref<82x128xi32, #tpu.memory_space<vmem>> -> memref<1x128xi32, #tpu.memory_space<vmem>>
      %dma_start3A_111 = tpu.memref_squeeze %dma_start3A_110 : memref<1x128xi32, #tpu.memory_space<vmem>> -> memref<128xi32, #tpu.memory_space<vmem>>
      %dma_start3A_112 = arith.constant 0 : i32
      %dma_start3A_113 = arith.constant 0 : i32
      %dma_start3A_114 = tpu.memref_slice %arg18[%dma_start3A_112, %dma_start3A_113] : memref<10240x16xf32, #tpu.memory_space<vmem_shared>> -> memref<10240x16xf32, #tpu.memory_space<vmem_shared>>
      tpu.enqueue_indirect_dma source(%dma_start3A_114 : memref<10240x16xf32, #tpu.memory_space<vmem_shared>>) target(%dma_start3A_108 : memref<128x16xf32, #tpu.memory_space<vmem>>) offsets(%dma_start3A_111 : memref<128xi32, #tpu.memory_space<vmem>>) semaphore(%arg19 : memref<!tpu.dma_semaphore, #tpu.memory_space<semaphore_mem>>)
    }
    %scan3A_87 = arith.constant 4 : i32
    %while3A = arith.constant 0 : i32
    %while3A_88 = arith.constant 0 : i32
    %while3A_89 = arith.subi %select_n3A, %while3A_88 : i32
    %while3A_90 = arith.addi %while3A_88, %while3A_89 : i32
    %while3A_91 = arith.constant 1 : i32
    %while3A_92 = arith.divsi %while3A_89, %while3A_91 : i32
    %while3A_93 = arith.muli %while3A_92, %while3A_91 : i32
    %while3A_94 = arith.addi %while3A_88, %while3A_93 : i32
    %while3A_95 = arith.constant 1 : i32
    scf.for %while3A_104 = %while3A_88 to %while3A_94 step %while3A_95  : i32 {
      %rem3A = arith.constant 8 : i32
      %rem3A_105 = arith.remsi %while3A_104, %rem3A : i32
      %dma_wait3A_106 = arith.constant 0 : i32
      %dma_wait3A_107 = arith.constant 0 : i32
      %dma_wait3A_108 = tpu.memref_slice %arg11[%rem3A_105, %dma_wait3A_106, %dma_wait3A_107] : memref<8x128x16xf32, #tpu.memory_space<vmem>> -> memref<1x128x16xf32, #tpu.memory_space<vmem>>
      %dma_wait3A_109 = tpu.memref_squeeze %dma_wait3A_108 : memref<1x128x16xf32, #tpu.memory_space<vmem>> -> memref<128x16xf32, #tpu.memory_space<vmem>>
      %dma_wait3A_110 = arith.constant 0 : i32
      %dma_wait3A_111 = tpu.memref_slice %arg9[%while3A_104, %dma_wait3A_110] : memref<82x128xi32, #tpu.memory_space<vmem>> -> memref<1x128xi32, #tpu.memory_space<vmem>>
      %dma_wait3A_112 = tpu.memref_squeeze %dma_wait3A_111 : memref<1x128xi32, #tpu.memory_space<vmem>> -> memref<128xi32, #tpu.memory_space<vmem>>
      %dma_wait3A_113 = arith.constant 0 : i32
      %dma_wait3A_114 = arith.constant 0 : i32
      %dma_wait3A_115 = tpu.memref_slice %arg18[%dma_wait3A_113, %dma_wait3A_114] : memref<10240x16xf32, #tpu.memory_space<vmem_shared>> -> memref<10240x16xf32, #tpu.memory_space<vmem_shared>>
      tpu.wait_indirect_dma semaphore(%arg19 : memref<!tpu.dma_semaphore, #tpu.memory_space<semaphore_mem>>) src(%dma_wait3A_115 : memref<10240x16xf32, #tpu.memory_space<vmem_shared>>) dst(%dma_wait3A_109 : memref<128x16xf32, #tpu.memory_space<vmem>>)
      %dma_start3A_116 = arith.constant 0 : i32
      %dma_start3A_117 = arith.constant 0 : i32
      %dma_start3A_118 = tpu.memref_slice %arg11[%rem3A_105, %dma_start3A_116, %dma_start3A_117] : memref<8x128x16xf32, #tpu.memory_space<vmem>> -> memref<1x128x16xf32, #tpu.memory_space<vmem>>
      %dma_start3A_119 = tpu.memref_squeeze %dma_start3A_118 : memref<1x128x16xf32, #tpu.memory_space<vmem>> -> memref<128x16xf32, #tpu.memory_space<vmem>>
      %dma_start3A_120 = arith.constant 0 : i32
      %dma_start3A_121 = tpu.memref_slice %arg10[%while3A_104, %dma_start3A_120] : memref<82x128xi32, #tpu.memory_space<vmem>> -> memref<1x128xi32, #tpu.memory_space<vmem>>
      %dma_start3A_122 = tpu.memref_squeeze %dma_start3A_121 : memref<1x128xi32, #tpu.memory_space<vmem>> -> memref<128xi32, #tpu.memory_space<vmem>>
      %dma_start3A_123 = arith.constant 0 : i32
      %dma_start3A_124 = arith.constant 0 : i32
      %dma_start3A_125 = tpu.memref_slice %arg17[%dma_start3A_123, %dma_start3A_124] : memref<10240x16xf32, #tpu.memory_space<vmem_shared>> -> memref<10240x16xf32, #tpu.memory_space<vmem_shared>>
      tpu.enqueue_indirect_dma source(%dma_start3A_119 : memref<128x16xf32, #tpu.memory_space<vmem>>) target(%dma_start3A_125 : memref<10240x16xf32, #tpu.memory_space<vmem_shared>>) offsets(%dma_start3A_122 : memref<128xi32, #tpu.memory_space<vmem>>) semaphore(%arg20 : memref<!tpu.dma_semaphore, #tpu.memory_space<semaphore_mem>>) {add = true}
      %ge3A = arith.constant 4 : i32
      %ge3A_126 = arith.cmpi sge, %while3A_104, %ge3A : i32
      %convert_element_type3A_127 = arith.extui %ge3A_126 : i1 to i32
      %cond3A_128 = arith.constant 0 : i32
      %cond3A_129 = arith.cmpi ne, %convert_element_type3A_127, %cond3A_128 : i32
      scf.if %cond3A_129 {
        %dma_wait3A_135 = arith.constant 0 : i32
        %dma_wait3A_136 = arith.constant 0 : i32
        %dma_wait3A_137 = arith.constant 0 : i32
        %dma_wait3A_138 = tpu.memref_slice %arg11[%rem3A_105, %dma_wait3A_136, %dma_wait3A_137] : memref<8x128x16xf32, #tpu.memory_space<vmem>> -> memref<1x128x16xf32, #tpu.memory_space<vmem>>
        %dma_wait3A_139 = tpu.memref_squeeze %dma_wait3A_138 : memref<1x128x16xf32, #tpu.memory_space<vmem>> -> memref<128x16xf32, #tpu.memory_space<vmem>>
        %dma_wait3A_140 = arith.constant 0 : i32
        %dma_wait3A_141 = tpu.memref_slice %arg10[%dma_wait3A_135, %dma_wait3A_140] : memref<82x128xi32, #tpu.memory_space<vmem>> -> memref<1x128xi32, #tpu.memory_space<vmem>>
        %dma_wait3A_142 = tpu.memref_squeeze %dma_wait3A_141 : memref<1x128xi32, #tpu.memory_space<vmem>> -> memref<128xi32, #tpu.memory_space<vmem>>
        %dma_wait3A_143 = arith.constant 0 : i32
        %dma_wait3A_144 = arith.constant 0 : i32
        %dma_wait3A_145 = tpu.memref_slice %arg17[%dma_wait3A_143, %dma_wait3A_144] : memref<10240x16xf32, #tpu.memory_space<vmem_shared>> -> memref<10240x16xf32, #tpu.memory_space<vmem_shared>>
        tpu.wait_indirect_dma semaphore(%arg20 : memref<!tpu.dma_semaphore, #tpu.memory_space<semaphore_mem>>) src(%dma_wait3A_139 : memref<128x16xf32, #tpu.memory_space<vmem>>) dst(%dma_wait3A_145 : memref<10240x16xf32, #tpu.memory_space<vmem_shared>>)
      } else {
      }
      %add3A_130 = arith.constant 4 : i32
      %add3A_131 = arith.addi %while3A_104, %add3A_130 : i32
      %lt3A = arith.cmpi slt, %add3A_131, %select_n3A : i32
      %convert_element_type3A_132 = arith.extui %lt3A : i1 to i32
      %cond3A_133 = arith.constant 0 : i32
      %cond3A_134 = arith.cmpi ne, %convert_element_type3A_132, %cond3A_133 : i32
      scf.if %cond3A_134 {
        %add3A_135 = arith.constant 4 : i32
        %add3A_136 = arith.addi %while3A_104, %add3A_135 : i32
        %add3A_137 = arith.constant 4 : i32
        %add3A_138 = arith.addi %while3A_104, %add3A_137 : i32
        %rem3A_139 = arith.constant 8 : i32
        %rem3A_140 = arith.remsi %add3A_138, %rem3A_139 : i32
        %dma_start3A_141 = arith.constant 0 : i32
        %dma_start3A_142 = arith.constant 0 : i32
        %dma_start3A_143 = tpu.memref_slice %arg11[%rem3A_140, %dma_start3A_141, %dma_start3A_142] : memref<8x128x16xf32, #tpu.memory_space<vmem>> -> memref<1x128x16xf32, #tpu.memory_space<vmem>>
        %dma_start3A_144 = tpu.memref_squeeze %dma_start3A_143 : memref<1x128x16xf32, #tpu.memory_space<vmem>> -> memref<128x16xf32, #tpu.memory_space<vmem>>
        %dma_start3A_145 = arith.constant 0 : i32
        %dma_start3A_146 = tpu.memref_slice %arg9[%add3A_136, %dma_start3A_145] : memref<82x128xi32, #tpu.memory_space<vmem>> -> memref<1x128xi32, #tpu.memory_space<vmem>>
        %dma_start3A_147 = tpu.memref_squeeze %dma_start3A_146 : memref<1x128xi32, #tpu.memory_space<vmem>> -> memref<128xi32, #tpu.memory_space<vmem>>
        %dma_start3A_148 = arith.constant 0 : i32
        %dma_start3A_149 = arith.constant 0 : i32
        %dma_start3A_150 = tpu.memref_slice %arg18[%dma_start3A_148, %dma_start3A_149] : memref<10240x16xf32, #tpu.memory_space<vmem_shared>> -> memref<10240x16xf32, #tpu.memory_space<vmem_shared>>
        tpu.enqueue_indirect_dma source(%dma_start3A_150 : memref<10240x16xf32, #tpu.memory_space<vmem_shared>>) target(%dma_start3A_144 : memref<128x16xf32, #tpu.memory_space<vmem>>) offsets(%dma_start3A_147 : memref<128xi32, #tpu.memory_space<vmem>>) semaphore(%arg19 : memref<!tpu.dma_semaphore, #tpu.memory_space<semaphore_mem>>)
      } else {
      }
    }
    %while3A_96 = arith.constant 1 : i32
    scf.for %while3A_104 = %while3A_94 to %while3A_90 step %while3A_96  : i32 {
      %rem3A = arith.constant 8 : i32
      %rem3A_105 = arith.remsi %while3A_104, %rem3A : i32
      %dma_wait3A_106 = arith.constant 0 : i32
      %dma_wait3A_107 = arith.constant 0 : i32
      %dma_wait3A_108 = tpu.memref_slice %arg11[%rem3A_105, %dma_wait3A_106, %dma_wait3A_107] : memref<8x128x16xf32, #tpu.memory_space<vmem>> -> memref<1x128x16xf32, #tpu.memory_space<vmem>>
      %dma_wait3A_109 = tpu.memref_squeeze %dma_wait3A_108 : memref<1x128x16xf32, #tpu.memory_space<vmem>> -> memref<128x16xf32, #tpu.memory_space<vmem>>
      %dma_wait3A_110 = arith.constant 0 : i32
      %dma_wait3A_111 = tpu.memref_slice %arg9[%while3A_104, %dma_wait3A_110] : memref<82x128xi32, #tpu.memory_space<vmem>> -> memref<1x128xi32, #tpu.memory_space<vmem>>
      %dma_wait3A_112 = tpu.memref_squeeze %dma_wait3A_111 : memref<1x128xi32, #tpu.memory_space<vmem>> -> memref<128xi32, #tpu.memory_space<vmem>>
      %dma_wait3A_113 = arith.constant 0 : i32
      %dma_wait3A_114 = arith.constant 0 : i32
      %dma_wait3A_115 = tpu.memref_slice %arg18[%dma_wait3A_113, %dma_wait3A_114] : memref<10240x16xf32, #tpu.memory_space<vmem_shared>> -> memref<10240x16xf32, #tpu.memory_space<vmem_shared>>
      tpu.wait_indirect_dma semaphore(%arg19 : memref<!tpu.dma_semaphore, #tpu.memory_space<semaphore_mem>>) src(%dma_wait3A_115 : memref<10240x16xf32, #tpu.memory_space<vmem_shared>>) dst(%dma_wait3A_109 : memref<128x16xf32, #tpu.memory_space<vmem>>)
      %dma_start3A_116 = arith.constant 0 : i32
      %dma_start3A_117 = arith.constant 0 : i32
      %dma_start3A_118 = tpu.memref_slice %arg11[%rem3A_105, %dma_start3A_116, %dma_start3A_117] : memref<8x128x16xf32, #tpu.memory_space<vmem>> -> memref<1x128x16xf32, #tpu.memory_space<vmem>>
      %dma_start3A_119 = tpu.memref_squeeze %dma_start3A_118 : memref<1x128x16xf32, #tpu.memory_space<vmem>> -> memref<128x16xf32, #tpu.memory_space<vmem>>
      %dma_start3A_120 = arith.constant 0 : i32
      %dma_start3A_121 = tpu.memref_slice %arg10[%while3A_104, %dma_start3A_120] : memref<82x128xi32, #tpu.memory_space<vmem>> -> memref<1x128xi32, #tpu.memory_space<vmem>>
      %dma_start3A_122 = tpu.memref_squeeze %dma_start3A_121 : memref<1x128xi32, #tpu.memory_space<vmem>> -> memref<128xi32, #tpu.memory_space<vmem>>
      %dma_start3A_123 = arith.constant 0 : i32
      %dma_start3A_124 = arith.constant 0 : i32
      %dma_start3A_125 = tpu.memref_slice %arg17[%dma_start3A_123, %dma_start3A_124] : memref<10240x16xf32, #tpu.memory_space<vmem_shared>> -> memref<10240x16xf32, #tpu.memory_space<vmem_shared>>
      tpu.enqueue_indirect_dma source(%dma_start3A_119 : memref<128x16xf32, #tpu.memory_space<vmem>>) target(%dma_start3A_125 : memref<10240x16xf32, #tpu.memory_space<vmem_shared>>) offsets(%dma_start3A_122 : memref<128xi32, #tpu.memory_space<vmem>>) semaphore(%arg20 : memref<!tpu.dma_semaphore, #tpu.memory_space<semaphore_mem>>) {add = true}
      %ge3A = arith.constant 4 : i32
      %ge3A_126 = arith.cmpi sge, %while3A_104, %ge3A : i32
      %convert_element_type3A_127 = arith.extui %ge3A_126 : i1 to i32
      %cond3A_128 = arith.constant 0 : i32
      %cond3A_129 = arith.cmpi ne, %convert_element_type3A_127, %cond3A_128 : i32
      scf.if %cond3A_129 {
        %dma_wait3A_135 = arith.constant 0 : i32
        %dma_wait3A_136 = arith.constant 0 : i32
        %dma_wait3A_137 = arith.constant 0 : i32
        %dma_wait3A_138 = tpu.memref_slice %arg11[%rem3A_105, %dma_wait3A_136, %dma_wait3A_137] : memref<8x128x16xf32, #tpu.memory_space<vmem>> -> memref<1x128x16xf32, #tpu.memory_space<vmem>>
        %dma_wait3A_139 = tpu.memref_squeeze %dma_wait3A_138 : memref<1x128x16xf32, #tpu.memory_space<vmem>> -> memref<128x16xf32, #tpu.memory_space<vmem>>
        %dma_wait3A_140 = arith.constant 0 : i32
        %dma_wait3A_141 = tpu.memref_slice %arg10[%dma_wait3A_135, %dma_wait3A_140] : memref<82x128xi32, #tpu.memory_space<vmem>> -> memref<1x128xi32, #tpu.memory_space<vmem>>
        %dma_wait3A_142 = tpu.memref_squeeze %dma_wait3A_141 : memref<1x128xi32, #tpu.memory_space<vmem>> -> memref<128xi32, #tpu.memory_space<vmem>>
        %dma_wait3A_143 = arith.constant 0 : i32
        %dma_wait3A_144 = arith.constant 0 : i32
        %dma_wait3A_145 = tpu.memref_slice %arg17[%dma_wait3A_143, %dma_wait3A_144] : memref<10240x16xf32, #tpu.memory_space<vmem_shared>> -> memref<10240x16xf32, #tpu.memory_space<vmem_shared>>
        tpu.wait_indirect_dma semaphore(%arg20 : memref<!tpu.dma_semaphore, #tpu.memory_space<semaphore_mem>>) src(%dma_wait3A_139 : memref<128x16xf32, #tpu.memory_space<vmem>>) dst(%dma_wait3A_145 : memref<10240x16xf32, #tpu.memory_space<vmem_shared>>)
      } else {
      }
      %add3A_130 = arith.constant 4 : i32
      %add3A_131 = arith.addi %while3A_104, %add3A_130 : i32
      %lt3A = arith.cmpi slt, %add3A_131, %select_n3A : i32
      %convert_element_type3A_132 = arith.extui %lt3A : i1 to i32
      %cond3A_133 = arith.constant 0 : i32
      %cond3A_134 = arith.cmpi ne, %convert_element_type3A_132, %cond3A_133 : i32
      scf.if %cond3A_134 {
        %add3A_135 = arith.constant 4 : i32
        %add3A_136 = arith.addi %while3A_104, %add3A_135 : i32
        %add3A_137 = arith.constant 4 : i32
        %add3A_138 = arith.addi %while3A_104, %add3A_137 : i32
        %rem3A_139 = arith.constant 8 : i32
        %rem3A_140 = arith.remsi %add3A_138, %rem3A_139 : i32
        %dma_start3A_141 = arith.constant 0 : i32
        %dma_start3A_142 = arith.constant 0 : i32
        %dma_start3A_143 = tpu.memref_slice %arg11[%rem3A_140, %dma_start3A_141, %dma_start3A_142] : memref<8x128x16xf32, #tpu.memory_space<vmem>> -> memref<1x128x16xf32, #tpu.memory_space<vmem>>
        %dma_start3A_144 = tpu.memref_squeeze %dma_start3A_143 : memref<1x128x16xf32, #tpu.memory_space<vmem>> -> memref<128x16xf32, #tpu.memory_space<vmem>>
        %dma_start3A_145 = arith.constant 0 : i32
        %dma_start3A_146 = tpu.memref_slice %arg9[%add3A_136, %dma_start3A_145] : memref<82x128xi32, #tpu.memory_space<vmem>> -> memref<1x128xi32, #tpu.memory_space<vmem>>
        %dma_start3A_147 = tpu.memref_squeeze %dma_start3A_146 : memref<1x128xi32, #tpu.memory_space<vmem>> -> memref<128xi32, #tpu.memory_space<vmem>>
        %dma_start3A_148 = arith.constant 0 : i32
        %dma_start3A_149 = arith.constant 0 : i32
        %dma_start3A_150 = tpu.memref_slice %arg18[%dma_start3A_148, %dma_start3A_149] : memref<10240x16xf32, #tpu.memory_space<vmem_shared>> -> memref<10240x16xf32, #tpu.memory_space<vmem_shared>>
        tpu.enqueue_indirect_dma source(%dma_start3A_150 : memref<10240x16xf32, #tpu.memory_space<vmem_shared>>) target(%dma_start3A_144 : memref<128x16xf32, #tpu.memory_space<vmem>>) offsets(%dma_start3A_147 : memref<128xi32, #tpu.memory_space<vmem>>) semaphore(%arg19 : memref<!tpu.dma_semaphore, #tpu.memory_space<semaphore_mem>>)
      } else {
      }
    }
    %scan3A_97 = arith.constant 0 : i32
    %scan3A_98 = arith.constant 0 : i32
    %scan3A_99 = arith.constant 4 : i32
    %scan3A_100 = arith.addi %scan3A_98, %scan3A_99 : i32
    %scan3A_101 = arith.constant 1 : i32
    scf.for %scan3A_104 = %scan3A_98 to %scan3A_100 step %scan3A_101  : i32 {
      %dma_wait3A_105 = arith.constant 0 : i32
      %dma_wait3A_106 = arith.constant 0 : i32
      %dma_wait3A_107 = arith.constant 0 : i32
      %dma_wait3A_108 = tpu.memref_slice %arg11[%scan3A_104, %dma_wait3A_106, %dma_wait3A_107] : memref<8x128x16xf32, #tpu.memory_space<vmem>> -> memref<1x128x16xf32, #tpu.memory_space<vmem>>
      %dma_wait3A_109 = tpu.memref_squeeze %dma_wait3A_108 : memref<1x128x16xf32, #tpu.memory_space<vmem>> -> memref<128x16xf32, #tpu.memory_space<vmem>>
      %dma_wait3A_110 = arith.constant 0 : i32
      %dma_wait3A_111 = tpu.memref_slice %arg10[%dma_wait3A_105, %dma_wait3A_110] : memref<82x128xi32, #tpu.memory_space<vmem>> -> memref<1x128xi32, #tpu.memory_space<vmem>>
      %dma_wait3A_112 = tpu.memref_squeeze %dma_wait3A_111 : memref<1x128xi32, #tpu.memory_space<vmem>> -> memref<128xi32, #tpu.memory_space<vmem>>
      %dma_wait3A_113 = arith.constant 0 : i32
      %dma_wait3A_114 = arith.constant 0 : i32
      %dma_wait3A_115 = tpu.memref_slice %arg17[%dma_wait3A_113, %dma_wait3A_114] : memref<10240x16xf32, #tpu.memory_space<vmem_shared>> -> memref<10240x16xf32, #tpu.memory_space<vmem_shared>>
      tpu.wait_indirect_dma semaphore(%arg20 : memref<!tpu.dma_semaphore, #tpu.memory_space<semaphore_mem>>) src(%dma_wait3A_109 : memref<128x16xf32, #tpu.memory_space<vmem>>) dst(%dma_wait3A_115 : memref<10240x16xf32, #tpu.memory_space<vmem_shared>>)
    }
    %scan3A_102 = arith.constant 4 : i32
    %barrier3A_103 = arith.constant 0 : index
    tpu.barrier barrier_id(%barrier3A_103)
    "tpu.region"() ({
      %run_scoped3A = tpu.sem_alloc : memref<!tpu.dma_semaphore, #tpu.memory_space<semaphore_mem>>
      %dma_start3A_104 = arith.constant 0 : i32
      %dma_start3A_105 = tpu.memref_slice %arg7[%arg0, %mul3A_4, %dma_start3A_104] : memref<2x10240x16xf32, #tpu.memory_space<hbm>> -> memref<1x640x16xf32, #tpu.memory_space<hbm>>
      %dma_start3A_106 = tpu.memref_squeeze %dma_start3A_105 : memref<1x640x16xf32, #tpu.memory_space<hbm>> -> memref<640x16xf32, #tpu.memory_space<hbm>>
      %dma_start3A_107 = arith.constant 0 : i32
      %dma_start3A_108 = tpu.memref_slice %arg17[%mul3A_4, %dma_start3A_107] : memref<10240x16xf32, #tpu.memory_space<vmem_shared>> -> memref<640x16xf32, #tpu.memory_space<vmem_shared>>
      tpu.enqueue_dma source(%dma_start3A_108 : memref<640x16xf32, #tpu.memory_space<vmem_shared>>) target(%dma_start3A_106 : memref<640x16xf32, #tpu.memory_space<hbm>>) target_semaphore(%run_scoped3A : memref<!tpu.dma_semaphore, #tpu.memory_space<semaphore_mem>>)
      %dma_wait3A_109 = arith.constant 0 : i32
      %dma_wait3A_110 = tpu.memref_slice %arg7[%arg0, %mul3A_4, %dma_wait3A_109] : memref<2x10240x16xf32, #tpu.memory_space<hbm>> -> memref<1x640x16xf32, #tpu.memory_space<hbm>>
      %dma_wait3A_111 = tpu.memref_squeeze %dma_wait3A_110 : memref<1x640x16xf32, #tpu.memory_space<hbm>> -> memref<640x16xf32, #tpu.memory_space<hbm>>
      %dma_wait3A_112 = arith.constant 0 : i32
      %dma_wait3A_113 = tpu.memref_slice %arg17[%mul3A_4, %dma_wait3A_112] : memref<10240x16xf32, #tpu.memory_space<vmem_shared>> -> memref<640x16xf32, #tpu.memory_space<vmem_shared>>
      tpu.wait_dma2 semaphore(%run_scoped3A : memref<!tpu.dma_semaphore, #tpu.memory_space<semaphore_mem>>) src(%dma_wait3A_113 : memref<640x16xf32, #tpu.memory_space<vmem_shared>>) dst(%dma_wait3A_111 : memref<640x16xf32, #tpu.memory_space<hbm>>)
      tpu.yield
    }) : () -> ()
    return
  }
}

module attributes {stable_mosaic.version = 14 : i64} {
  func.func @_tc_mm1_body(%arg0: memref<10000x128xf32, #tpu.memory_space<vmem>>, %arg1: memref<128x16xf32, #tpu.memory_space<vmem>>, %arg2: memref<1x16xf32, #tpu.memory_space<vmem>>, %arg3: memref<10240x16xf32, #tpu.memory_space<vmem>>) attributes {dimension_semantics = [], scalar_prefetch = 0 : i64, scratch_operands = 0 : i64, tpu.core_type = #tpu.core_type<tc>} {
    %get3A = arith.constant 0 : index
    %get3A_0 = arith.constant 0 : index
    %get3A_1 = vector.load %arg0[%get3A, %get3A_0] : memref<10000x128xf32, #tpu.memory_space<vmem>>, vector<10000x128xf32>
    %get3A_2 = arith.constant 0 : index
    %get3A_3 = arith.constant 0 : index
    %get3A_4 = vector.load %arg1[%get3A_2, %get3A_3] : memref<128x16xf32, #tpu.memory_space<vmem>>, vector<128x16xf32>
    %dot_general3A = arith.constant dense<0.000000e+00> : vector<10000x16xf32>
    %dot_general3A_5 = tpu.matmul %get3A_1, %get3A_4, %dot_general3A {dimension_numbers = #tpu.dot_dimension_numbers<[1], [0], [0], [1], [0, 0, 1, 1], [], []>, transpose_lhs_hint = false} : vector<10000x128xf32>, vector<128x16xf32>, vector<10000x16xf32> -> vector<10000x16xf32>
    %get3A_6 = arith.constant 0 : index
    %get3A_7 = arith.constant 0 : index
    %get3A_8 = vector.load %arg2[%get3A_6, %get3A_7] : memref<1x16xf32, #tpu.memory_space<vmem>>, vector<1x16xf32>
    %add3A = vector.broadcast %get3A_8 : vector<1x16xf32> to vector<10000x16xf32>
    %add3A_9 = arith.addf %dot_general3A_5, %add3A : vector<10000x16xf32>
    %swap3A = arith.constant 0 : index
    %swap3A_10 = arith.constant 0 : index
    %swap3A_11 = vector.load %arg3[%swap3A, %swap3A_10] : memref<10240x16xf32, #tpu.memory_space<vmem>>, vector<10000x16xf32>
    tpu.vector_store %arg3[%swap3A, %swap3A_10], %add3A_9 {strides = array<i32>} : memref<10240x16xf32, #tpu.memory_space<vmem>>, vector<10000x16xf32>,
    return
  }
}

module attributes {stable_mosaic.version = 14 : i64} {
  func.func @_tc_out_body(%arg0: memref<10240x16xf32, #tpu.memory_space<vmem>>, %arg1: memref<10240x16xf32, #tpu.memory_space<vmem>>, %arg2: memref<2x10240x16xf32, #tpu.memory_space<vmem>>, %arg3: memref<16x128xf32, #tpu.memory_space<vmem>>, %arg4: memref<1x128xf32, #tpu.memory_space<vmem>>, %arg5: memref<10000x128xf32, #tpu.memory_space<vmem>>) attributes {dimension_semantics = [], scalar_prefetch = 0 : i64, scratch_operands = 0 : i64, tpu.core_type = #tpu.core_type<tc>} {
    %get3A = arith.constant 0 : index
    %get3A_0 = arith.constant 0 : index
    %get3A_1 = vector.load %arg0[%get3A, %get3A_0] : memref<10240x16xf32, #tpu.memory_space<vmem>>, vector<10240x16xf32>
    %get3A_2 = arith.constant 0 : index
    %get3A_3 = arith.constant 0 : index
    %get3A_4 = arith.constant 0 : index
    %get3A_5 = vector.load %arg2[%get3A_2, %get3A_3, %get3A_4] : memref<2x10240x16xf32, #tpu.memory_space<vmem>>, vector<1x10240x16xf32>
    %get3A_6 = vector.shape_cast %get3A_5 : vector<1x10240x16xf32> to vector<10240x16xf32>
    %get3A_7 = arith.constant 1 : index
    %get3A_8 = arith.constant 0 : index
    %get3A_9 = arith.constant 0 : index
    %get3A_10 = vector.load %arg2[%get3A_7, %get3A_8, %get3A_9] : memref<2x10240x16xf32, #tpu.memory_space<vmem>>, vector<1x10240x16xf32>
    %get3A_11 = vector.shape_cast %get3A_10 : vector<1x10240x16xf32> to vector<10240x16xf32>
    %add3A = arith.addf %get3A_6, %get3A_11 : vector<10240x16xf32>
    %get3A_12 = arith.constant 0 : index
    %get3A_13 = arith.constant 0 : index
    %get3A_14 = vector.load %arg1[%get3A_12, %get3A_13] : memref<10240x16xf32, #tpu.memory_space<vmem>>, vector<10240x16xf32>
    %add3A_15 = arith.addf %add3A, %get3A_14 : vector<10240x16xf32>
    %mul3A = arith.mulf %get3A_1, %add3A_15 : vector<10240x16xf32>
    %slice3A = vector.extract_strided_slice %mul3A {offsets = [0, 0], sizes = [10000, 16], strides = [1, 1]} : vector<10240x16xf32> to vector<10000x16xf32>
    %get3A_16 = arith.constant 0 : index
    %get3A_17 = arith.constant 0 : index
    %get3A_18 = vector.load %arg3[%get3A_16, %get3A_17] : memref<16x128xf32, #tpu.memory_space<vmem>>, vector<16x128xf32>
    %dot_general3A = arith.constant dense<0.000000e+00> : vector<10000x128xf32>
    %dot_general3A_19 = tpu.matmul %slice3A, %get3A_18, %dot_general3A {dimension_numbers = #tpu.dot_dimension_numbers<[1], [0], [0], [1], [0, 0, 1, 1], [], []>, transpose_lhs_hint = false} : vector<10000x16xf32>, vector<16x128xf32>, vector<10000x128xf32> -> vector<10000x128xf32>
    %get3A_20 = arith.constant 0 : index
    %get3A_21 = arith.constant 0 : index
    %get3A_22 = vector.load %arg4[%get3A_20, %get3A_21] : memref<1x128xf32, #tpu.memory_space<vmem>>, vector<1x128xf32>
    %add3A_23 = vector.broadcast %get3A_22 : vector<1x128xf32> to vector<10000x128xf32>
    %add3A_24 = arith.addf %dot_general3A_19, %add3A_23 : vector<10000x128xf32>
    %swap3A = arith.constant 0 : index
    %swap3A_25 = arith.constant 0 : index
    %swap3A_26 = vector.load %arg5[%swap3A, %swap3A_25] : memref<10000x128xf32, #tpu.memory_space<vmem>>, vector<10000x128xf32>
    tpu.vector_store %arg5[%swap3A, %swap3A_25], %add3A_24 {strides = array<i32>} : memref<10000x128xf32, #tpu.memory_space<vmem>>, vector<10000x128xf32>,
    return
  }
}

</mosaic_0001>

<sc_bundles>
// kernel: kernel.10.cloned.1.call-start
scs
__scs_entry_jumppad:
0x0: {  	(pc) =	sbr.rel $0x88, $3  }
0x1: {  	(tag) =	ssettag $0x0;
	lr =	simm.s32 $0x1  }
0x2: {  	[smem:$0x3F9B] =	sst lr;
	_ =	strace $0xD0000000  }
0x3: {  	_ = 	snop  }
0x4: {  	_ = 	snop  }
0x5: {  	_ = 	snop  }
0x6: {  	_ = 	snop  }
0x7: {  	_ = 	snop  }
__scs_overlays_trampoline_lowered:
0x8: {  	[smem:$0x3FAA] =	sst s0  }
0x9: {  	[smem:$0x3FAB] =	sst s1  }
0xa: {  	[smem:$0x3FAC] =	sst s2  }
0xb: {  	[smem:$0x3FAD] =	sst s3  }
0xc: {  	[smem:$0x3FAE] =	sst s4  }
0xd: {  	[smem:$0x3FAF] =	sst s5  }
0xe: {  	[smem:$0x3FB0] =	sst s6  }
0xf: {  	[smem:$0x3FB1] =	sst s7  }
0x10: {  	[smem:$0x3FB2] =	sst s8  }
0x11: {  	[smem:$0x3FB3] =	sst s9;
	s0 =	simm.s32 @!p0 $0x0  }
0x12: {  	s1 =	sld [smem:$0x3F99];
	s0 =	simm.s32 @p0 $0x1  }
0x13: {  	[smem:$0x3FB4] =	sst s0;
	s0 =	simm.s32 @!p1 $0x0  }
0x14: {  	s2 =	sld [smem:$0x3F98];
	s0 =	simm.s32 @p1 $0x1  }
0x15: {  	[smem:$0x3FB5] =	sst s0;
	s0 =	simm.s32 @!p2 $0x0  }
0x16: {  	s3 =	sld [smem:$0x3FDB];
	s0 =	simm.s32 @p2 $0x1  }
0x17: {  	s4 =	simm.s32 $0x1BF5;
	[smem:$0x3FB7] =	sst s0  }
0x18: {  	s0 =	sld [smem:$0x3F9A];
	_ =	swait.ge [sflag:s4], $0x0  }
0x19: {  	s7 =	sld [smem:$0x3F9B]  }
0x1a: {  	s8 =	sadd.s32 $0xFFFFE003, lr  }
0x1b: {  	s9 =	sadd.s32 $0xFFFFFEF7, lr;
	s5 =	simm.s32 $0xFFFFFFFF;
	p2 =	slt.u32 s8, $0xFFFFF086  }
0x1c: {  	p1 =	slt.u32 s9, $0xF7A;
	s5 =	simm.s32 @!p2 $0x0  }
0x1d: {  	s5 =	simm.s32 @p1 $0x1;
	p0 =	seq.s32 s7, s2  }
0x1e: {  	s7 =	smul.u32 @!p0 $0xF7A, s2;
	p2 =	seq.s32 @!p0 s5, $0x0  }
0x1f: {  	s9 =	smul.u32 $0xF7A, s1;
	s8 =	simm.s32 @!p0 $0x1BF5;
	p2 =	por !p2, p0  }
0x20: {  	[sflag:s8] =	ssyncset.s32 @!p0 $0xFFFFF086;
	s6 =	sadd.s32 @!p0 s3, s7;
	s7 =	simm.s32 @!p0 $0x108  }
0x21: {  	s3 =	sadd.s32 s3, s9;
	s6 =	sadd.s32 @!p0 $0x88, s6;
	s7 =	simm.s32 @p2 $0x1082  }
0x22: {  	[simem:s7], [sflag:s8] =	dma.local @!p0 [hbm:s6], $0xF7A  }
0x23: {  	s9 =	sor.u32 $0xD0000000, s2;
	s6 =	simm.s32 $0x108;
	_ =	swait.ge @!p0 [sflag:s8], $0x0  }
0x24: {  	s3 =	sadd.s32 $0x88, s3;
	s6 =	simm.s32 @!p1 $0x1082;
	[sflag:s4] =	ssyncset.s32 $0xFFFFF086  }
0x25: {  	[simem:s6], [sflag:s4] =	dma.local [hbm:s3], $0xF7A  }
0x26: {  	[smem:$0x3F9B] =	sst s1;
	(tag) =	ssettag s2;
	_ =	strace s9  }
0x27: {  	s1 =	sld [smem:$0x3FAB]  }
0x28: {  	s2 =	sld [smem:$0x3FAC]  }
0x29: {  	s4 =	sld [smem:$0x3FAE]  }
0x2a: {  	p0 =	seq.s32 s5, $0x0;
	s5 =	sld [smem:$0x3FAF]  }
0x2b: {  	s6 =	sld [smem:$0x3FB0]  }
0x2c: {  	s7 =	sld [smem:$0x3FB1]  }
0x2d: {  	s3 =	simm.s32 $0x108;
	s8 =	sld [smem:$0x3FB2]  }
0x2e: {  	s3 =	simm.s32 @!p0 $0x1082;
	s9 =	sld [smem:$0x3FB3]  }
0x2f: {  	lr =	sadd.s32 s0, s3;
	s0 =	sld [smem:$0x3FAA]  }
0x30: {  	s3 =	sld [smem:$0x3FAD]  }
0x31: {  	[smem:$0x3FB6] =	sst s10  }
0x32: {  	s10 =	sld [smem:$0x3FB4];
	_ =	sdelay $0x3  }
0x33: {  	p0 =	seq.s32 s10, $0x1;
	s10 =	sld [smem:$0x3FB6];
	_ =	sdelay $0x3  }
0x34: {  	[smem:$0x3FB6] =	sst s10  }
0x35: {  	s10 =	sld [smem:$0x3FB5];
	_ =	sdelay $0x3  }
0x36: {  	p1 =	seq.s32 s10, $0x1;
	s10 =	sld [smem:$0x3FB6];
	_ =	sdelay $0x3  }
0x37: {  	[smem:$0x3FB6] =	sst s10  }
0x38: {  	s10 =	sld [smem:$0x3FB7]  }
0x39: {  	_ = 	snop;
	(pc) =	sbr.ind lr, $3  }
0x3a: {  	_ = 	snop  }
0x3b: {  	_ = 	snop  }
0x3c: {  	p2 =	seq.s32 s10, $0x1;
	s10 =	sld [smem:$0x3FB6]  }
0x3d: {  	_ =	shalt  }
0x3e: {  	_ =	shalt  }
0x3f: {  	_ =	shalt  }
0x40: {  	_ =	shalt  }
0x41: {  	_ =	shalt  }
0x42: {  	_ =	shalt  }
0x43: {  	_ =	shalt  }
0x44: {  	_ =	shalt  }
0x45: {  	_ =	shalt  }
0x46: {  	_ =	shalt  }
0x47: {  	_ =	shalt  }
0x48: {  	_ =	shalt  }
0x49: {  	_ =	shalt  }
0x4a: {  	_ =	shalt  }
0x4b: {  	_ =	shalt  }
0x4c: {  	_ =	shalt  }
0x4d: {  	_ =	shalt  }
0x4e: {  	_ =	shalt  }
0x4f: {  	_ =	shalt  }
0x50: {  	_ =	shalt  }
0x51: {  	_ =	shalt  }
0x52: {  	_ =	shalt  }
0x53: {  	_ =	shalt  }
0x54: {  	_ =	shalt  }
0x55: {  	_ =	shalt  }
0x56: {  	_ =	shalt  }
0x57: {  	_ =	shalt  }
0x58: {  	_ =	shalt  }
0x59: {  	_ =	shalt  }
0x5a: {  	_ =	shalt  }
0x5b: {  	_ =	shalt  }
0x5c: {  	_ =	shalt  }
0x5d: {  	_ =	shalt  }
0x5e: {  	_ =	shalt  }
0x5f: {  	_ =	shalt  }
0x60: {  	_ =	shalt  }
0x61: {  	_ =	shalt  }
0x62: {  	_ =	shalt  }
0x63: {  	_ =	shalt  }
0x64: {  	_ =	shalt  }
0x65: {  	_ =	shalt  }
0x66: {  	_ =	shalt  }
0x67: {  	_ =	shalt  }
0x68: {  	_ =	shalt  }
0x69: {  	_ =	shalt  }
0x6a: {  	_ =	shalt  }
0x6b: {  	_ =	shalt  }
0x6c: {  	_ =	shalt  }
0x6d: {  	_ =	shalt  }
0x6e: {  	_ =	shalt  }
0x6f: {  	_ =	shalt  }
0x70: {  	_ =	shalt  }
0x71: {  	_ =	shalt  }
0x72: {  	_ =	shalt  }
0x73: {  	_ =	shalt  }
0x74: {  	_ =	shalt  }
0x75: {  	_ =	shalt  }
0x76: {  	_ =	shalt  }
0x77: {  	_ =	shalt  }
0x78: {  	_ =	shalt  }
0x79: {  	_ =	shalt  }
0x7a: {  	_ =	shalt  }
0x7b: {  	_ =	shalt  }
0x7c: {  	_ =	shalt  }
0x7d: {  	_ =	shalt  }
0x7e: {  	_ =	shalt  }
0x7f: {  	_ =	shalt  }
0x80: {  	_ =	shalt  }
0x81: {  	_ =	shalt  }
0x82: {  	_ =	shalt  }
0x83: {  	_ =	shalt  }
0x84: {  	_ =	shalt  }
0x85: {  	_ =	shalt  }
0x86: {  	_ =	shalt  }
0x87: {  	_ =	shalt  }
.Lfunc_end0:
.L_simem_size_0:
called_computation.1_lowered:
.L_overlay_start_0:
0x88: {  	s2 =	sld [smem:$0x3FD9]  }
0x89: {  	s3 =	sld [smem:$0x3FFE];
	_ =	sdelay $0x1  }
0x8a: {  	s1 =	srdreg.scid  }
0x8b: {  	s0 =	sand.u32 $0x1, s1  }
0x8c: {  	s17 =	sshll.u32 s0, $0xA;
	s2 =	sadd.s32 s3, s2  }
0x8d: {  	s2 =	sadd.s32 s2, s17  }
0x8e: {  	[smem:$0x3FC2] =	sst s2  }
0x8f: {  	_ = 	snop  }
0x90: {  	s2 =	sld [smem:$0x3FD0];
	(tm) =	ssettm $0x1  }
0x91: {  	s18 =	sld [smem:$0x3FFB];
	_ =	sdelay $0x3  }
0x92: {  	_ =	strace s18  }
0x93: {  	s3 =	sld [smem:$0x3FFC];
	_ =	sdelay $0x3  }
0x94: {  	_ =	strace s3  }
0x95: {  	s3 =	sld [smem:$0x3FFD];
	_ =	sdelay $0x3  }
0x96: {  	_ =	strace s3  }
0x97: {  	_ =	strace $0x8FFFFFFF  }
0x98: {  	s19 =	sld [smem:$0x3FDB];
	_ =	sdelay $0x1  }
0x99: {  	s4 =	simm.s32 $_scs_section_size  }
0x9a: {  	s5 =	simm.s32 $_size__tile_overlayer_lowered;
	s6 =	simm.s32 $_tile_overlayer_lowered  }
0x9b: {  	s22 =	simm.s32 $0x1BFF;
	s21 =	sshll.u32 s6, $0x1;
	s3 =	sadd.s32 s4, s19  }
0x9c: {  	s7 =	simm.s32 $0x0;
	s20 =	sshll.u32 s5, $0x1;
	s5 =	sadd.s32 s21, s3  }
0x9d: {  	[timem:s7], [sflag:s22] =	dma.local [hbm:s5], s20  }
0x9e: {  	_ =	swait.ge [sflag:s22], s20  }
0x9f: {  	s4 =	ssub.s32 $0x0, s20;
	[sflag:s22] =	ssyncset.done $0x0  }
0xa0: {  	[sflag:s22] =	ssyncadd.s32 s4;
	_ =	sdelay $0x1  }
0xa1: {  	s23 =	simm.s32 $0x1B8B  }
0xa2: {  	_ =	swait.ge [sflag:s23], $0x1  }
0xa3: {  	[sflag:s23] =	ssyncset.done $0x0  }
0xa4: {  	s25 =	simm.s32 $0x1B8E;
	s24 =	sld [smem:$0x3FFE];
	[sflag:s23] =	ssyncadd.s32 $0xFFFFFFFF  }
0xa5: {  	s26 =	simm.s32 $execute0_lowered;
	[smem:$0x3FD2] =	sst s25  }
0xa6: {  	s5 =	sshll.u32 s26, $0x1;
	_ =	strace $0x80000049;
	[dreg:$0x1] =	wrdreg $0xFFFFFFFF  }
0xa7: {  	s28 =	simm.s32 $_size_execute0_lowered;
	s3 =	sadd.s32 s3, s5;
	[dreg:$0x0] =	wrdreg $0x0  }
0xa8: {  	s5 =	sshll.u32 s28, $0x1;
	[dreg:$0x2] =	wrdreg s3  }
0xa9: {  	[dreg:$0x3] =	wrdreg s5  }
0xaa: {  	[dreg:$0x4] =	wrdreg $0xC0  }
0xab: {  	_ =	task [dreg:s7], $0x5FFFF  }
0xac: {  	[dreg:$0x1] =	wrdreg $0xFFFFFFFF  }
0xad: {  	[dreg:$0x0] =	wrdreg $0x60  }
0xae: {  	[dreg:$0x2] =	wrdreg s2  }
0xaf: {  	[dreg:$0x3] =	wrdreg s24  }
0xb0: {  	[dreg:$0x4] =	wrdreg $0x15A000  }
0xb1: {  	[dreg:$0x5] =	wrdreg $0x182000  }
0xb2: {  	[dreg:$0x6] =	wrdreg $0x9  }
0xb3: {  	_ =	task.clear_ibuf [dreg:s7], $0x7FFFF;
	_ =	strace $0x90000049  }
0xb4: {  	s29 =	simm.s32 $0x9;
	_ =	strace $0x8000004B  }
0xb5: {  	_ =	swait.ge [sflag:s29], $0x1  }
0xb6: {  	[sflag:s29] =	ssyncadd.s32 $0xFFFFFFFF  }
0xb7: {  	_ =	strace $0x9000004B  }
0xb8: {  	_ =	sfence  }
0xb9: {  	s30 =	sld [smem:$0x0];
	_ =	sdelay $0x2  }
0xba: {  	s31 =	sshll.u32 s1, $0xD;
	s1 =	sshrl.u32 s1, $0x2  }
0xbb: {  	s3 =	sand.u32 $0x4000, s31;
	s1 =	sadd.s32 s1, s30  }
0xbc: {  	s0 =	sor.u32 s3, s0;
	s1 =	sshll.u32 s1, $0x11  }
0xbd: {  	s0 =	sor.u32 s1, s0  }
0xbe: {  	s0 =	sadd.s32 $0x8F2B, s0  }
0xbf: {  	[sflag:s0] =	ssyncadd.remote.s32 $0x1  }
0xc0: {  	_ =	sfence.sel $0xFFFF  }
0xc1: {  	[dreg:$0x0] =	wrdreg $0xFFFFFFFF;
	(pc) =	sbr.abs _section_cstart, $3  }
0xc2: {  	[dreg:$0x1] =	wrdreg $0xFFFFFFFF  }
0xc3: {  	_ =	task.clear_ibuf [dreg:s7], $0x2FFFF;
	_ =	strace $0x9FFFFFFF  }
0xc4: {  	(tm) =	ssettm $0x7FFFFFFF  }
0xc5: {  	_ =	shalt  }
tec
execute0_lowered:
.L_overlay_start_1:
0x0: {  	(tag) =	ssettag $0x1  }
0x1: {  	s0 =	rddreg [dreg:$0x0]  }
0x2: {  	s1 =	srdreg.scid;
	s6 =	rddreg [dreg:$0x1]  }
0x3: {  	s13 =	stileid.u32;
	s2 =	rddreg [dreg:$0x2]  }
0x4: {  	s3 =	rddreg [dreg:$0x3];
	s4 =	simm.s32 $0x0;
	s29 =	simm.s32 $0x3  }
0x5: {  	s30 =	simm.s32 $0x80;
	s31 =	simm.s32 $0x5200;
	s28 =	simm.s32 $0x2  }
0x6: {  	s1 =	sand.u32 $0x1, s1;
	s7 =	smul.u32 $0x2800, s13;
	[smem:$0x7FF] =	sst s4  }
0x7: {  	s5 =	smul.u32 $0x28000, s1;
	_ =	strace $0x8000004A;
	s21 =	sshll.u32 s1, $0x4  }
0x8: {  	s10 =	ssub.s32 $0x2, s1;
	p1 =	sne.s32 s1, $0x0;
	s1 =	simm.s32 $0x5A00  }
0x9: {  	s9 =	sshrl.u32 s7, $0x3;
	s11 =	sor.u32 s13, s21;
	s12 =	sshrl.u32 s10, $0x1  }
0xa: {  	s16 =	sadd.s32 s7, s3;
	s5 =	sadd.s32 s7, s5;
	p0 =	seq.s32 s11, $0x1F  }
0xb: {  	s9 =	sadd.s32 s9, s6;
	s10 =	ssub.s32 s10, s12;
	s22 =	smul.u32 $0x2700, s11  }
0xc: {  	s12 =	sadd.s32 s7, s2;
	s24 =	smul.u32 $0x4E0, s11;
	s5 =	sshrl.u32 s5, $0x3  }
0xd: {  	s14 =	sadd.s32 $0x2A00, s9;
	s15 =	sadd.s32 $0x7A00, s9;
	s25 =	sadd.s32 $0xCA00, s9  }
0xe: {  	s26 =	sadd.s32 $0x11A00, s9;
	s17 =	sadd.s32 $0x20A00, s9;
	[dreg:$0x5] =	wrdreg s14  }
0xf: {  	s18 =	sadd.s32 $0x25A00, s9;
	s20 =	smax.u32 s10, $0x1;
	[dreg:$0x7] =	wrdreg s15  }
0x10: {  	s8 =	sadd.s32 s5, s6;
	s5 =	simm.s32 $0x52;
	[dreg:$0x8] =	wrdreg s25  }
0x11: {  	s6 =	sshll.u32 s13, $0x6;
	s13 =	sshrl.u32 s22, $0x3;
	[dreg:$0x9] =	wrdreg s26  }
0x12: {  	s14 =	sadd.s32 s0, s24;
	s15 =	sadd.s32 $0x13360, s0;
	s22 =	sshrl.u32 s12, $0x3  }
0x13: {  	s26 =	simm.s32 $0x1;
	s25 =	simm.s32 $0x6A00;
	s5 =	simm.s32 @!p0 $0x4E  }
0x14: {  	s23 =	sor.u32 $0x1C01, s6;
	[dreg:$0xa] =	wrdreg s14;
	s13 =	sadd.s32 s0, s13  }
0x15: {  	s14 =	sadd.s32 $0x9720, s0;
	s19 =	sadd.s32 $0x16A00, s8;
	p0 =	sne.s32 s11, $0x1F  }
0x16: {  	s0 =	simm.s32 $0x0;
	[dreg:$0x6] =	wrdreg s23;
	s13 =	sadd.s32 $0x9C40, s13  }
0x17: {  	s21 =	sshll.u32 s5, $0xD;
	s23 =	simm.s32 $0x6200;
	[dreg:$0xb] =	wrdreg s13  }
.LBB2_1:
0x18: {  	s7 =	rddreg [dreg:$0x5]  }
0x19: {  	s8 =	rddreg [dreg:$0x6]  }
0x1a: {  	[spmem:s22], [sflag:s8] =	dma.local [hbm:s7], $0x500  }
0x1b: {  	s10 =	simm.s32 $0x9200;
	s7 =	rddreg [dreg:$0x7]  }
0x1c: {  	[tilespmem:s10], [sflag:$0x1] =	stream.linear.gather [hbm4b:s7+s4], $0x2800, $0x38;
	[tilespmem:$0x1AA00] =	vst v63  }
0x1d: {  	s12 =	simm.s32 $0xBA00;
	s11 =	rddreg [dreg:$0x8]  }
0x1e: {  	[tilespmem:s12], [sflag:$0x1] =	stream.linear.gather [hbm4b:s11+s4], $0x2800, $0x38;
	[tilespmem:$0x1AA00] =	vst v63  }
0x1f: {  	s24 =	simm.s32 $0xE200;
	s13 =	rddreg [dreg:$0x9]  }
0x20: {  	[tilespmem:s24], [sflag:$0x1] =	stream.linear.gather [hbm4b:s13+s4], $0x2800, $0x38;
	[tilespmem:$0x1AA00] =	vst v63  }
0x21: {  	s8 =	rddreg [dreg:$0xa];
	s7 =	simm.s32 @p0 $0x0  }
0x22: {  	[tilespmem:s7], [sflag:$0x3] =	stream.linear.gather @p0 [hbm4b:s8+s7], $0x2700, $0x38;
	[tilespmem:$0x1AA00] =	vst v63  }
0x23: {  	s8 =	simm.s32 @p0 $0x3  }
0x24: {  	_ =	swait.ge @p0 [sflag:s8], $0x2700  }
0x25: {  	[sflag:s8] =	ssyncset.done @p0 $0x0  }
0x26: {  	s9 =	simm.s32 @p0 $0x2900;
	s10 =	rddreg [dreg:$0xb];
	[sflag:s8] =	ssyncadd.s32 @p0 $0xFFFFD900  }
0x27: {  	[tilespmem:s9], [sflag:$0x3] =	stream.linear.gather @p0 [hbm4b:s10+s7], $0x2700, $0x38;
	[tilespmem:$0x1AA00] =	vst v63  }
0x28: {  	_ =	swait.ge @p0 [sflag:s8], $0x2700  }
0x29: {  	[sflag:s8] =	ssyncset.done @p0 $0x0  }
0x2a: {  	s7 =	simm.s32 @!p0 $0x0;
	[sflag:s8] =	ssyncadd.s32 @p0 $0xFFFFD900;
	s8 =	simm.s32 @!p0 $0x3  }
0x2b: {  	[tilespmem:s7], [sflag:$0x3] =	stream.linear.gather @!p0 [hbm4b:s14+s7], $0x2900, $0x38;
	[tilespmem:$0x1AA00] =	vst v63  }
0x2c: {  	_ =	swait.ge @!p0 [sflag:s8], $0x2900  }
0x2d: {  	[sflag:s8] =	ssyncset.done @!p0 $0x0  }
0x2e: {  	s9 =	simm.s32 @!p0 $0x2900;
	[sflag:s8] =	ssyncadd.s32 @!p0 $0xFFFFD700  }
0x2f: {  	[tilespmem:s9], [sflag:$0x3] =	stream.linear.gather @!p0 [hbm4b:s15+s7], $0x2900, $0x38;
	[tilespmem:$0x1AA00] =	vst v63  }
0x30: {  	_ =	swait.ge @!p0 [sflag:s8], $0x2900  }
0x31: {  	[sflag:s8] =	ssyncset.done @!p0 $0x0  }
0x32: {  	[sflag:s8] =	ssyncadd.s32 @!p0 $0xFFFFD700  }
0x33: {  	_ =	swait.ge [sflag:s26], $0x500  }
0x34: {  	[sflag:s26] =	ssyncset.done $0x0  }
0x35: {  	[sflag:s26] =	ssyncadd.s32 $0xFFFFFB00  }
0x36: {  	_ =	swait.ge [sflag:s26], $0x2800  }
0x37: {  	[sflag:s26] =	ssyncset.done $0x0  }
0x38: {  	[sflag:s26] =	ssyncadd.s32 $0xFFFFD800  }
0x39: {  	_ =	swait.ge [sflag:s26], $0x2800  }
0x3a: {  	[sflag:s26] =	ssyncset.done $0x0  }
0x3b: {  	[sflag:s26] =	ssyncadd.s32 $0xFFFFD800  }
0x3c: {  	_ =	swait.ge [sflag:s26], $0x2800  }
0x3d: {  	[sflag:s26] =	ssyncset.done $0x0  }
0x3e: {  	s8 =	simm.s32 $0x0;
	[sflag:s26] =	ssyncadd.s32 $0xFFFFD800  }
0x3f: {  	v0 =	vld [tilespmem:s8+$0xBA10]  }
0x40: {  	v1 =	vld [tilespmem:s8+$0x9220]  }
0x41: {  	v2 =	vld [tilespmem:s8+$0xBA20]  }
0x42: {  	v5 =	vld [tilespmem:s8+$0x9210]  }
0x43: {  	v3 =	vld [tilespmem:s8+$0x9200]  }
0x44: {  	v4 =	vld [tilespmem:s8+$0xBA00];
	_ =	sdelay $0x1  }
0x45: {  	v6 =	vld [tilespmem:s8+$0xBA30];
	v1 =	vadd.f32 v2, v1  }
0x46: {  	v2 =	vld [tilespmem:s8+$0x9230];
	v0 =	vadd.f32 v0, v5  }
0x47: {  	v1 =	vadd.f32 $1.000000000e+00, v1  }
0x48: {  	v3 =	vadd.f32 v4, v3;
	v0 =	vadd.f32 $1.000000000e+00, v0  }
0x49: {  	v4 =	vshrl.u32 v1, $0x1;
	v7 =	vmul.f32 $5.000000000e-01, v1  }
0x4a: {  	v1 =	vadd.f32 $1.000000000e+00, v3;
	v5 =	vshrl.u32 v0, $0x1;
	v3 =	vsub.s32 $0x5F3759DF, v4  }
0x4b: {  	s24 =	simm.s32 $0x40;
	v10 =	vmul.f32 $5.000000000e-01, v0;
	v2 =	vadd.f32 v6, v2;
	v4 =	vmul.f32 v3, v7  }
0x4c: {  	v8 =	vld [tilespmem:s24+$0x9200];
	v0 =	vsub.s32 $0x5F3759DF, v5;
	v9 =	vmul.f32 $5.000000000e-01, v1;
	v1 =	vshrl.u32 v1, $0x1  }
0x4d: {  	v12 =	vld [tilespmem:s24+$0xBA00];
	v2 =	vadd.f32 $1.000000000e+00, v2;
	v1 =	vsub.s32 $0x5F3759DF, v1;
	v4 =	vmul.f32 v3, v4  }
0x4e: {  	v15 =	vld [tilespmem:s24+$0x9220];
	v14 =	vmul.f32 v0, v10;
	v5 =	vmul.f32 v1, v9  }
0x4f: {  	v6 =	vld [tilespmem:s24+$0xBA10];
	v13 =	vshrl.u32 v2, $0x1;
	v11 =	vmul.f32 $5.000000000e-01, v2;
	v2 =	vsub.f32 $1.500000000e+00, v4  }
0x50: {  	v14 =	vmul.f32 v0, v14;
	v4 =	vld [tilespmem:s24+$0x9210]  }
0x51: {  	v5 =	vmul.f32 v1, v5;
	v13 =	vsub.s32 $0x5F3759DF, v13;
	v3 =	vmul.f32 v3, v2;
	v2 =	vld [tilespmem:s24+$0xBA20]  }
0x52: {  	v12 =	vadd.f32 v12, v8;
	v14 =	vsub.f32 $1.500000000e+00, v14;
	v16 =	vmul.f32 v13, v11  }
0x53: {  	v5 =	vsub.f32 $1.500000000e+00, v5  }
0x54: {  	v18 =	vld [tilespmem:s24+$0x9230];
	v14 =	vmul.f32 v0, v14;
	v0 =	vadd.f32 $1.000000000e+00, v12;
	v16 =	vmul.f32 v13, v16  }
0x55: {  	v17 =	vmul.f32 v3, v7;
	v1 =	vmul.f32 v1, v5;
	v5 =	vld [tilespmem:s24+$0xBA30];
	v4 =	vadd.f32 v6, v4  }
0x56: {  	v12 =	vmul.f32 v14, v10;
	v16 =	vsub.f32 $1.500000000e+00, v16;
	v2 =	vadd.f32 v2, v15  }
0x57: {  	v17 =	vmul.f32 v17, v3;
	v19 =	vmul.f32 v1, v9;
	v4 =	vadd.f32 $1.000000000e+00, v4  }
0x58: {  	v12 =	vmul.f32 v12, v14;
	v8 =	vmul.f32 v13, v16;
	v2 =	vadd.f32 $1.000000000e+00, v2  }
0x59: {  	v13 =	vmul.f32 $5.000000000e-01, v0;
	v6 =	vmul.f32 v19, v1;
	v15 =	vshrl.u32 v4, $0x1  }
0x5a: {  	v16 =	vshrl.u32 v2, $0x1;
	v19 =	vmul.f32 $5.000000000e-01, v2;
	v2 =	vadd.f32 v5, v18  }
0x5b: {  	v5 =	vshrl.u32 v0, $0x1;
	v0 =	vmul.f32 $5.000000000e-01, v4;
	v16 =	vsub.s32 $0x5F3759DF, v16  }
0x5c: {  	v4 =	vsub.s32 $0x5F3759DF, v5;
	v5 =	vmul.f32 v16, v19;
	v2 =	vadd.f32 $1.000000000e+00, v2  }
0x5d: {  	s7 =	simm.s32 $0x80;
	v12 =	vsub.f32 $1.500000000e+00, v12;
	v15 =	vsub.s32 $0x5F3759DF, v15;
	v18 =	vmul.f32 v4, v13  }
0x5e: {  	v21 =	vld [tilespmem:s7+$0xBA10];
	v5 =	vmul.f32 v16, v5;
	v22 =	vshrl.u32 v2, $0x1;
	v2 =	vmul.f32 $5.000000000e-01, v2  }
0x5f: {  	v23 =	vld [tilespmem:s7+$0x9200];
	v20 =	vmul.f32 v15, v0;
	v18 =	vmul.f32 v4, v18;
	v22 =	vsub.s32 $0x5F3759DF, v22  }
0x60: {  	v24 =	vld [tilespmem:s7+$0xBA00];
	v27 =	vmul.f32 v8, v11;
	v5 =	vsub.f32 $1.500000000e+00, v5;
	v25 =	vmul.f32 v22, v2  }
0x61: {  	v26 =	vld [tilespmem:s7+$0x9210];
	v12 =	vmul.f32 v12, v14;
	v20 =	vmul.f32 v15, v20;
	v18 =	vsub.f32 $1.500000000e+00, v18  }
0x62: {  	v28 =	vmul.f32 v16, v5;
	v16 =	vsub.f32 $1.500000000e+00, v6;
	v6 =	vmul.f32 v22, v25  }
0x63: {  	v27 =	vmul.f32 v27, v8;
	v20 =	vsub.f32 $1.500000000e+00, v20;
	v5 =	vld [tilespmem:s7+$0x9220];
	v18 =	vmul.f32 v4, v18  }
0x64: {  	v34 =	vmul.f32 v12, v10;
	v4 =	vld [tilespmem:s7+$0xBA20];
	v25 =	vmul.f32 v28, v19;
	v6 =	vsub.f32 $1.500000000e+00, v6  }
0x65: {  	v29 =	vld [tilespmem:s7+$0xBA30];
	v23 =	vadd.f32 v24, v23;
	v32 =	vmul.f32 v15, v20;
	v30 =	vmul.f32 v18, v13  }
0x66: {  	v24 =	vld [tilespmem:s7+$0x9230];
	v15 =	vadd.f32 v21, v26;
	v25 =	vmul.f32 v25, v28;
	v6 =	vmul.f32 v22, v6  }
0x67: {  	v21 =	vadd.f32 $1.000000000e+00, v23;
	v20 =	vmul.f32 v30, v18;
	v22 =	vmul.f32 v16, v1  }
0x68: {  	v1 =	vadd.f32 $1.000000000e+00, v15;
	v15 =	vsub.f32 $1.500000000e+00, v17;
	v16 =	vmul.f32 v32, v0  }
0x69: {  	v4 =	vadd.f32 v4, v5;
	v5 =	vmul.f32 $5.000000000e-01, v21;
	v21 =	vshrl.u32 v21, $0x1  }
0x6a: {  	v9 =	vmul.f32 v22, v9;
	v17 =	vshrl.u32 v1, $0x1;
	v1 =	vmul.f32 $5.000000000e-01, v1  }
0x6b: {  	v26 =	vmul.f32 v15, v3;
	v3 =	vadd.f32 v29, v24;
	v21 =	vsub.s32 $0x5F3759DF, v21  }
0x6c: {  	v4 =	vadd.f32 $1.000000000e+00, v4;
	v15 =	vsub.s32 $0x5F3759DF, v17;
	v29 =	vmul.f32 v21, v5  }
0x6d: {  	v20 =	vsub.f32 $1.500000000e+00, v20;
	v7 =	vmul.f32 v26, v7;
	v24 =	vmul.f32 v15, v1  }
0x6e: {  	v9 =	vmul.f32 v9, v22;
	v17 =	vshrl.u32 v4, $0x1;
	v4 =	vmul.f32 $5.000000000e-01, v4  }
0x6f: {  	v18 =	vmul.f32 v20, v18;
	v14 =	vmul.f32 v21, v29;
	v17 =	vsub.s32 $0x5F3759DF, v17  }
0x70: {  	v3 =	vadd.f32 $1.000000000e+00, v3;
	v29 =	vmul.f32 v16, v32;
	v23 =	vmul.f32 v17, v4  }
0x71: {  	v7 =	vmul.f32 v7, v26;
	v24 =	vmul.f32 v15, v24  }
0x72: {  	s9 =	simm.s32 $0xC0;
	v37 =	vld [tilespmem:s8+$0xE200];
	v30 =	vshrl.u32 v3, $0x1;
	v41 =	vsub.f32 $1.500000000e+00, v9;
	v23 =	vmul.f32 v17, v23  }
0x73: {  	v33 =	vld [tilespmem:s9+$0x9200];
	v3 =	vmul.f32 $5.000000000e-01, v3;
	v14 =	vsub.f32 $1.500000000e+00, v14;
	v24 =	vsub.f32 $1.500000000e+00, v24  }
0x74: {  	v35 =	vld [tilespmem:s9+$0x9210];
	v22 =	vmul.f32 v41, v22;
	v16 =	vsub.f32 $1.500000000e+00, v23;
	v23 =	vsub.s32 $0x5F3759DF, v30  }
0x75: {  	v27 =	vsub.f32 $1.500000000e+00, v27;
	v14 =	vmul.f32 v21, v14;
	v30 =	vld [tilespmem:s9+$0xBA10];
	v31 =	vmul.f32 v23, v3  }
0x76: {  	v39 =	vsub.f32 $1.500000000e+00, v7;
	v7 =	vmul.f32 v15, v24;
	v10 =	vmul.f32 v17, v16;
	v17 =	vld [tilespmem:s9+$0xBA00]  }
0x77: {  	v25 =	vsub.f32 $1.500000000e+00, v25;
	v20 =	vmul.f32 v22, v37;
	v31 =	vmul.f32 v23, v31  }
0x78: {  	v60 =	vsub.f32 $1.500000000e+00, v29;
	v29 =	vld [tilespmem:s9+$0xBA20];
	v26 =	vmul.f32 v39, v26;
	v16 =	vmul.f32 v6, v2  }
0x79: {  	v40 =	vmul.f32 v14, v5;
	v36 =	vmul.f32 v10, v4;
	v21 =	vsub.f32 $1.500000000e+00, v31;
	v31 =	vld [tilespmem:s9+$0x9220]  }
0x7a: {  	v42 =	vld [tilespmem:s9+$0xBA30];
	v61 =	vmul.f32 v7, v1;
	v38 =	vmul.f32 v16, v6;
	v15 =	vadd.f32 v30, v35  }
0x7b: {  	v24 =	vld [tilespmem:s9+$0x9230];
	v30 =	vmul.f32 v40, v14;
	v16 =	vmul.f32 v36, v10;
	v17 =	vadd.f32 v17, v33  }
0x7c: {  	v36 =	vmul.f32 v34, v12;
	v9 =	vmul.f32 v23, v21;
	v15 =	vadd.f32 $1.000000000e+00, v15  }
0x7d: {  	v21 =	vmul.f32 v27, v8;
	v23 =	vmul.f32 v18, v13;
	v33 =	vadd.f32 $1.000000000e+00, v17  }
0x7e: {  	[tilespmem:s8+$0x10A00] =	vst v22;
	v13 =	vshrl.u32 v15, $0x1;
	v17 =	vmul.f32 v25, v28;
	v22 =	vadd.f32 v29, v31  }
0x7f: {  	v15 =	vmul.f32 $5.000000000e-01, v15;
	v11 =	vmul.f32 v21, v11;
	v13 =	vsub.s32 $0x5F3759DF, v13  }
0x80: {  	v28 =	vmul.f32 v17, v19;
	v25 =	vadd.f32 $1.000000000e+00, v22;
	v22 =	vadd.f32 v42, v24;
	v24 =	vld [tilespmem:s8+$0xE220]  }
0x81: {  	v8 =	vmul.f32 $5.000000000e-01, v33;
	v29 =	vshrl.u32 v33, $0x1;
	v62 =	vmul.f32 v11, v21  }
0x82: {  	[tilespmem:s8+$0x13200] =	vst v20;
	v19 =	vmul.f32 v13, v15;
	v31 =	vmul.f32 v28, v17;
	v20 =	vshrl.u32 v25, $0x1  }
0x83: {  	v27 =	vadd.f32 $1.000000000e+00, v22;
	v22 =	vsub.s32 $0x5F3759DF, v29;
	v11 =	vmul.f32 $5.000000000e-01, v25  }
0x84: {  	v28 =	vmul.f32 v60, v32;
	v20 =	vsub.s32 $0x5F3759DF, v20;
	v25 =	vmul.f32 v22, v8  }
0x85: {  	v35 =	vsub.f32 $1.500000000e+00, v62;
	v63 =	vmul.f32 v20, v11;
	v39 =	vmul.f32 v26, v24  }
0x86: {  	[tilespmem:s8+$0x10A20] =	vst v26;
	v34 =	vld [tilespmem:s8+$0xE230];
	v29 =	vshrl.u32 v27, $0x1;
	v24 =	vsub.f32 $1.500000000e+00, v30;
	v30 =	vmul.f32 v22, v25  }
0x87: {  	s10 =	simm.s32 $0x400;
	v33 =	vld [tilespmem:s8+$0xE210];
	v26 =	vsub.f32 $1.500000000e+00, v38;
	v25 =	vmul.f32 v61, v7;
	v32 =	vmul.f32 v20, v63;
	[tilespmem:s8+$0x13220] =	vst v39  }
.LBB2_2:
0x88: {  	s11 =	sshra.s32 s10, $0x2;
	p2 =	sne.s32 s10, $0x9F00;
	s10 =	sadd.s32 $0x100, s10;
	v29 =	vsub.s32 $0x5F3759DF, v29;
	v27 =	vmul.f32 $5.000000000e-01, v27;
	v37 =	vld [tilespmem:s24+$0xE200];
	v38 =	vmul.f32 v28, v0;
	v0 =	vmovc v1;
	v1 =	vmovc v15  }
0x89: {  	v15 =	vmul.f32 v13, v19;
	v39 =	vld [tilespmem:s11+$0xBA30];
	v19 =	vsub.f32 $1.500000000e+00, v32;
	v32 =	vsub.f32 $1.500000000e+00, v36  }
0x8a: {  	v41 =	vsub.f32 $1.500000000e+00, v16;
	v16 =	vmul.f32 v9, v3;
	v36 =	vld [tilespmem:s11+$0xBA10];
	v40 =	vmul.f32 v29, v27  }
0x8b: {  	v15 =	vsub.f32 $1.500000000e+00, v15;
	v42 =	vld [tilespmem:s11+$0x9200];
	v19 =	vmul.f32 v20, v19;
	v20 =	vmul.f32 v23, v18  }
0x8c: {  	v30 =	vsub.f32 $1.500000000e+00, v30;
	v21 =	vmul.f32 v35, v21;
	v23 =	vld [tilespmem:s11+$0xBA00];
	v40 =	vmul.f32 v29, v40  }
0x8d: {  	v31 =	vsub.f32 $1.500000000e+00, v31;
	v44 =	vmul.f32 v16, v9;
	v35 =	vld [tilespmem:s11+$0x9210];
	v43 =	vmul.f32 v19, v11  }
0x8e: {  	v22 =	vmul.f32 v22, v30;
	v32 =	vmul.f32 v32, v12;
	v12 =	vmovc v28;
	v45 =	vld [tilespmem:s11+$0x9230];
	v30 =	vsub.f32 $1.500000000e+00, v40;
	[tilespmem:s8+$0x10A30] =	vst v21  }
0x8f: {  	v25 =	vsub.f32 $1.500000000e+00, v25;
	v21 =	vmul.f32 v21, v34;
	v28 =	vld [tilespmem:s11+$0x9220];
	v16 =	vmul.f32 v43, v19  }
0x90: {  	v20 =	vsub.f32 $1.500000000e+00, v20;
	v40 =	vmul.f32 v22, v8;
	v34 =	vld [tilespmem:s11+$0xBA20];
	[tilespmem:s8+$0x10A10] =	vst v32;
	v32 =	vmul.f32 v32, v33  }
0x91: {  	v33 =	vmul.f32 v13, v15;
	v13 =	vmul.f32 v29, v30;
	v23 =	vadd.f32 v23, v42;
	[tilespmem:s8+$0x13230] =	vst v21  }
0x92: {  	v20 =	vmul.f32 v20, v18;
	v30 =	vmul.f32 v40, v22;
	v15 =	vadd.f32 v36, v35;
	[tilespmem:s8+$0x13210] =	vst v32;
	s8 =	smov.u32 s24;
	s24 =	smov.u32 s7;
	s7 =	smov.u32 s9  }
0x93: {  	v18 =	vmul.f32 v24, v14;
	v14 =	vmovc v22;
	v35 =	vmul.f32 v33, v1;
	s9 =	smov.u32 s11;
	v29 =	vadd.f32 $1.000000000e+00, v23  }
0x94: {  	v21 =	vmul.f32 v26, v6;
	v6 =	vmovc v9;
	v15 =	vadd.f32 $1.000000000e+00, v15;
	[tilespmem:s8+$0x10A00] =	vst v20;
	v20 =	vmul.f32 v20, v37  }
0x95: {  	v9 =	vmovc v13;
	v23 =	vmul.f32 v18, v5;
	v5 =	vmovc v8;
	v22 =	vadd.f32 v34, v28;
	v8 =	vmul.f32 $5.000000000e-01, v29  }
0x96: {  	v24 =	vmul.f32 v41, v10;
	v10 =	vmovc v19;
	v13 =	vshrl.u32 v15, $0x1;
	v15 =	vmul.f32 $5.000000000e-01, v15;
	[tilespmem:s8+$0x13200] =	vst v20  }
0x97: {  	v19 =	vmul.f32 v21, v2;
	v2 =	vmovc v3;
	v3 =	vmovc v27;
	v26 =	vadd.f32 $1.000000000e+00, v22;
	v22 =	vadd.f32 v39, v45;
	v28 =	vld [tilespmem:s8+$0xE220]  }
0x98: {  	v32 =	vmul.f32 v24, v4;
	v4 =	vmovc v11;
	v34 =	vmul.f32 v31, v17;
	v17 =	vmovc v24;
	v13 =	vsub.s32 $0x5F3759DF, v13  }
0x99: {  	v11 =	vshrl.u32 v29, $0x1;
	v37 =	vmul.f32 v19, v21;
	v20 =	vshrl.u32 v26, $0x1  }
0x9a: {  	v19 =	vmul.f32 v13, v15;
	v27 =	vadd.f32 $1.000000000e+00, v22;
	v20 =	vsub.s32 $0x5F3759DF, v20;
	[tilespmem:s8+$0x10A20] =	vst v34  }
.Ltmp0:
0x9b: {  	v31 =	vmul.f32 v32, v17;
	v22 =	vsub.s32 $0x5F3759DF, v11;
	v11 =	vmul.f32 $5.000000000e-01, v26;
	(pc) =	sbr.rel @p2 .LBB2_2-.Ltmp0, $4  }
0x9c: {  	v26 =	vmul.f32 v22, v8;
	v29 =	vshrl.u32 v27, $0x1;
	v32 =	vmul.f32 v34, v28  }
0x9d: {  	v24 =	vsub.f32 $1.500000000e+00, v30;
	v34 =	vmul.f32 v20, v11;
	v28 =	vmul.f32 v25, v7;
	v7 =	vmovc v33  }
0x9e: {  	v36 =	vmul.f32 v38, v12;
	v30 =	vmul.f32 v22, v26;
	v26 =	vsub.f32 $1.500000000e+00, v44;
	v33 =	vld [tilespmem:s8+$0xE210];
	[tilespmem:s8+$0x13220] =	vst v32  }
0x9f: {  	v25 =	vmul.f32 v35, v7;
	v35 =	vsub.f32 $1.500000000e+00, v37;
	v32 =	vmul.f32 v20, v34;
	v34 =	vld [tilespmem:s8+$0xE230]  }
0xa0: {  	_ = 	snop  }
0xa1: {  	v36 =	vsub.f32 $1.500000000e+00, v36  }
0xa2: {  	v21 =	vmul.f32 v35, v21  }
0xa3: {  	v12 =	vmul.f32 v36, v12  }
0xa4: {  	v37 =	vld [tilespmem:s24+$0xE200];
	[tilespmem:s8+$0x10A30] =	vst v21;
	v21 =	vmul.f32 v21, v34  }
0xa5: {  	[tilespmem:s8+$0x10A10] =	vst v12;
	v12 =	vmul.f32 v12, v33  }
0xa6: {  	v23 =	vmul.f32 v23, v18;
	v6 =	vmul.f32 v26, v6;
	[tilespmem:s8+$0x13230] =	vst v21  }
0xa7: {  	v61 =	vsub.f32 $1.500000000e+00, v31;
	v0 =	vmul.f32 v28, v0;
	v14 =	vmul.f32 v24, v14;
	[tilespmem:s8+$0x13210] =	vst v12  }
0xa8: {  	v24 =	vmul.f32 v9, v3;
	v31 =	vmul.f32 $5.000000000e-01, v27;
	v23 =	vsub.f32 $1.500000000e+00, v23;
	v60 =	vld [tilespmem:s24+$0xE220]  }
0xa9: {  	v47 =	vmul.f32 v13, v19;
	v2 =	vmul.f32 v6, v2  }
0xaa: {  	v16 =	vsub.f32 $1.500000000e+00, v16;
	v17 =	vmul.f32 v61, v17;
	v58 =	vmul.f32 v23, v18  }
0xab: {  	v39 =	vsub.f32 $1.500000000e+00, v25;
	v5 =	vmul.f32 v14, v5;
	v2 =	vmul.f32 v2, v6  }
0xac: {  	v35 =	vsub.f32 $1.500000000e+00, v32;
	v0 =	vmul.f32 v0, v28;
	v59 =	vmul.f32 v58, v37;
	[tilespmem:s24+$0x10A00] =	vst v58;
	v63 =	vld [tilespmem:s24+$0xE230]  }
0xad: {  	v7 =	vmul.f32 v39, v7;
	v2 =	vsub.f32 $1.500000000e+00, v2;
	[tilespmem:s24+$0x10A20] =	vst v17;
	v62 =	vld [tilespmem:s24+$0xE210];
	v12 =	vmul.f32 v17, v60  }
0xae: {  	v0 =	vsub.f32 $1.500000000e+00, v0;
	v5 =	vmul.f32 v5, v14;
	v23 =	vmul.f32 v16, v10;
	[tilespmem:s24+$0x13200] =	vst v59  }
0xaf: {  	v26 =	vsub.f32 $1.500000000e+00, v30;
	v33 =	vmul.f32 v24, v9;
	v2 =	vmul.f32 v2, v6;
	[tilespmem:s24+$0x13220] =	vst v12  }
0xb0: {  	v34 =	vsub.s32 $0x5F3759DF, v29;
	v10 =	vmul.f32 v20, v35;
	v0 =	vmul.f32 v0, v28;
	v21 =	vld [tilespmem:s7+$0xE200]  }
0xb1: {  	v38 =	vmul.f32 v34, v31;
	v5 =	vsub.f32 $1.500000000e+00, v5;
	[tilespmem:s24+$0x10A30] =	vst v2;
	v2 =	vmul.f32 v2, v63  }
0xb2: {  	v12 =	vmul.f32 v22, v26;
	[tilespmem:s24+$0x10A10] =	vst v0;
	v0 =	vmul.f32 v0, v62  }
0xb3: {  	v1 =	vmul.f32 v7, v1;
	v5 =	vmul.f32 v5, v14;
	[tilespmem:s24+$0x13230] =	vst v2  }
0xb4: {  	v28 =	vmul.f32 v23, v4;
	v36 =	vmul.f32 v12, v8;
	[tilespmem:s24+$0x13210] =	vst v0  }
0xb5: {  	v40 =	vmul.f32 v34, v38;
	[tilespmem:s7+$0x10A00] =	vst v5;
	v30 =	vmul.f32 v5, v21;
	v5 =	vsub.f32 $1.500000000e+00, v33  }
0xb6: {  	v2 =	vmul.f32 v28, v23;
	v14 =	vmul.f32 v36, v12  }
0xb7: {  	v44 =	vmul.f32 v10, v11;
	v6 =	vsub.f32 $1.500000000e+00, v40;
	v37 =	vld [tilespmem:s7+$0xE220];
	v5 =	vmul.f32 v5, v9  }
0xb8: {  	v1 =	vmul.f32 v1, v7;
	v2 =	vsub.f32 $1.500000000e+00, v2;
	v41 =	vsub.f32 $1.500000000e+00, v14  }
0xb9: {  	v0 =	vmul.f32 v34, v6;
	v42 =	vmul.f32 v5, v3  }
0xba: {  	v2 =	vmul.f32 v2, v23;
	v9 =	vmul.f32 v41, v12  }
0xbb: {  	v1 =	vsub.f32 $1.500000000e+00, v1;
	v43 =	vld [tilespmem:s7+$0xE210];
	v14 =	vmul.f32 v44, v10;
	v3 =	vmul.f32 v42, v5  }
0xbc: {  	v46 =	vld [tilespmem:s7+$0xE230];
	[tilespmem:s7+$0x10A20] =	vst v2;
	v2 =	vmul.f32 v2, v37;
	v45 =	vmul.f32 v9, v8  }
0xbd: {  	v49 =	vsub.f32 $1.500000000e+00, v47;
	v1 =	vmul.f32 v1, v7;
	[tilespmem:s7+$0x13200] =	vst v30;
	v3 =	vsub.f32 $1.500000000e+00, v3  }
0xbe: {  	v51 =	vmul.f32 v0, v31;
	v14 =	vsub.f32 $1.500000000e+00, v14;
	[tilespmem:s7+$0x13220] =	vst v2;
	v2 =	vmul.f32 v45, v9  }
0xbf: {  	v48 =	vld [tilespmem:s9+$0xE200];
	v3 =	vmul.f32 v3, v5;
	v5 =	vmul.f32 v13, v49  }
0xc0: {  	v50 =	vmul.f32 v14, v10;
	[tilespmem:s7+$0x10A10] =	vst v1;
	v1 =	vmul.f32 v1, v43;
	v2 =	vsub.f32 $1.500000000e+00, v2  }
0xc1: {  	[tilespmem:s7+$0x10A30] =	vst v3;
	v3 =	vmul.f32 v3, v46;
	v54 =	vmul.f32 v5, v15  }
0xc2: {  	v55 =	vmul.f32 v51, v0;
	[tilespmem:s7+$0x13210] =	vst v1;
	v2 =	vmul.f32 v2, v9  }
0xc3: {  	v52 =	vmul.f32 v50, v11;
	[tilespmem:s7+$0x13230] =	vst v3;
	v56 =	vmul.f32 v54, v5  }
0xc4: {  	v53 =	vmul.f32 v2, v48;
	[tilespmem:s9+$0x10A00] =	vst v2;
	v2 =	vsub.f32 $1.500000000e+00, v55  }
0xc5: {  	v3 =	vmul.f32 v52, v50;
	v1 =	vsub.f32 $1.500000000e+00, v56  }
0xc6: {  	v57 =	vld [tilespmem:s9+$0xE220];
	v0 =	vmul.f32 v2, v0  }
0xc7: {  	v3 =	vsub.f32 $1.500000000e+00, v3;
	v1 =	vmul.f32 v1, v5  }
0xc8: {  	v59 =	vmul.f32 v0, v31  }
0xc9: {  	v58 =	vmul.f32 v3, v50;
	v60 =	vmul.f32 v1, v15  }
0xca: {  	v3 =	vmul.f32 v59, v0  }
0xcb: {  	v63 =	vld [tilespmem:s9+$0xE230];
	v2 =	vmul.f32 v58, v57;
	v62 =	vmul.f32 v60, v1  }
0xcc: {  	v61 =	vld [tilespmem:s9+$0xE210];
	v3 =	vsub.f32 $1.500000000e+00, v3  }
0xcd: {  	[tilespmem:s9+$0x13220] =	vst v2;
	v2 =	vsub.f32 $1.500000000e+00, v62  }
0xce: {  	[tilespmem:s9+$0x13200] =	vst v53;
	v0 =	vmul.f32 v3, v0  }
0xcf: {  	[tilespmem:s9+$0x10A20] =	vst v58;
	v1 =	vmul.f32 v2, v1  }
0xd0: {  	[tilespmem:s9+$0x10A30] =	vst v0;
	v0 =	vmul.f32 v0, v63  }
0xd1: {  	[tilespmem:s9+$0x10A10] =	vst v1;
	v1 =	vmul.f32 v1, v61  }
0xd2: {  	[tilespmem:s9+$0x13230] =	vst v0  }
0xd3: {  	s12 =	simm.s32 $0x13200;
	[tilespmem:s9+$0x13210] =	vst v1  }
0xd4: {  	[spmem:s16] =	stream.linear.scatter [tilespmem:s12], [sflag:$0x3], $0x2800, $0x38;
	[tilespmem:$0x1AA00] =	vst v63  }
0xd5: {  	_ =	swait.ge [sflag:s29], $0x2800  }
0xd6: {  	[sflag:s29] =	ssyncset.done $0x0  }
0xd7: {  	s8 =	simm.s32 @!p1 $0x10A00;
	s7 =	simm.s32 @!p1 $0x0;
	[sflag:s29] =	ssyncadd.s32 $0xFFFFD800  }
0xd8: {  	[hbm4b:s17+s7] =	stream.linear.scatter @!p1 [tilespmem:s8], [sflag:$0x3], $0x2800, $0x38;
	[tilespmem:$0x1AA00] =	vst v63  }
0xd9: {  	s8 =	simm.s32 @!p1 $0x3  }
0xda: {  	_ =	swait.ge @!p1 [sflag:s8], $0x2800  }
0xdb: {  	[sflag:s8] =	ssyncset.done @!p1 $0x0  }
0xdc: {  	s9 =	simm.s32 @!p1 $0x13200;
	[sflag:s8] =	ssyncadd.s32 @!p1 $0xFFFFD800  }
0xdd: {  	[hbm4b:s18+s7] =	stream.linear.scatter @!p1 [tilespmem:s9], [sflag:$0x3], $0x2800, $0x38;
	[tilespmem:$0x1AA00] =	vst v63  }
0xde: {  	_ =	swait.ge @!p1 [sflag:s8], $0x2800  }
0xdf: {  	[sflag:s8] =	ssyncset.done @!p1 $0x0  }
0xe0: {  	[sflag:s8] =	ssyncadd.s32 @!p1 $0xFFFFD800  }
0xe1: {  	[bflag:$0x0] =	sbarrier.arrive $0xFFFF  }
0xe2: {  	[tilespmem:s31], [sflag:$0x1] =	stream.indirect.gather [spmem:s3], $0x10, s4, s30, $0xb8;
	[tilespmem:$0x1AA00] =	vst v63  }
0xe3: {  	_ = 	snop  }
0xe4: {  	[tilespmem:s1], [sflag:$0x1] =	stream.indirect.gather [spmem:s3], $0x10, s30, s30, $0xb8;
	[tilespmem:$0x1AA00] =	vst v63  }
0xe5: {  	s13 =	simm.s32 $0x100  }
0xe6: {  	[tilespmem:s23], [sflag:$0x1] =	stream.indirect.gather [spmem:s3], $0x10, s13, s30, $0xb8;
	[tilespmem:$0x1AA00] =	vst v63  }
0xe7: {  	s24 =	simm.s32 $0x180  }
0xe8: {  	[tilespmem:s25], [sflag:$0x1] =	stream.indirect.gather [spmem:s3], $0x10, s24, s30, $0xb8;
	[tilespmem:$0x1AA00] =	vst v63  }
0xe9: {  	_ =	swait.ge [sflag:s26], $0x800  }
0xea: {  	[sflag:s26] =	ssyncset.done $0x0  }
0xeb: {  	s8 =	simm.s32 $0x2900;
	[sflag:s26] =	ssyncadd.s32 $0xFFFFF800  }
0xec: {  	[spmem:s2] =	stream.indirect.scatter.add.f32 [tilespmem:s31], [sflag:$0x2], $0x10, s8, s30, $0xb8;
	[tilespmem:$0x1AA00] =	vst v63  }
0xed: {  	s10 =	simm.s32 $0x7200;
	s9 =	simm.s32 $0x200  }
0xee: {  	[tilespmem:s10], [sflag:$0x1] =	stream.indirect.gather [spmem:s3], $0x10, s9, s30, $0xb8;
	[tilespmem:$0x1AA00] =	vst v63  }
0xef: {  	_ =	swait.ge [sflag:s26], $0x800  }
0xf0: {  	[sflag:s26] =	ssyncset.done $0x0  }
0xf1: {  	s11 =	simm.s32 $0x2980;
	[sflag:s26] =	ssyncadd.s32 $0xFFFFF800  }
0xf2: {  	[spmem:s2] =	stream.indirect.scatter.add.f32 [tilespmem:s1], [sflag:$0x2], $0x10, s11, s30, $0xb8;
	[tilespmem:$0x1AA00] =	vst v63  }
0xf3: {  	s12 =	simm.s32 $0x280;
	s13 =	simm.s32 $0x7A00  }
0xf4: {  	[tilespmem:s13], [sflag:$0x1] =	stream.indirect.gather [spmem:s3], $0x10, s12, s30, $0xb8;
	[tilespmem:$0x1AA00] =	vst v63  }
0xf5: {  	_ =	swait.ge [sflag:s26], $0x800  }
0xf6: {  	[sflag:s26] =	ssyncset.done $0x0  }
0xf7: {  	s24 =	simm.s32 $0x2A00;
	[sflag:s26] =	ssyncadd.s32 $0xFFFFF800  }
0xf8: {  	[spmem:s2] =	stream.indirect.scatter.add.f32 [tilespmem:s23], [sflag:$0x2], $0x10, s24, s30, $0xb8;
	[tilespmem:$0x1AA00] =	vst v63  }
0xf9: {  	s8 =	simm.s32 $0x300;
	s9 =	simm.s32 $0x8200  }
0xfa: {  	[tilespmem:s9], [sflag:$0x1] =	stream.indirect.gather [spmem:s3], $0x10, s8, s30, $0xb8;
	[tilespmem:$0x1AA00] =	vst v63  }
0xfb: {  	p3 =	sne.s32 s21, $0xA000;
	_ =	swait.ge [sflag:s26], $0x800  }
0xfc: {  	p2 =	sle.u32 s5, $0x8;
	s7 =	simm.s32 $0x400;
	[sflag:s26] =	ssyncset.done $0x0  }
0xfd: {  	s10 =	simm.s32 $0x2A80;
	s11 =	simm.s32 $0x380;
	[sflag:s26] =	ssyncadd.s32 $0xFFFFF800  }
0xfe: {  	[spmem:s2] =	stream.indirect.scatter.add.f32 [tilespmem:s25], [sflag:$0x2], $0x10, s10, s30, $0xb8;
	[tilespmem:$0x1AA00] =	vst v63  }
0xff: {  	s12 =	simm.s32 $0x8A00;
	s13 =	simm.s32 $0x8000;
	s24 =	simm.s32 $0x2B00  }
0x100: {  	[tilespmem:s12], [sflag:$0x1] =	stream.indirect.gather [spmem:s3], $0x10, s11, s30, $0xb8;
	[tilespmem:$0x1AA00] =	vst v63  }
0x101: {  	s8 =	sand.u32 $0xE000, s13;
	s9 =	simm.s32 $0x2B80;
	_ =	swait.ge [sflag:s26], $0x800  }
0x102: {  	s10 =	sshrl.u32 s8, $0x2;
	s8 =	simm.s32 $0xA000;
	[sflag:s26] =	ssyncset.done $0x0  }
.Ltmp1:
0x103: {  	s10 =	sadd.s32 $0x5200, s10;
	[sflag:s26] =	ssyncadd.s32 $0xFFFFF800;
	(pc) =	sbr.rel @!p3 .LBB2_5-.Ltmp1, $4  }
0x104: {  	[spmem:s2] =	stream.indirect.scatter.add.f32 [tilespmem:s10], [sflag:$0x2], $0x10, s24, s30, $0xb8;
	[tilespmem:$0x1AA00] =	vst v63  }
0x105: {  	s10 =	simm.s32 @!p2 $0x10000;
	s24 =	simm.s32 @!p2 $0x80;
	_ =	swait.ge [sflag:s28], $0x800  }
0x106: {  	s11 =	sand.u32 @!p2 $0xE000, s10;
	s10 =	simm.s32 $0x9;
	[sflag:s28] =	ssyncset.done $0x0  }
0x107: {  	s12 =	sshrl.u32 @!p2 s11, $0x2;
	s11 =	simm.s32 $0x400;
	[sflag:s28] =	ssyncadd.s32 $0xFFFFF800  }
.LBB2_4:
0x108: {  	s12 =	sadd.s32 @!p2 $0x5200, s12  }
0x109: {  	s11 =	sadd.s32 $0x80, s11;
	s13 =	smov.u32 s8;
	s8 =	sadd.s32 $0x2000, s8  }
0x10a: {  	[tilespmem:s12], [sflag:$0x1] =	stream.indirect.gather @!p2 [spmem:s3], $0x10, s7, s24, $0xb8;
	[tilespmem:$0x1AA00] =	vst v63  }
0x10b: {  	p3 =	sne.s32 s21, s8;
	s7 =	smov.u32 s11  }
0x10c: {  	s12 =	sand.u32 $0xE000, s13;
	_ =	swait.ge [sflag:s26], $0x800  }
0x10d: {  	p2 =	sge.u32 s10, s5;
	s12 =	sshrl.u32 s12, $0x2;
	[sflag:s26] =	ssyncset.done $0x0  }
.Ltmp2:
0x10e: {  	s12 =	sadd.s32 $0x5200, s12;
	[sflag:s26] =	ssyncadd.s32 $0xFFFFF800;
	(pc) =	sbr.rel @p3 .LBB2_4-.Ltmp2, $4  }
0x10f: {  	[spmem:s2] =	stream.indirect.scatter.add.f32 [tilespmem:s12], [sflag:$0x2], $0x10, s9, s30, $0xb8;
	[tilespmem:$0x1AA00] =	vst v63  }
0x110: {  	s12 =	sadd.s32 @!p2 $0x8000, s13;
	s9 =	sadd.s32 $0x80, s9;
	_ =	swait.ge [sflag:s28], $0x800  }
0x111: {  	s10 =	sadd.s32 $0x1, s10;
	s12 =	sand.u32 @!p2 $0xE000, s12;
	[sflag:s28] =	ssyncset.done $0x0  }
0x112: {  	s24 =	simm.s32 @!p2 $0x80;
	s12 =	sshrl.u32 @!p2 s12, $0x2;
	[sflag:s28] =	ssyncadd.s32 $0xFFFFF800  }
.LBB2_5:
0x113: {  	s8 =	sadd.s32 @!p2 $0x5200, s12  }
0x114: {  	[tilespmem:s8], [sflag:$0x1] =	stream.indirect.gather @!p2 [spmem:s3], $0x10, s7, s24, $0xb8;
	[tilespmem:$0x1AA00] =	vst v63  }
0x115: {  	_ =	swait.ge [sflag:s28], $0x800  }
0x116: {  	[sflag:s28] =	ssyncset.done $0x0  }
0x117: {  	[sflag:s28] =	ssyncadd.s32 $0xFFFFF800  }
0x118: {  	_ =	swait.ge [sflag:s28], $0x800  }
0x119: {  	[sflag:s28] =	ssyncset.done $0x0  }
0x11a: {  	[sflag:s28] =	ssyncadd.s32 $0xFFFFF800  }
0x11b: {  	_ =	swait.ge [sflag:s28], $0x800  }
0x11c: {  	[sflag:s28] =	ssyncset.done $0x0  }
0x11d: {  	[sflag:s28] =	ssyncadd.s32 $0xFFFFF800  }
0x11e: {  	_ =	swait.ge [sflag:s28], $0x800  }
0x11f: {  	s0 =	sadd.s32 $0x1, s0;
	[sflag:s28] =	ssyncset.done $0x0  }
0x120: {  	p2 =	sne.s32 s0, s20;
	[sflag:s28] =	ssyncadd.s32 $0xFFFFF800  }
.Ltmp3:
0x121: {  	s24 =	sor.u32 $0x1C03, s6;
	[bflag:$0x0] =	sbarrier.arrive $0xFFFF;
	(pc) =	sbr.rel @p2 .LBB2_1-.Ltmp3, $4  }
0x122: {  	[hbm:s19], [sflag:s24] =	dma.local [spmem:s22], $0x500  }
0x123: {  	_ =	swait.ge [sflag:s29], $0x500  }
0x124: {  	[sflag:s29] =	ssyncset.done $0x0  }
0x125: {  	[sflag:s29] =	ssyncadd.s32 $0xFFFFFB00  }
0x126: {  	_ =	sfence.sel $0x180000  }
0x127: {  	[bflag:$0x0] =	sbarrier.arrive $0xFFFF  }
0x128: {  	_ =	strace $0x9000004A  }
0x129: {  	s0 =	stileid.u32;
	[bflag:$0x2] =	sbarrier.arrive $0xFFFF  }
0x12a: {  	p0 =	sne.s32 s0, $0x0;
	s0 =	rddreg [dreg:$0x4]  }
0x12b: {  	s0 =	sadd.s32 @!p0 $0x100000, s0  }
0x12c: {  	[sflag:s0] =	ssyncadd.tile.s32 @!p0 $0x1;
	_ =	shalt  }
.Lfunc_end2:
_tile_overlayer_lowered:
.L_overlay_start_2:
0x12d: {  	(tag) =	ssettag $0x2  }
0x12e: {  	s0 =	rddreg [dreg:$0x0];
	s2 =	stileid.u32  }
0x12f: {  	s1 =	rddreg [dreg:$0x1];
	p0 =	sne.s32 s2, $0x0  }
0x130: {  	s3 =	rddreg [dreg:$0x2];
	[bflag:$0x3] =	sbarrier.arrive $0xFFFF;
	s2 =	simm.s32 @!p0 $0x1C03  }
0x131: {  	[timem:s3], [sflag:s2] =	dma.local @!p0 [hbm:s0], s1  }
0x132: {  	s0 =	simm.s32 @!p0 $0x3  }
0x133: {  	_ =	swait.ge @!p0 [sflag:s0], s1  }
0x134: {  	s1 =	ssub.s32 @!p0 $0x0, s1;
	[sflag:s0] =	ssyncset.done @!p0 $0x0  }
0x135: {  	[sflag:s0] =	ssyncadd.s32 @!p0 s1  }
0x136: {  	[bflag:$0x3] =	sbarrier.arrive $0xFFFF  }
0x137: {  	_ =	shalt  }

// kernel: kernel.13.cloned.1.call-start
scs
__scs_entry_jumppad:
0x0: {  	(pc) =	sbr.rel $0x88, $3  }
0x1: {  	(tag) =	ssettag $0x0;
	lr =	simm.s32 $0x1  }
0x2: {  	[smem:$0x3F9B] =	sst lr;
	_ =	strace $0xD0000000  }
0x3: {  	_ = 	snop  }
0x4: {  	_ = 	snop  }
0x5: {  	_ = 	snop  }
0x6: {  	_ = 	snop  }
0x7: {  	_ = 	snop  }
__scs_overlays_trampoline_lowered:
0x8: {  	[smem:$0x3FAA] =	sst s0  }
0x9: {  	[smem:$0x3FAB] =	sst s1  }
0xa: {  	[smem:$0x3FAC] =	sst s2  }
0xb: {  	[smem:$0x3FAD] =	sst s3  }
0xc: {  	[smem:$0x3FAE] =	sst s4  }
0xd: {  	[smem:$0x3FAF] =	sst s5  }
0xe: {  	[smem:$0x3FB0] =	sst s6  }
0xf: {  	[smem:$0x3FB1] =	sst s7  }
0x10: {  	[smem:$0x3FB2] =	sst s8  }
0x11: {  	[smem:$0x3FB3] =	sst s9;
	s0 =	simm.s32 @!p0 $0x0  }
0x12: {  	s1 =	sld [smem:$0x3F99];
	s0 =	simm.s32 @p0 $0x1  }
0x13: {  	[smem:$0x3FB4] =	sst s0;
	s0 =	simm.s32 @!p1 $0x0  }
0x14: {  	s2 =	sld [smem:$0x3F98];
	s0 =	simm.s32 @p1 $0x1  }
0x15: {  	[smem:$0x3FB5] =	sst s0;
	s0 =	simm.s32 @!p2 $0x0  }
0x16: {  	s3 =	sld [smem:$0x3FDB];
	s0 =	simm.s32 @p2 $0x1  }
0x17: {  	s4 =	simm.s32 $0x1BF5;
	[smem:$0x3FB7] =	sst s0  }
0x18: {  	s0 =	sld [smem:$0x3F9A];
	_ =	swait.ge [sflag:s4], $0x0  }
0x19: {  	s7 =	sld [smem:$0x3F9B]  }
0x1a: {  	s8 =	sadd.s32 $0xFFFFE003, lr  }
0x1b: {  	s9 =	sadd.s32 $0xFFFFFEF7, lr;
	s5 =	simm.s32 $0xFFFFFFFF;
	p2 =	slt.u32 s8, $0xFFFFF086  }
0x1c: {  	p1 =	slt.u32 s9, $0xF7A;
	s5 =	simm.s32 @!p2 $0x0  }
0x1d: {  	s5 =	simm.s32 @p1 $0x1;
	p0 =	seq.s32 s7, s2  }
0x1e: {  	s7 =	smul.u32 @!p0 $0xF7A, s2;
	p2 =	seq.s32 @!p0 s5, $0x0  }
0x1f: {  	s9 =	smul.u32 $0xF7A, s1;
	s8 =	simm.s32 @!p0 $0x1BF5;
	p2 =	por !p2, p0  }
0x20: {  	[sflag:s8] =	ssyncset.s32 @!p0 $0xFFFFF086;
	s6 =	sadd.s32 @!p0 s3, s7;
	s7 =	simm.s32 @!p0 $0x108  }
0x21: {  	s3 =	sadd.s32 s3, s9;
	s6 =	sadd.s32 @!p0 $0x88, s6;
	s7 =	simm.s32 @p2 $0x1082  }
0x22: {  	[simem:s7], [sflag:s8] =	dma.local @!p0 [hbm:s6], $0xF7A  }
0x23: {  	s9 =	sor.u32 $0xD0000000, s2;
	s6 =	simm.s32 $0x108;
	_ =	swait.ge @!p0 [sflag:s8], $0x0  }
0x24: {  	s3 =	sadd.s32 $0x88, s3;
	s6 =	simm.s32 @!p1 $0x1082;
	[sflag:s4] =	ssyncset.s32 $0xFFFFF086  }
0x25: {  	[simem:s6], [sflag:s4] =	dma.local [hbm:s3], $0xF7A  }
0x26: {  	[smem:$0x3F9B] =	sst s1;
	(tag) =	ssettag s2;
	_ =	strace s9  }
0x27: {  	s1 =	sld [smem:$0x3FAB]  }
0x28: {  	s2 =	sld [smem:$0x3FAC]  }
0x29: {  	s4 =	sld [smem:$0x3FAE]  }
0x2a: {  	p0 =	seq.s32 s5, $0x0;
	s5 =	sld [smem:$0x3FAF]  }
0x2b: {  	s6 =	sld [smem:$0x3FB0]  }
0x2c: {  	s7 =	sld [smem:$0x3FB1]  }
0x2d: {  	s3 =	simm.s32 $0x108;
	s8 =	sld [smem:$0x3FB2]  }
0x2e: {  	s3 =	simm.s32 @!p0 $0x1082;
	s9 =	sld [smem:$0x3FB3]  }
0x2f: {  	lr =	sadd.s32 s0, s3;
	s0 =	sld [smem:$0x3FAA]  }
0x30: {  	s3 =	sld [smem:$0x3FAD]  }
0x31: {  	[smem:$0x3FB6] =	sst s10  }
0x32: {  	s10 =	sld [smem:$0x3FB4];
	_ =	sdelay $0x3  }
0x33: {  	p0 =	seq.s32 s10, $0x1;
	s10 =	sld [smem:$0x3FB6];
	_ =	sdelay $0x3  }
0x34: {  	[smem:$0x3FB6] =	sst s10  }
0x35: {  	s10 =	sld [smem:$0x3FB5];
	_ =	sdelay $0x3  }
0x36: {  	p1 =	seq.s32 s10, $0x1;
	s10 =	sld [smem:$0x3FB6];
	_ =	sdelay $0x3  }
0x37: {  	[smem:$0x3FB6] =	sst s10  }
0x38: {  	s10 =	sld [smem:$0x3FB7]  }
0x39: {  	_ = 	snop;
	(pc) =	sbr.ind lr, $3  }
0x3a: {  	_ = 	snop  }
0x3b: {  	_ = 	snop  }
0x3c: {  	p2 =	seq.s32 s10, $0x1;
	s10 =	sld [smem:$0x3FB6]  }
0x3d: {  	_ =	shalt  }
0x3e: {  	_ =	shalt  }
0x3f: {  	_ =	shalt  }
0x40: {  	_ =	shalt  }
0x41: {  	_ =	shalt  }
0x42: {  	_ =	shalt  }
0x43: {  	_ =	shalt  }
0x44: {  	_ =	shalt  }
0x45: {  	_ =	shalt  }
0x46: {  	_ =	shalt  }
0x47: {  	_ =	shalt  }
0x48: {  	_ =	shalt  }
0x49: {  	_ =	shalt  }
0x4a: {  	_ =	shalt  }
0x4b: {  	_ =	shalt  }
0x4c: {  	_ =	shalt  }
0x4d: {  	_ =	shalt  }
0x4e: {  	_ =	shalt  }
0x4f: {  	_ =	shalt  }
0x50: {  	_ =	shalt  }
0x51: {  	_ =	shalt  }
0x52: {  	_ =	shalt  }
0x53: {  	_ =	shalt  }
0x54: {  	_ =	shalt  }
0x55: {  	_ =	shalt  }
0x56: {  	_ =	shalt  }
0x57: {  	_ =	shalt  }
0x58: {  	_ =	shalt  }
0x59: {  	_ =	shalt  }
0x5a: {  	_ =	shalt  }
0x5b: {  	_ =	shalt  }
0x5c: {  	_ =	shalt  }
0x5d: {  	_ =	shalt  }
0x5e: {  	_ =	shalt  }
0x5f: {  	_ =	shalt  }
0x60: {  	_ =	shalt  }
0x61: {  	_ =	shalt  }
0x62: {  	_ =	shalt  }
0x63: {  	_ =	shalt  }
0x64: {  	_ =	shalt  }
0x65: {  	_ =	shalt  }
0x66: {  	_ =	shalt  }
0x67: {  	_ =	shalt  }
0x68: {  	_ =	shalt  }
0x69: {  	_ =	shalt  }
0x6a: {  	_ =	shalt  }
0x6b: {  	_ =	shalt  }
0x6c: {  	_ =	shalt  }
0x6d: {  	_ =	shalt  }
0x6e: {  	_ =	shalt  }
0x6f: {  	_ =	shalt  }
0x70: {  	_ =	shalt  }
0x71: {  	_ =	shalt  }
0x72: {  	_ =	shalt  }
0x73: {  	_ =	shalt  }
0x74: {  	_ =	shalt  }
0x75: {  	_ =	shalt  }
0x76: {  	_ =	shalt  }
0x77: {  	_ =	shalt  }
0x78: {  	_ =	shalt  }
0x79: {  	_ =	shalt  }
0x7a: {  	_ =	shalt  }
0x7b: {  	_ =	shalt  }
0x7c: {  	_ =	shalt  }
0x7d: {  	_ =	shalt  }
0x7e: {  	_ =	shalt  }
0x7f: {  	_ =	shalt  }
0x80: {  	_ =	shalt  }
0x81: {  	_ =	shalt  }
0x82: {  	_ =	shalt  }
0x83: {  	_ =	shalt  }
0x84: {  	_ =	shalt  }
0x85: {  	_ =	shalt  }
0x86: {  	_ =	shalt  }
0x87: {  	_ =	shalt  }
.Lfunc_end0:
.L_simem_size_0:
called_computation.2_lowered:
.L_overlay_start_0:
0x88: {  	s2 =	sld [smem:$0x3FD9]  }
0x89: {  	s3 =	sld [smem:$0x3FFE];
	_ =	sdelay $0x1  }
0x8a: {  	s1 =	srdreg.scid  }
0x8b: {  	s0 =	sand.u32 $0x1, s1  }
0x8c: {  	s17 =	sshll.u32 s0, $0xA;
	s2 =	sadd.s32 s3, s2  }
0x8d: {  	s2 =	sadd.s32 s2, s17  }
0x8e: {  	[smem:$0x3FC2] =	sst s2  }
0x8f: {  	_ = 	snop  }
0x90: {  	s2 =	sld [smem:$0x3FD0];
	(tm) =	ssettm $0x1  }
0x91: {  	s18 =	sld [smem:$0x3FFB];
	_ =	sdelay $0x3  }
0x92: {  	_ =	strace s18  }
0x93: {  	s3 =	sld [smem:$0x3FFC];
	_ =	sdelay $0x3  }
0x94: {  	_ =	strace s3  }
0x95: {  	s3 =	sld [smem:$0x3FFD];
	_ =	sdelay $0x3  }
0x96: {  	_ =	strace s3  }
0x97: {  	_ =	strace $0x8FFFFFFF  }
0x98: {  	s19 =	sld [smem:$0x3FDB];
	_ =	sdelay $0x1  }
0x99: {  	s4 =	simm.s32 $_scs_section_size  }
0x9a: {  	s5 =	simm.s32 $_size__tile_overlayer_lowered;
	s6 =	simm.s32 $_tile_overlayer_lowered  }
0x9b: {  	s22 =	simm.s32 $0x1BFF;
	s21 =	sshll.u32 s6, $0x1;
	s3 =	sadd.s32 s4, s19  }
0x9c: {  	s7 =	simm.s32 $0x0;
	s20 =	sshll.u32 s5, $0x1;
	s5 =	sadd.s32 s21, s3  }
0x9d: {  	[timem:s7], [sflag:s22] =	dma.local [hbm:s5], s20  }
0x9e: {  	_ =	swait.ge [sflag:s22], s20  }
0x9f: {  	s4 =	ssub.s32 $0x0, s20;
	[sflag:s22] =	ssyncset.done $0x0  }
0xa0: {  	[sflag:s22] =	ssyncadd.s32 s4;
	_ =	sdelay $0x1  }
0xa1: {  	s23 =	simm.s32 $0x1B8B  }
0xa2: {  	_ =	swait.ge [sflag:s23], $0x1  }
0xa3: {  	[sflag:s23] =	ssyncset.done $0x0  }
0xa4: {  	s25 =	simm.s32 $0x1B8E;
	s24 =	sld [smem:$0x3FFE];
	[sflag:s23] =	ssyncadd.s32 $0xFFFFFFFF  }
0xa5: {  	s26 =	simm.s32 $execute0_lowered;
	[smem:$0x3FD2] =	sst s25  }
0xa6: {  	s5 =	sshll.u32 s26, $0x1;
	_ =	strace $0x8000004C;
	[dreg:$0x1] =	wrdreg $0xFFFFFFFF  }
0xa7: {  	s28 =	simm.s32 $_size_execute0_lowered;
	s3 =	sadd.s32 s3, s5;
	[dreg:$0x0] =	wrdreg $0x0  }
0xa8: {  	s5 =	sshll.u32 s28, $0x1;
	[dreg:$0x2] =	wrdreg s3  }
0xa9: {  	[dreg:$0x3] =	wrdreg s5  }
0xaa: {  	[dreg:$0x4] =	wrdreg $0xC0  }
0xab: {  	_ =	task [dreg:s7], $0x5FFFF  }
0xac: {  	[dreg:$0x1] =	wrdreg $0xFFFFFFFF  }
0xad: {  	[dreg:$0x0] =	wrdreg $0x60  }
0xae: {  	[dreg:$0x2] =	wrdreg s2  }
0xaf: {  	[dreg:$0x3] =	wrdreg s24  }
0xb0: {  	[dreg:$0x4] =	wrdreg $0x15A000  }
0xb1: {  	[dreg:$0x5] =	wrdreg $0x182000  }
0xb2: {  	[dreg:$0x6] =	wrdreg $0x9  }
0xb3: {  	_ =	task.clear_ibuf [dreg:s7], $0x7FFFF;
	_ =	strace $0x9000004C  }
0xb4: {  	s29 =	simm.s32 $0x9;
	_ =	strace $0x8000004E  }
0xb5: {  	_ =	swait.ge [sflag:s29], $0x1  }
0xb6: {  	[sflag:s29] =	ssyncadd.s32 $0xFFFFFFFF  }
0xb7: {  	_ =	strace $0x9000004E  }
0xb8: {  	_ =	sfence  }
0xb9: {  	s30 =	sld [smem:$0x0];
	_ =	sdelay $0x2  }
0xba: {  	s31 =	sshll.u32 s1, $0xD;
	s1 =	sshrl.u32 s1, $0x2  }
0xbb: {  	s3 =	sand.u32 $0x4000, s31;
	s1 =	sadd.s32 s1, s30  }
0xbc: {  	s0 =	sor.u32 s3, s0;
	s1 =	sshll.u32 s1, $0x11  }
0xbd: {  	s0 =	sor.u32 s1, s0  }
0xbe: {  	s0 =	sadd.s32 $0x8F2B, s0  }
0xbf: {  	[sflag:s0] =	ssyncadd.remote.s32 $0x1  }
0xc0: {  	_ =	sfence.sel $0xFFFF  }
0xc1: {  	[dreg:$0x0] =	wrdreg $0xFFFFFFFF;
	(pc) =	sbr.abs _section_cstart, $3  }
0xc2: {  	[dreg:$0x1] =	wrdreg $0xFFFFFFFF  }
0xc3: {  	_ =	task.clear_ibuf [dreg:s7], $0x2FFFF;
	_ =	strace $0x9FFFFFFF  }
0xc4: {  	(tm) =	ssettm $0x7FFFFFFF  }
0xc5: {  	_ =	shalt  }
tec
execute0_lowered:
.L_overlay_start_1:
0x0: {  	(tag) =	ssettag $0x1  }
0x1: {  	s0 =	rddreg [dreg:$0x0]  }
0x2: {  	s1 =	rddreg [dreg:$0x1];
	s3 =	srdreg.scid  }
0x3: {  	s13 =	stileid.u32;
	s2 =	rddreg [dreg:$0x2]  }
0x4: {  	s4 =	simm.s32 $0x0;
	s28 =	simm.s32 $0x1;
	s30 =	simm.s32 $0x3  }
0x5: {  	s31 =	simm.s32 $0x80;
	s6 =	sand.u32 $0x1, s3;
	s3 =	rddreg [dreg:$0x3]  }
0x6: {  	s29 =	simm.s32 $0x2;
	s8 =	smul.u32 $0x2800, s13;
	[smem:$0x7FF] =	sst s4  }
0x7: {  	s5 =	smul.u32 $0x28000, s6;
	_ =	strace $0x8000004D;
	s7 =	sshll.u32 s6, $0x4  }
0x8: {  	s10 =	ssub.s32 $0x2, s6;
	p1 =	sne.s32 s6, $0x0;
	s16 =	sshrl.u32 s8, $0x3  }
0x9: {  	s11 =	sor.u32 s13, s7;
	s17 =	sshrl.u32 s10, $0x1;
	s12 =	sadd.s32 s8, s2  }
0xa: {  	s7 =	sshll.u32 s13, $0x6;
	s5 =	sadd.s32 s8, s5;
	p0 =	seq.s32 s11, $0x1F  }
0xb: {  	s10 =	ssub.s32 s10, s17;
	s19 =	smul.u32 $0x2700, s11;
	s14 =	sor.u32 $0x1C01, s7  }
0xc: {  	s21 =	smul.u32 $0x4E0, s11;
	s17 =	sadd.s32 s8, s3;
	s5 =	sshrl.u32 s5, $0x3  }
0xd: {  	[dreg:$0x6] =	wrdreg s14;
	s9 =	sadd.s32 s5, s1;
	s1 =	sadd.s32 s16, s1  }
0xe: {  	s5 =	simm.s32 $0x52;
	s23 =	sshrl.u32 s19, $0x3;
	s25 =	sadd.s32 s0, s21  }
0xf: {  	s16 =	sadd.s32 $0x13360, s0;
	s18 =	sadd.s32 $0x2A00, s1;
	[dreg:$0xb] =	wrdreg s25  }
0x10: {  	s5 =	simm.s32 @!p0 $0x4E;
	s20 =	sadd.s32 $0x16A00, s1;
	[dreg:$0x5] =	wrdreg s18  }
0x11: {  	s15 =	sadd.s32 $0x1BA00, s1;
	s22 =	sadd.s32 $0x25A00, s1;
	[dreg:$0x7] =	wrdreg s20  }
0x12: {  	s24 =	sadd.s32 $0x20A00, s1;
	s26 =	sadd.s32 s0, s23;
	[dreg:$0x8] =	wrdreg s15  }
0x13: {  	s19 =	sadd.s32 $0xCA00, s9;
	p0 =	sne.s32 s11, $0x1F;
	[dreg:$0x9] =	wrdreg s22  }
0x14: {  	s23 =	simm.s32 $0x0;
	[dreg:$0xa] =	wrdreg s24;
	s14 =	sadd.s32 $0x9C40, s26  }
0x15: {  	s15 =	sadd.s32 $0x9720, s0;
	s18 =	sadd.s32 $0x7A00, s1;
	s20 =	smax.u32 s10, $0x1  }
0x16: {  	s21 =	sshll.u32 s5, $0xD;
	s22 =	sshrl.u32 s12, $0x3;
	s1 =	simm.s32 $0x5200  }
0x17: {  	s0 =	simm.s32 $0x5A00;
	s24 =	simm.s32 $0x6200;
	s26 =	simm.s32 $0x6A00  }
.LBB2_1:
0x18: {  	s6 =	rddreg [dreg:$0x5]  }
0x19: {  	s8 =	rddreg [dreg:$0x6]  }
0x1a: {  	[spmem:s22], [sflag:s8] =	dma.local [hbm:s6], $0x500  }
0x1b: {  	s25 =	simm.s32 $0x9200;
	s6 =	rddreg [dreg:$0x7]  }
0x1c: {  	[tilespmem:s25], [sflag:$0x1] =	stream.linear.gather [hbm4b:s6+s4], $0x2800, $0x38;
	[tilespmem:$0x1AA00] =	vst v63  }
0x1d: {  	s10 =	simm.s32 $0xBA00;
	s9 =	rddreg [dreg:$0x8]  }
0x1e: {  	[tilespmem:s10], [sflag:$0x1] =	stream.linear.gather [hbm4b:s9+s4], $0x2800, $0x38;
	[tilespmem:$0x1AA00] =	vst v63  }
0x1f: {  	s12 =	simm.s32 $0xE200;
	s11 =	rddreg [dreg:$0x9]  }
0x20: {  	[tilespmem:s12], [sflag:$0x1] =	stream.linear.gather [hbm4b:s11+s4], $0x2800, $0x38;
	[tilespmem:$0x1AA00] =	vst v63  }
0x21: {  	s13 =	rddreg [dreg:$0xa];
	s25 =	simm.s32 $0x10A00  }
0x22: {  	[tilespmem:s25], [sflag:$0x1] =	stream.linear.gather [hbm4b:s13+s4], $0x2800, $0x38;
	[tilespmem:$0x1AA00] =	vst v63  }
0x23: {  	s8 =	rddreg [dreg:$0xb];
	s6 =	simm.s32 @p0 $0x0  }
0x24: {  	[tilespmem:s6], [sflag:$0x3] =	stream.linear.gather @p0 [hbm4b:s8+s6], $0x2700, $0x38;
	[tilespmem:$0x1AA00] =	vst v63  }
0x25: {  	s8 =	simm.s32 @p0 $0x3  }
0x26: {  	_ =	swait.ge @p0 [sflag:s8], $0x2700  }
0x27: {  	[sflag:s8] =	ssyncset.done @p0 $0x0  }
0x28: {  	s9 =	simm.s32 @p0 $0x2900;
	[sflag:s8] =	ssyncadd.s32 @p0 $0xFFFFD900  }
0x29: {  	[tilespmem:s9], [sflag:$0x3] =	stream.linear.gather @p0 [hbm4b:s14+s6], $0x2700, $0x38;
	[tilespmem:$0x1AA00] =	vst v63  }
0x2a: {  	_ =	swait.ge @p0 [sflag:s8], $0x2700  }
0x2b: {  	[sflag:s8] =	ssyncset.done @p0 $0x0  }
0x2c: {  	s6 =	simm.s32 @!p0 $0x0;
	[sflag:s8] =	ssyncadd.s32 @p0 $0xFFFFD900;
	s8 =	simm.s32 @!p0 $0x3  }
0x2d: {  	[tilespmem:s6], [sflag:$0x3] =	stream.linear.gather @!p0 [hbm4b:s15+s6], $0x2900, $0x38;
	[tilespmem:$0x1AA00] =	vst v63  }
0x2e: {  	_ =	swait.ge @!p0 [sflag:s8], $0x2900  }
0x2f: {  	[sflag:s8] =	ssyncset.done @!p0 $0x0  }
0x30: {  	s9 =	simm.s32 @!p0 $0x2900;
	[sflag:s8] =	ssyncadd.s32 @!p0 $0xFFFFD700  }
0x31: {  	[tilespmem:s9], [sflag:$0x3] =	stream.linear.gather @!p0 [hbm4b:s16+s6], $0x2900, $0x38;
	[tilespmem:$0x1AA00] =	vst v63  }
0x32: {  	_ =	swait.ge @!p0 [sflag:s8], $0x2900  }
0x33: {  	[sflag:s8] =	ssyncset.done @!p0 $0x0  }
0x34: {  	[sflag:s8] =	ssyncadd.s32 @!p0 $0xFFFFD700  }
0x35: {  	_ =	swait.ge [sflag:s28], $0x500  }
0x36: {  	[sflag:s28] =	ssyncset.done $0x0  }
0x37: {  	[sflag:s28] =	ssyncadd.s32 $0xFFFFFB00  }
0x38: {  	_ =	swait.ge [sflag:s28], $0x2800  }
0x39: {  	[sflag:s28] =	ssyncset.done $0x0  }
0x3a: {  	[sflag:s28] =	ssyncadd.s32 $0xFFFFD800  }
0x3b: {  	_ =	swait.ge [sflag:s28], $0x2800  }
0x3c: {  	[sflag:s28] =	ssyncset.done $0x0  }
0x3d: {  	[sflag:s28] =	ssyncadd.s32 $0xFFFFD800  }
0x3e: {  	_ =	swait.ge [sflag:s28], $0x2800  }
0x3f: {  	[sflag:s28] =	ssyncset.done $0x0  }
0x40: {  	[sflag:s28] =	ssyncadd.s32 $0xFFFFD800  }
0x41: {  	_ =	swait.ge [sflag:s28], $0x2800  }
0x42: {  	[sflag:s28] =	ssyncset.done $0x0  }
0x43: {  	s25 =	simm.s32 $0x0;
	[sflag:s28] =	ssyncadd.s32 $0xFFFFD800  }
0x44: {  	v0 =	vld [tilespmem:s25+$0x9230]  }
0x45: {  	v1 =	vld [tilespmem:s25+$0xBA30]  }
0x46: {  	v3 =	vld [tilespmem:s25+$0x9200]  }
0x47: {  	v2 =	vld [tilespmem:s25+$0xE230]  }
0x48: {  	v5 =	vld [tilespmem:s25+$0xBA00]  }
0x49: {  	v6 =	vld [tilespmem:s25+$0x10A30]  }
0x4a: {  	v7 =	vld [tilespmem:s25+$0x9210];
	v0 =	vadd.f32 v1, v0  }
0x4b: {  	v8 =	vld [tilespmem:s25+$0xBA10]  }
0x4c: {  	v9 =	vld [tilespmem:s25+$0x9220];
	v0 =	vadd.f32 v2, v0  }
0x4d: {  	v10 =	vld [tilespmem:s25+$0xBA20]  }
0x4e: {  	v11 =	vld [tilespmem:s25+$0xE200];
	v0 =	vmul.f32 v0, v6  }
0x4f: {  	v12 =	vld [tilespmem:s25+$0xE210]  }
0x50: {  	v4 =	vld [tilespmem:s25+$0xE220];
	v0 =	vmax.f32 v0, $0.0e+00  }
0x51: {  	v2 =	vld [tilespmem:s25+$0x10A00];
	v6 =	vmul.f32 v0, v6  }
0x52: {  	v1 =	vld [tilespmem:s25+$0x10A10];
	v3 =	vadd.f32 v5, v3;
	v7 =	vadd.f32 v8, v7  }
0x53: {  	s6 =	simm.s32 $0x40;
	v5 =	vadd.f32 v10, v9;
	v0 =	vld [tilespmem:s25+$0x10A20];
	[tilespmem:s25+$0x13230] =	vst v6  }
0x54: {  	s8 =	simm.s32 $0x200;
	v7 =	vadd.f32 v12, v7;
	v6 =	vadd.f32 v11, v3;
	v3 =	vld [tilespmem:s6+$0x9230]  }
.LBB2_2:
0x55: {  	p2 =	sne.s32 s8, $0x9F00;
	v8 =	vld [tilespmem:s6+$0xBA30];
	v4 =	vadd.f32 v4, v5  }
0x56: {  	v5 =	vld [tilespmem:s6+$0x9200];
	v6 =	vmul.f32 v6, v2  }
0x57: {  	v9 =	vld [tilespmem:s6+$0xE230];
	v7 =	vmul.f32 v7, v1  }
0x58: {  	v10 =	vld [tilespmem:s6+$0xBA00];
	v6 =	vmax.f32 v6, $0.0e+00;
	v4 =	vmul.f32 v4, v0  }
0x59: {  	v11 =	vld [tilespmem:s6+$0x10A30];
	v2 =	vmul.f32 v6, v2;
	v6 =	vmax.f32 v7, $0.0e+00  }
0x5a: {  	v7 =	vld [tilespmem:s6+$0x9210];
	v3 =	vadd.f32 v8, v3;
	v1 =	vmul.f32 v6, v1;
	v4 =	vmax.f32 v4, $0.0e+00  }
0x5b: {  	v6 =	vld [tilespmem:s6+$0xBA10];
	[tilespmem:s25+$0x13200] =	vst v2;
	v0 =	vmul.f32 v4, v0  }
0x5c: {  	v8 =	vld [tilespmem:s6+$0x9220];
	v2 =	vadd.f32 v9, v3;
	[tilespmem:s25+$0x13210] =	vst v1  }
0x5d: {  	v3 =	vadd.f32 v10, v5;
	v5 =	vld [tilespmem:s6+$0xBA20];
	[tilespmem:s25+$0x13220] =	vst v0;
	s25 =	smov.u32 s6  }
0x5e: {  	v0 =	vld [tilespmem:s25+$0xE200];
	v1 =	vmul.f32 v2, v11  }
0x5f: {  	v9 =	vld [tilespmem:s25+$0xE210]  }
.Ltmp0:
0x60: {  	v7 =	vadd.f32 v6, v7;
	v4 =	vld [tilespmem:s25+$0xE220];
	v1 =	vmax.f32 v1, $0.0e+00;
	(pc) =	sbr.rel @p2 .LBB2_2-.Ltmp0, $4  }
0x61: {  	v2 =	vld [tilespmem:s25+$0x10A00];
	v10 =	vmul.f32 v1, v11  }
0x62: {  	v1 =	vld [tilespmem:s25+$0x10A10];
	v5 =	vadd.f32 v5, v8  }
0x63: {  	s6 =	sshra.s32 s8, $0x2;
	v6 =	vadd.f32 v0, v3;
	v0 =	vld [tilespmem:s25+$0x10A20];
	[tilespmem:s25+$0x13230] =	vst v10  }
0x64: {  	s8 =	sadd.s32 $0x100, s8;
	v3 =	vld [tilespmem:s6+$0x9230];
	v7 =	vadd.f32 v9, v7  }
0x65: {  	v8 =	vld [tilespmem:s6+$0xBA30]  }
0x66: {  	v9 =	vld [tilespmem:s6+$0x9200];
	v4 =	vadd.f32 v4, v5;
	v6 =	vmul.f32 v6, v2  }
0x67: {  	v10 =	vld [tilespmem:s6+$0xE230];
	v50 =	vmul.f32 v7, v1  }
0x68: {  	v11 =	vld [tilespmem:s6+$0xBA00];
	v6 =	vmax.f32 v6, $0.0e+00;
	v4 =	vmul.f32 v4, v0  }
0x69: {  	v51 =	vld [tilespmem:s6+$0x10A30];
	v52 =	vmul.f32 v6, v2;
	v5 =	vmax.f32 v50, $0.0e+00  }
0x6a: {  	v53 =	vld [tilespmem:s6+$0x9210];
	v54 =	vmul.f32 v5, v1;
	v55 =	vmax.f32 v4, $0.0e+00  }
0x6b: {  	v12 =	vld [tilespmem:s6+$0xBA10];
	[tilespmem:s25+$0x13200] =	vst v52;
	v57 =	vmul.f32 v55, v0  }
0x6c: {  	v56 =	vld [tilespmem:s6+$0x9220];
	[tilespmem:s25+$0x13210] =	vst v54  }
0x6d: {  	v1 =	vld [tilespmem:s6+$0xBA20];
	[tilespmem:s25+$0x13220] =	vst v57  }
0x6e: {  	v0 =	vld [tilespmem:s6+$0xE200]  }
0x6f: {  	v58 =	vld [tilespmem:s6+$0xE210]  }
0x70: {  	v59 =	vld [tilespmem:s6+$0xE220]  }
0x71: {  	v3 =	vadd.f32 v8, v3;
	v60 =	vld [tilespmem:s6+$0x10A00]  }
0x72: {  	v9 =	vadd.f32 v11, v9;
	v61 =	vld [tilespmem:s6+$0x10A10]  }
0x73: {  	v6 =	vadd.f32 v12, v53;
	v3 =	vadd.f32 v10, v3;
	v62 =	vld [tilespmem:s6+$0x10A20]  }
0x74: {  	v1 =	vadd.f32 v1, v56;
	v0 =	vadd.f32 v0, v9  }
0x75: {  	v3 =	vmul.f32 v3, v51;
	v2 =	vadd.f32 v58, v6  }
0x76: {  	v1 =	vadd.f32 v59, v1;
	v0 =	vmul.f32 v0, v60  }
0x77: {  	v3 =	vmax.f32 v3, $0.0e+00;
	v2 =	vmul.f32 v2, v61  }
0x78: {  	v3 =	vmul.f32 v3, v51;
	v1 =	vmul.f32 v1, v62;
	v0 =	vmax.f32 v0, $0.0e+00  }
0x79: {  	v2 =	vmax.f32 v2, $0.0e+00;
	v0 =	vmul.f32 v0, v60  }
0x7a: {  	[tilespmem:s6+$0x13230] =	vst v3;
	v2 =	vmul.f32 v2, v61;
	v1 =	vmax.f32 v1, $0.0e+00  }
0x7b: {  	v63 =	vmul.f32 v1, v62;
	[tilespmem:s6+$0x13200] =	vst v0  }
0x7c: {  	[tilespmem:s6+$0x13210] =	vst v2  }
0x7d: {  	s13 =	simm.s32 $0x13200;
	[tilespmem:s6+$0x13220] =	vst v63  }
0x7e: {  	[spmem:s17] =	stream.linear.scatter [tilespmem:s13], [sflag:$0x3], $0x2800, $0x38;
	[tilespmem:$0x1AA00] =	vst v63  }
0x7f: {  	_ =	swait.ge [sflag:s30], $0x2800  }
0x80: {  	[sflag:s30] =	ssyncset.done $0x0  }
0x81: {  	s8 =	simm.s32 @!p1 $0x13200;
	s6 =	simm.s32 @!p1 $0x0;
	[sflag:s30] =	ssyncadd.s32 $0xFFFFD800  }
0x82: {  	[hbm4b:s18+s6] =	stream.linear.scatter @!p1 [tilespmem:s8], [sflag:$0x3], $0x2800, $0x38;
	[tilespmem:$0x1AA00] =	vst v63  }
0x83: {  	s6 =	simm.s32 @!p1 $0x3  }
0x84: {  	_ =	swait.ge @!p1 [sflag:s6], $0x2800  }
0x85: {  	[sflag:s6] =	ssyncset.done @!p1 $0x0  }
0x86: {  	[sflag:s6] =	ssyncadd.s32 @!p1 $0xFFFFD800  }
0x87: {  	[bflag:$0x0] =	sbarrier.arrive $0xFFFF  }
0x88: {  	[tilespmem:s1], [sflag:$0x1] =	stream.indirect.gather [spmem:s3], $0x10, s4, s31, $0xb8;
	[tilespmem:$0x1AA00] =	vst v63  }
0x89: {  	_ = 	snop  }
0x8a: {  	[tilespmem:s0], [sflag:$0x1] =	stream.indirect.gather [spmem:s3], $0x10, s31, s31, $0xb8;
	[tilespmem:$0x1AA00] =	vst v63  }
0x8b: {  	s25 =	simm.s32 $0x100  }
0x8c: {  	[tilespmem:s24], [sflag:$0x1] =	stream.indirect.gather [spmem:s3], $0x10, s25, s31, $0xb8;
	[tilespmem:$0x1AA00] =	vst v63  }
0x8d: {  	s8 =	simm.s32 $0x180  }
0x8e: {  	[tilespmem:s26], [sflag:$0x1] =	stream.indirect.gather [spmem:s3], $0x10, s8, s31, $0xb8;
	[tilespmem:$0x1AA00] =	vst v63  }
0x8f: {  	_ =	swait.ge [sflag:s28], $0x800  }
0x90: {  	[sflag:s28] =	ssyncset.done $0x0  }
0x91: {  	s9 =	simm.s32 $0x2900;
	[sflag:s28] =	ssyncadd.s32 $0xFFFFF800  }
0x92: {  	[spmem:s2] =	stream.indirect.scatter.add.f32 [tilespmem:s1], [sflag:$0x2], $0x10, s9, s31, $0xb8;
	[tilespmem:$0x1AA00] =	vst v63  }
0x93: {  	s10 =	simm.s32 $0x200;
	s11 =	simm.s32 $0x7200  }
0x94: {  	[tilespmem:s11], [sflag:$0x1] =	stream.indirect.gather [spmem:s3], $0x10, s10, s31, $0xb8;
	[tilespmem:$0x1AA00] =	vst v63  }
0x95: {  	_ =	swait.ge [sflag:s28], $0x800  }
0x96: {  	[sflag:s28] =	ssyncset.done $0x0  }
0x97: {  	s12 =	simm.s32 $0x2980;
	[sflag:s28] =	ssyncadd.s32 $0xFFFFF800  }
0x98: {  	[spmem:s2] =	stream.indirect.scatter.add.f32 [tilespmem:s0], [sflag:$0x2], $0x10, s12, s31, $0xb8;
	[tilespmem:$0x1AA00] =	vst v63  }
0x99: {  	s13 =	simm.s32 $0x280;
	s25 =	simm.s32 $0x7A00  }
0x9a: {  	[tilespmem:s25], [sflag:$0x1] =	stream.indirect.gather [spmem:s3], $0x10, s13, s31, $0xb8;
	[tilespmem:$0x1AA00] =	vst v63  }
0x9b: {  	_ =	swait.ge [sflag:s28], $0x800  }
0x9c: {  	[sflag:s28] =	ssyncset.done $0x0  }
0x9d: {  	s8 =	simm.s32 $0x2A00;
	[sflag:s28] =	ssyncadd.s32 $0xFFFFF800  }
0x9e: {  	[spmem:s2] =	stream.indirect.scatter.add.f32 [tilespmem:s24], [sflag:$0x2], $0x10, s8, s31, $0xb8;
	[tilespmem:$0x1AA00] =	vst v63  }
0x9f: {  	s9 =	simm.s32 $0x300;
	s10 =	simm.s32 $0x8200  }
0xa0: {  	[tilespmem:s10], [sflag:$0x1] =	stream.indirect.gather [spmem:s3], $0x10, s9, s31, $0xb8;
	[tilespmem:$0x1AA00] =	vst v63  }
0xa1: {  	p3 =	sne.s32 s21, $0xA000;
	_ =	swait.ge [sflag:s28], $0x800  }
0xa2: {  	p2 =	sle.u32 s5, $0x8;
	s6 =	simm.s32 $0x400;
	[sflag:s28] =	ssyncset.done $0x0  }
0xa3: {  	s11 =	simm.s32 $0x2A80;
	s25 =	simm.s32 $0x8000;
	[sflag:s28] =	ssyncadd.s32 $0xFFFFF800  }
0xa4: {  	[spmem:s2] =	stream.indirect.scatter.add.f32 [tilespmem:s26], [sflag:$0x2], $0x10, s11, s31, $0xb8;
	[tilespmem:$0x1AA00] =	vst v63  }
0xa5: {  	s12 =	simm.s32 $0x380;
	s13 =	simm.s32 $0x8A00;
	s8 =	sand.u32 $0xE000, s25  }
0xa6: {  	[tilespmem:s13], [sflag:$0x1] =	stream.indirect.gather [spmem:s3], $0x10, s12, s31, $0xb8;
	[tilespmem:$0x1AA00] =	vst v63  }
0xa7: {  	s25 =	simm.s32 $0x2B80;
	s9 =	simm.s32 $0x2B00;
	_ =	swait.ge [sflag:s28], $0x800  }
0xa8: {  	s10 =	sshrl.u32 s8, $0x2;
	s8 =	simm.s32 $0xA000;
	[sflag:s28] =	ssyncset.done $0x0  }
.Ltmp1:
0xa9: {  	s10 =	sadd.s32 $0x5200, s10;
	[sflag:s28] =	ssyncadd.s32 $0xFFFFF800;
	(pc) =	sbr.rel @!p3 .LBB2_5-.Ltmp1, $4  }
0xaa: {  	[spmem:s2] =	stream.indirect.scatter.add.f32 [tilespmem:s10], [sflag:$0x2], $0x10, s9, s31, $0xb8;
	[tilespmem:$0x1AA00] =	vst v63  }
0xab: {  	s11 =	simm.s32 @!p2 $0x80;
	s9 =	simm.s32 @!p2 $0x10000;
	_ =	swait.ge [sflag:s29], $0x800  }
0xac: {  	s10 =	sand.u32 @!p2 $0xE000, s9;
	s9 =	simm.s32 $0x9;
	[sflag:s29] =	ssyncset.done $0x0  }
0xad: {  	s12 =	sshrl.u32 @!p2 s10, $0x2;
	s10 =	simm.s32 $0x400;
	[sflag:s29] =	ssyncadd.s32 $0xFFFFF800  }
.LBB2_4:
0xae: {  	s12 =	sadd.s32 @!p2 $0x5200, s12  }
0xaf: {  	s10 =	sadd.s32 $0x80, s10;
	s13 =	smov.u32 s8;
	s8 =	sadd.s32 $0x2000, s8  }
0xb0: {  	[tilespmem:s12], [sflag:$0x1] =	stream.indirect.gather @!p2 [spmem:s3], $0x10, s6, s11, $0xb8;
	[tilespmem:$0x1AA00] =	vst v63  }
0xb1: {  	p3 =	sne.s32 s21, s8;
	s6 =	smov.u32 s10  }
0xb2: {  	s11 =	sand.u32 $0xE000, s13;
	_ =	swait.ge [sflag:s28], $0x800  }
0xb3: {  	p2 =	sge.u32 s9, s5;
	s11 =	sshrl.u32 s11, $0x2;
	[sflag:s28] =	ssyncset.done $0x0  }
.Ltmp2:
0xb4: {  	s11 =	sadd.s32 $0x5200, s11;
	[sflag:s28] =	ssyncadd.s32 $0xFFFFF800;
	(pc) =	sbr.rel @p3 .LBB2_4-.Ltmp2, $4  }
0xb5: {  	[spmem:s2] =	stream.indirect.scatter.add.f32 [tilespmem:s11], [sflag:$0x2], $0x10, s25, s31, $0xb8;
	[tilespmem:$0x1AA00] =	vst v63  }
0xb6: {  	s11 =	sadd.s32 @!p2 $0x8000, s13;
	s25 =	sadd.s32 $0x80, s25;
	_ =	swait.ge [sflag:s29], $0x800  }
0xb7: {  	s9 =	sadd.s32 $0x1, s9;
	s11 =	sand.u32 @!p2 $0xE000, s11;
	[sflag:s29] =	ssyncset.done $0x0  }
0xb8: {  	s12 =	sshrl.u32 @!p2 s11, $0x2;
	s11 =	simm.s32 @!p2 $0x80;
	[sflag:s29] =	ssyncadd.s32 $0xFFFFF800  }
.LBB2_5:
0xb9: {  	s8 =	sadd.s32 @!p2 $0x5200, s12  }
0xba: {  	[tilespmem:s8], [sflag:$0x1] =	stream.indirect.gather @!p2 [spmem:s3], $0x10, s6, s11, $0xb8;
	[tilespmem:$0x1AA00] =	vst v63  }
0xbb: {  	_ =	swait.ge [sflag:s29], $0x800  }
0xbc: {  	[sflag:s29] =	ssyncset.done $0x0  }
0xbd: {  	[sflag:s29] =	ssyncadd.s32 $0xFFFFF800  }
0xbe: {  	_ =	swait.ge [sflag:s29], $0x800  }
0xbf: {  	[sflag:s29] =	ssyncset.done $0x0  }
0xc0: {  	[sflag:s29] =	ssyncadd.s32 $0xFFFFF800  }
0xc1: {  	_ =	swait.ge [sflag:s29], $0x800  }
0xc2: {  	[sflag:s29] =	ssyncset.done $0x0  }
0xc3: {  	[sflag:s29] =	ssyncadd.s32 $0xFFFFF800  }
0xc4: {  	_ =	swait.ge [sflag:s29], $0x800  }
0xc5: {  	s23 =	sadd.s32 $0x1, s23;
	[sflag:s29] =	ssyncset.done $0x0  }
0xc6: {  	p2 =	sne.s32 s23, s20;
	[sflag:s29] =	ssyncadd.s32 $0xFFFFF800  }
.Ltmp3:
0xc7: {  	s25 =	sor.u32 $0x1C03, s7;
	[bflag:$0x0] =	sbarrier.arrive $0xFFFF;
	(pc) =	sbr.rel @p2 .LBB2_1-.Ltmp3, $4  }
0xc8: {  	[hbm:s19], [sflag:s25] =	dma.local [spmem:s22], $0x500  }
0xc9: {  	_ =	swait.ge [sflag:s30], $0x500  }
0xca: {  	[sflag:s30] =	ssyncset.done $0x0  }
0xcb: {  	[sflag:s30] =	ssyncadd.s32 $0xFFFFFB00  }
0xcc: {  	_ =	sfence.sel $0x180000  }
0xcd: {  	[bflag:$0x0] =	sbarrier.arrive $0xFFFF  }
0xce: {  	_ =	strace $0x9000004D  }
0xcf: {  	s0 =	stileid.u32;
	[bflag:$0x2] =	sbarrier.arrive $0xFFFF  }
0xd0: {  	p0 =	sne.s32 s0, $0x0;
	s0 =	rddreg [dreg:$0x4]  }
0xd1: {  	s0 =	sadd.s32 @!p0 $0x100000, s0  }
0xd2: {  	[sflag:s0] =	ssyncadd.tile.s32 @!p0 $0x1;
	_ =	shalt  }
.Lfunc_end2:
_tile_overlayer_lowered:
.L_overlay_start_2:
0xd3: {  	(tag) =	ssettag $0x2  }
0xd4: {  	s0 =	rddreg [dreg:$0x0];
	s2 =	stileid.u32  }
0xd5: {  	s1 =	rddreg [dreg:$0x1];
	p0 =	sne.s32 s2, $0x0  }
0xd6: {  	s3 =	rddreg [dreg:$0x2];
	[bflag:$0x3] =	sbarrier.arrive $0xFFFF;
	s2 =	simm.s32 @!p0 $0x1C03  }
0xd7: {  	[timem:s3], [sflag:s2] =	dma.local @!p0 [hbm:s0], s1  }
0xd8: {  	s0 =	simm.s32 @!p0 $0x3  }
0xd9: {  	_ =	swait.ge @!p0 [sflag:s0], s1  }
0xda: {  	s1 =	ssub.s32 @!p0 $0x0, s1;
	[sflag:s0] =	ssyncset.done @!p0 $0x0  }
0xdb: {  	[sflag:s0] =	ssyncadd.s32 @!p0 s1  }
0xdc: {  	[bflag:$0x3] =	sbarrier.arrive $0xFFFF  }
0xdd: {  	_ =	shalt  }

// kernel: kernel.7.cloned.1.call-start
scs
__scs_entry_jumppad:
0x0: {  	(pc) =	sbr.rel $0x88, $3  }
0x1: {  	(tag) =	ssettag $0x0;
	lr =	simm.s32 $0x1  }
0x2: {  	[smem:$0x3F9B] =	sst lr;
	_ =	strace $0xD0000000  }
0x3: {  	_ = 	snop  }
0x4: {  	_ = 	snop  }
0x5: {  	_ = 	snop  }
0x6: {  	_ = 	snop  }
0x7: {  	_ = 	snop  }
__scs_overlays_trampoline_lowered:
0x8: {  	[smem:$0x3FAA] =	sst s0  }
0x9: {  	[smem:$0x3FAB] =	sst s1  }
0xa: {  	[smem:$0x3FAC] =	sst s2  }
0xb: {  	[smem:$0x3FAD] =	sst s3  }
0xc: {  	[smem:$0x3FAE] =	sst s4  }
0xd: {  	[smem:$0x3FAF] =	sst s5  }
0xe: {  	[smem:$0x3FB0] =	sst s6  }
0xf: {  	[smem:$0x3FB1] =	sst s7  }
0x10: {  	[smem:$0x3FB2] =	sst s8  }
0x11: {  	[smem:$0x3FB3] =	sst s9;
	s0 =	simm.s32 @!p0 $0x0  }
0x12: {  	s1 =	sld [smem:$0x3F99];
	s0 =	simm.s32 @p0 $0x1  }
0x13: {  	[smem:$0x3FB4] =	sst s0;
	s0 =	simm.s32 @!p1 $0x0  }
0x14: {  	s2 =	sld [smem:$0x3F98];
	s0 =	simm.s32 @p1 $0x1  }
0x15: {  	[smem:$0x3FB5] =	sst s0;
	s0 =	simm.s32 @!p2 $0x0  }
0x16: {  	s3 =	sld [smem:$0x3FDB];
	s0 =	simm.s32 @p2 $0x1  }
0x17: {  	s4 =	simm.s32 $0x1BF5;
	[smem:$0x3FB7] =	sst s0  }
0x18: {  	s0 =	sld [smem:$0x3F9A];
	_ =	swait.ge [sflag:s4], $0x0  }
0x19: {  	s7 =	sld [smem:$0x3F9B]  }
0x1a: {  	s8 =	sadd.s32 $0xFFFFE003, lr  }
0x1b: {  	s9 =	sadd.s32 $0xFFFFFEF7, lr;
	s5 =	simm.s32 $0xFFFFFFFF;
	p2 =	slt.u32 s8, $0xFFFFF086  }
0x1c: {  	p1 =	slt.u32 s9, $0xF7A;
	s5 =	simm.s32 @!p2 $0x0  }
0x1d: {  	s5 =	simm.s32 @p1 $0x1;
	p0 =	seq.s32 s7, s2  }
0x1e: {  	s7 =	smul.u32 @!p0 $0xF7A, s2;
	p2 =	seq.s32 @!p0 s5, $0x0  }
0x1f: {  	s9 =	smul.u32 $0xF7A, s1;
	s8 =	simm.s32 @!p0 $0x1BF5;
	p2 =	por !p2, p0  }
0x20: {  	[sflag:s8] =	ssyncset.s32 @!p0 $0xFFFFF086;
	s6 =	sadd.s32 @!p0 s3, s7;
	s7 =	simm.s32 @!p0 $0x108  }
0x21: {  	s3 =	sadd.s32 s3, s9;
	s6 =	sadd.s32 @!p0 $0x88, s6;
	s7 =	simm.s32 @p2 $0x1082  }
0x22: {  	[simem:s7], [sflag:s8] =	dma.local @!p0 [hbm:s6], $0xF7A  }
0x23: {  	s9 =	sor.u32 $0xD0000000, s2;
	s6 =	simm.s32 $0x108;
	_ =	swait.ge @!p0 [sflag:s8], $0x0  }
0x24: {  	s3 =	sadd.s32 $0x88, s3;
	s6 =	simm.s32 @!p1 $0x1082;
	[sflag:s4] =	ssyncset.s32 $0xFFFFF086  }
0x25: {  	[simem:s6], [sflag:s4] =	dma.local [hbm:s3], $0xF7A  }
0x26: {  	[smem:$0x3F9B] =	sst s1;
	(tag) =	ssettag s2;
	_ =	strace s9  }
0x27: {  	s1 =	sld [smem:$0x3FAB]  }
0x28: {  	s2 =	sld [smem:$0x3FAC]  }
0x29: {  	s4 =	sld [smem:$0x3FAE]  }
0x2a: {  	p0 =	seq.s32 s5, $0x0;
	s5 =	sld [smem:$0x3FAF]  }
0x2b: {  	s6 =	sld [smem:$0x3FB0]  }
0x2c: {  	s7 =	sld [smem:$0x3FB1]  }
0x2d: {  	s3 =	simm.s32 $0x108;
	s8 =	sld [smem:$0x3FB2]  }
0x2e: {  	s3 =	simm.s32 @!p0 $0x1082;
	s9 =	sld [smem:$0x3FB3]  }
0x2f: {  	lr =	sadd.s32 s0, s3;
	s0 =	sld [smem:$0x3FAA]  }
0x30: {  	s3 =	sld [smem:$0x3FAD]  }
0x31: {  	[smem:$0x3FB6] =	sst s10  }
0x32: {  	s10 =	sld [smem:$0x3FB4];
	_ =	sdelay $0x3  }
0x33: {  	p0 =	seq.s32 s10, $0x1;
	s10 =	sld [smem:$0x3FB6];
	_ =	sdelay $0x3  }
0x34: {  	[smem:$0x3FB6] =	sst s10  }
0x35: {  	s10 =	sld [smem:$0x3FB5];
	_ =	sdelay $0x3  }
0x36: {  	p1 =	seq.s32 s10, $0x1;
	s10 =	sld [smem:$0x3FB6];
	_ =	sdelay $0x3  }
0x37: {  	[smem:$0x3FB6] =	sst s10  }
0x38: {  	s10 =	sld [smem:$0x3FB7]  }
0x39: {  	_ = 	snop;
	(pc) =	sbr.ind lr, $3  }
0x3a: {  	_ = 	snop  }
0x3b: {  	_ = 	snop  }
0x3c: {  	p2 =	seq.s32 s10, $0x1;
	s10 =	sld [smem:$0x3FB6]  }
0x3d: {  	_ =	shalt  }
0x3e: {  	_ =	shalt  }
0x3f: {  	_ =	shalt  }
0x40: {  	_ =	shalt  }
0x41: {  	_ =	shalt  }
0x42: {  	_ =	shalt  }
0x43: {  	_ =	shalt  }
0x44: {  	_ =	shalt  }
0x45: {  	_ =	shalt  }
0x46: {  	_ =	shalt  }
0x47: {  	_ =	shalt  }
0x48: {  	_ =	shalt  }
0x49: {  	_ =	shalt  }
0x4a: {  	_ =	shalt  }
0x4b: {  	_ =	shalt  }
0x4c: {  	_ =	shalt  }
0x4d: {  	_ =	shalt  }
0x4e: {  	_ =	shalt  }
0x4f: {  	_ =	shalt  }
0x50: {  	_ =	shalt  }
0x51: {  	_ =	shalt  }
0x52: {  	_ =	shalt  }
0x53: {  	_ =	shalt  }
0x54: {  	_ =	shalt  }
0x55: {  	_ =	shalt  }
0x56: {  	_ =	shalt  }
0x57: {  	_ =	shalt  }
0x58: {  	_ =	shalt  }
0x59: {  	_ =	shalt  }
0x5a: {  	_ =	shalt  }
0x5b: {  	_ =	shalt  }
0x5c: {  	_ =	shalt  }
0x5d: {  	_ =	shalt  }
0x5e: {  	_ =	shalt  }
0x5f: {  	_ =	shalt  }
0x60: {  	_ =	shalt  }
0x61: {  	_ =	shalt  }
0x62: {  	_ =	shalt  }
0x63: {  	_ =	shalt  }
0x64: {  	_ =	shalt  }
0x65: {  	_ =	shalt  }
0x66: {  	_ =	shalt  }
0x67: {  	_ =	shalt  }
0x68: {  	_ =	shalt  }
0x69: {  	_ =	shalt  }
0x6a: {  	_ =	shalt  }
0x6b: {  	_ =	shalt  }
0x6c: {  	_ =	shalt  }
0x6d: {  	_ =	shalt  }
0x6e: {  	_ =	shalt  }
0x6f: {  	_ =	shalt  }
0x70: {  	_ =	shalt  }
0x71: {  	_ =	shalt  }
0x72: {  	_ =	shalt  }
0x73: {  	_ =	shalt  }
0x74: {  	_ =	shalt  }
0x75: {  	_ =	shalt  }
0x76: {  	_ =	shalt  }
0x77: {  	_ =	shalt  }
0x78: {  	_ =	shalt  }
0x79: {  	_ =	shalt  }
0x7a: {  	_ =	shalt  }
0x7b: {  	_ =	shalt  }
0x7c: {  	_ =	shalt  }
0x7d: {  	_ =	shalt  }
0x7e: {  	_ =	shalt  }
0x7f: {  	_ =	shalt  }
0x80: {  	_ =	shalt  }
0x81: {  	_ =	shalt  }
0x82: {  	_ =	shalt  }
0x83: {  	_ =	shalt  }
0x84: {  	_ =	shalt  }
0x85: {  	_ =	shalt  }
0x86: {  	_ =	shalt  }
0x87: {  	_ =	shalt  }
.Lfunc_end0:
.L_simem_size_0:
called_computation_lowered:
.L_overlay_start_0:
0x88: {  	s2 =	sld [smem:$0x3FD9]  }
0x89: {  	s3 =	sld [smem:$0x3FFE];
	_ =	sdelay $0x1  }
0x8a: {  	s1 =	srdreg.scid  }
0x8b: {  	s0 =	sand.u32 $0x1, s1  }
0x8c: {  	s17 =	sshll.u32 s0, $0xA;
	s2 =	sadd.s32 s3, s2  }
0x8d: {  	s2 =	sadd.s32 s2, s17  }
0x8e: {  	[smem:$0x3FC2] =	sst s2  }
0x8f: {  	_ = 	snop  }
0x90: {  	s2 =	sld [smem:$0x3FD0];
	(tm) =	ssettm $0x1  }
0x91: {  	s18 =	sld [smem:$0x3FFB];
	_ =	sdelay $0x3  }
0x92: {  	_ =	strace s18  }
0x93: {  	s3 =	sld [smem:$0x3FFC];
	_ =	sdelay $0x3  }
0x94: {  	_ =	strace s3  }
0x95: {  	s3 =	sld [smem:$0x3FFD];
	_ =	sdelay $0x3  }
0x96: {  	_ =	strace s3  }
0x97: {  	_ =	strace $0x8FFFFFFF  }
0x98: {  	s19 =	sld [smem:$0x3FDB];
	_ =	sdelay $0x1  }
0x99: {  	s4 =	simm.s32 $_scs_section_size  }
0x9a: {  	s5 =	simm.s32 $_size__tile_overlayer_lowered;
	s6 =	simm.s32 $_tile_overlayer_lowered  }
0x9b: {  	s22 =	simm.s32 $0x1BFF;
	s21 =	sshll.u32 s6, $0x1;
	s3 =	sadd.s32 s4, s19  }
0x9c: {  	s7 =	simm.s32 $0x0;
	s20 =	sshll.u32 s5, $0x1;
	s5 =	sadd.s32 s21, s3  }
0x9d: {  	[timem:s7], [sflag:s22] =	dma.local [hbm:s5], s20  }
0x9e: {  	_ =	swait.ge [sflag:s22], s20  }
0x9f: {  	s4 =	ssub.s32 $0x0, s20;
	[sflag:s22] =	ssyncset.done $0x0  }
0xa0: {  	[sflag:s22] =	ssyncadd.s32 s4;
	_ =	sdelay $0x1  }
0xa1: {  	s23 =	simm.s32 $0x1B8B  }
0xa2: {  	_ =	swait.ge [sflag:s23], $0x1  }
0xa3: {  	[sflag:s23] =	ssyncset.done $0x0  }
0xa4: {  	s25 =	simm.s32 $0x1B8E;
	s24 =	sld [smem:$0x3FFE];
	[sflag:s23] =	ssyncadd.s32 $0xFFFFFFFF  }
0xa5: {  	s26 =	simm.s32 $execute0_lowered;
	[smem:$0x3FD2] =	sst s25  }
0xa6: {  	s5 =	sshll.u32 s26, $0x1;
	_ =	strace $0x80000046;
	[dreg:$0x1] =	wrdreg $0xFFFFFFFF  }
0xa7: {  	s28 =	simm.s32 $_size_execute0_lowered;
	s3 =	sadd.s32 s3, s5;
	[dreg:$0x0] =	wrdreg $0x0  }
0xa8: {  	s5 =	sshll.u32 s28, $0x1;
	[dreg:$0x2] =	wrdreg s3  }
0xa9: {  	[dreg:$0x3] =	wrdreg s5  }
0xaa: {  	[dreg:$0x4] =	wrdreg $0xC0  }
0xab: {  	_ =	task [dreg:s7], $0x5FFFF  }
0xac: {  	[dreg:$0x1] =	wrdreg $0xFFFFFFFF  }
0xad: {  	[dreg:$0x0] =	wrdreg $0x60  }
0xae: {  	[dreg:$0x2] =	wrdreg s2  }
0xaf: {  	[dreg:$0x3] =	wrdreg s24  }
0xb0: {  	[dreg:$0x4] =	wrdreg $0x31000  }
0xb1: {  	[dreg:$0x5] =	wrdreg $0x9  }
0xb2: {  	_ =	task.clear_ibuf [dreg:s7], $0x6FFFF;
	_ =	strace $0x90000046  }
0xb3: {  	s29 =	simm.s32 $0x9;
	_ =	strace $0x80000048  }
0xb4: {  	_ =	swait.ge [sflag:s29], $0x1  }
0xb5: {  	[sflag:s29] =	ssyncadd.s32 $0xFFFFFFFF  }
0xb6: {  	_ =	strace $0x90000048  }
0xb7: {  	_ =	sfence  }
0xb8: {  	s30 =	sld [smem:$0x0];
	_ =	sdelay $0x2  }
0xb9: {  	s31 =	sshll.u32 s1, $0xD;
	s1 =	sshrl.u32 s1, $0x2  }
0xba: {  	s3 =	sand.u32 $0x4000, s31;
	s1 =	sadd.s32 s1, s30  }
0xbb: {  	s0 =	sor.u32 s3, s0;
	s1 =	sshll.u32 s1, $0x11  }
0xbc: {  	s0 =	sor.u32 s1, s0  }
0xbd: {  	s0 =	sadd.s32 $0x8F2B, s0  }
0xbe: {  	[sflag:s0] =	ssyncadd.remote.s32 $0x1  }
0xbf: {  	_ =	sfence.sel $0xFFFF  }
0xc0: {  	[dreg:$0x0] =	wrdreg $0xFFFFFFFF;
	(pc) =	sbr.abs _section_cstart, $3  }
0xc1: {  	[dreg:$0x1] =	wrdreg $0xFFFFFFFF  }
0xc2: {  	_ =	task.clear_ibuf [dreg:s7], $0x2FFFF;
	_ =	strace $0x9FFFFFFF  }
0xc3: {  	(tm) =	ssettm $0x7FFFFFFF  }
tec
execute0_lowered:
.L_overlay_start_1:
0x0: {  	(tag) =	ssettag $0x1  }
0x1: {  	s7 =	rddreg [dreg:$0x0]  }
0x2: {  	s5 =	rddreg [dreg:$0x1]  }
0x3: {  	s2 =	rddreg [dreg:$0x2]  }
0x4: {  	s0 =	rddreg [dreg:$0x3];
	s1 =	stileid.u32  }
0x5: {  	s4 =	srdreg.scid;
	s3 =	simm.s32 $0x0;
	s15 =	simm.s32 $0x80  }
0x6: {  	s16 =	simm.s32 $0x100;
	s17 =	simm.s32 $0x180;
	s18 =	simm.s32 $0x200  }
0x7: {  	s19 =	simm.s32 $0x280;
	s20 =	simm.s32 $0x300;
	s21 =	simm.s32 $0x380  }
0x8: {  	s22 =	simm.s32 $0x1;
	s23 =	simm.s32 $0x0;
	s8 =	smul.u32 $0x2800, s1  }
0x9: {  	s6 =	sand.u32 $0x1, s4;
	[smem:$0x7FF] =	sst s3;
	s4 =	sadd.s32 $0x2800, s5  }
0xa: {  	s31 =	sshll.u32 s1, $0x6;
	s9 =	smul.u32 $0x28000, s6;
	_ =	strace $0x80000047  }
0xb: {  	s10 =	sshll.u32 s6, $0x4;
	s6 =	ssub.s32 $0x2, s6;
	s11 =	sshrl.u32 s8, $0x3  }
0xc: {  	s12 =	sor.u32 s1, s10;
	s13 =	sshrl.u32 s6, $0x1;
	s14 =	sadd.s32 s8, s2  }
0xd: {  	s9 =	sadd.s32 s8, s9;
	s10 =	smul.u32 $0x2700, s12;
	s11 =	sadd.s32 s11, s5  }
0xe: {  	p0 =	seq.s32 s12, $0x1F;
	s13 =	ssub.s32 s6, s13;
	s14 =	sshrl.u32 s14, $0x3  }
0xf: {  	s9 =	sshrl.u32 s9, $0x3;
	s8 =	sadd.s32 $0x2A00, s11;
	s11 =	simm.s32 $0x2900  }
0x10: {  	s9 =	sadd.s32 s9, s5;
	s5 =	simm.s32 $0x4A;
	s10 =	sshrl.u32 s10, $0x3  }
0x11: {  	s5 =	simm.s32 @!p0 $0x46;
	s30 =	sadd.s32 s7, s10;
	s7 =	sadd.s32 $0x13360, s7  }
0x12: {  	s9 =	sadd.s32 $0x7A00, s9;
	s10 =	smax.u32 s13, $0x1;
	p0 =	sne.s32 s12, $0x1F  }
0x13: {  	s12 =	simm.s32 $0x2;
	s13 =	sor.u32 $0x1C02, s31;
	s6 =	sadd.s32 $0x9C40, s30  }
.LBB2_1:
0x14: {  	s24 =	simm.s32 @p0 $0x0  }
0x15: {  	[tilespmem:s24], [sflag:$0x2] =	stream.linear.gather @p0 [hbm4b:s6+s24], $0x2700, $0x38;
	[tilespmem:$0x5900] =	vst v63  }
0x16: {  	s24 =	simm.s32 @p0 $0x2  }
0x17: {  	_ =	swait.ge @p0 [sflag:s24], $0x2700  }
0x18: {  	[sflag:s24] =	ssyncset.done @p0 $0x0  }
0x19: {  	[sflag:s24] =	ssyncadd.s32 @p0 $0xFFFFD900;
	s24 =	simm.s32 @!p0 $0x0  }
0x1a: {  	[tilespmem:s24], [sflag:$0x2] =	stream.linear.gather @!p0 [hbm4b:s7+s24], $0x2900, $0x38;
	[tilespmem:$0x5900] =	vst v63  }
0x1b: {  	s24 =	simm.s32 @!p0 $0x2  }
0x1c: {  	_ =	swait.ge @!p0 [sflag:s24], $0x2900  }
0x1d: {  	[sflag:s24] =	ssyncset.done @!p0 $0x0  }
0x1e: {  	[sflag:s24] =	ssyncadd.s32 @!p0 $0xFFFFD700  }
0x1f: {  	[tilespmem:s11], [sflag:$0x2] =	stream.linear.gather [hbm4b:s4+s3], $0x800, $0x38;
	[tilespmem:$0x5900] =	vst v63  }
0x20: {  	_ =	swait.ge [sflag:s12], $0x800  }
0x21: {  	[sflag:s12] =	ssyncset.done $0x0  }
0x22: {  	[sflag:s12] =	ssyncadd.s32 $0xFFFFF800  }
0x23: {  	[spmem:s14], [sflag:s13] =	dma.local [hbm:s8], $0x500  }
0x24: {  	_ =	swait.ge [sflag:s12], $0x500  }
0x25: {  	[sflag:s12] =	ssyncset.done $0x0  }
0x26: {  	[sflag:s12] =	ssyncadd.s32 $0xFFFFFB00  }
0x27: {  	[bflag:$0x0] =	sbarrier.arrive $0xFFFF  }
0x28: {  	[spmem:s2] =	stream.indirect.scatter.add.f32 [tilespmem:s11], [sflag:$0x1], $0x10, s3, s15, $0xb8;
	[tilespmem:$0x5900] =	vst v63  }
0x29: {  	_ = 	snop  }
0x2a: {  	[spmem:s2] =	stream.indirect.scatter.add.f32 [tilespmem:s11], [sflag:$0x1], $0x10, s15, s15, $0xb8;
	[tilespmem:$0x5900] =	vst v63  }
0x2b: {  	_ = 	snop  }
0x2c: {  	[spmem:s2] =	stream.indirect.scatter.add.f32 [tilespmem:s11], [sflag:$0x1], $0x10, s16, s15, $0xb8;
	[tilespmem:$0x5900] =	vst v63  }
0x2d: {  	_ = 	snop  }
0x2e: {  	[spmem:s2] =	stream.indirect.scatter.add.f32 [tilespmem:s11], [sflag:$0x1], $0x10, s17, s15, $0xb8;
	[tilespmem:$0x5900] =	vst v63  }
0x2f: {  	_ = 	snop  }
0x30: {  	[spmem:s2] =	stream.indirect.scatter.add.f32 [tilespmem:s11], [sflag:$0x1], $0x10, s18, s15, $0xb8;
	[tilespmem:$0x5900] =	vst v63  }
0x31: {  	_ = 	snop  }
0x32: {  	[spmem:s2] =	stream.indirect.scatter.add.f32 [tilespmem:s11], [sflag:$0x1], $0x10, s19, s15, $0xb8;
	[tilespmem:$0x5900] =	vst v63  }
0x33: {  	_ = 	snop  }
0x34: {  	[spmem:s2] =	stream.indirect.scatter.add.f32 [tilespmem:s11], [sflag:$0x1], $0x10, s20, s15, $0xb8;
	[tilespmem:$0x5900] =	vst v63  }
0x35: {  	p1 =	sne.s32 s5, $0x1  }
0x36: {  	[spmem:s2] =	stream.indirect.scatter.add.f32 [tilespmem:s11], [sflag:$0x1], $0x10, s21, s15, $0xb8;
	[tilespmem:$0x5900] =	vst v63  }
.Ltmp0:
0x37: {  	_ = 	snop;
	(pc) =	sbr.rel @!p1 .LBB2_3-.Ltmp0, $4  }
0x38: {  	s24 =	simm.s32 $0x400  }
0x39: {  	[spmem:s2] =	stream.indirect.scatter.add.f32 [tilespmem:s11], [sflag:$0x1], $0x10, s24, s15, $0xb8;
	[tilespmem:$0x5900] =	vst v63  }
0x3a: {  	_ =	swait.ge [sflag:s22], $0x800  }
0x3b: {  	s25 =	sadd.s32 $0xFFFFFFFF, s5;
	[sflag:s22] =	ssyncset.done $0x0  }
.LBB2_2:
0x3c: {  	p1 =	sne.s32 s25, $0x1;
	[sflag:s22] =	ssyncadd.s32 $0xFFFFF800;
	s24 =	sadd.s32 $0x80, s24  }
.Ltmp1:
0x3d: {  	s25 =	sadd.s32 $0xFFFFFFFF, s25;
	(pc) =	sbr.rel @p1 .LBB2_2-.Ltmp1, $4  }
0x3e: {  	_ = 	snop  }
0x3f: {  	[spmem:s2] =	stream.indirect.scatter.add.f32 [tilespmem:s11], [sflag:$0x1], $0x10, s24, s15, $0xb8;
	[tilespmem:$0x5900] =	vst v63  }
0x40: {  	_ =	swait.ge [sflag:s22], $0x800  }
0x41: {  	[sflag:s22] =	ssyncset.done $0x0  }
.LBB2_3:
0x42: {  	[sflag:s22] =	ssyncadd.s32 $0xFFFFF800  }
0x43: {  	_ =	swait.ge [sflag:s22], $0x800  }
0x44: {  	[sflag:s22] =	ssyncset.done $0x0  }
0x45: {  	[sflag:s22] =	ssyncadd.s32 $0xFFFFF800  }
0x46: {  	_ =	swait.ge [sflag:s22], $0x800  }
0x47: {  	[sflag:s22] =	ssyncset.done $0x0  }
0x48: {  	[sflag:s22] =	ssyncadd.s32 $0xFFFFF800  }
0x49: {  	_ =	swait.ge [sflag:s22], $0x800  }
0x4a: {  	[sflag:s22] =	ssyncset.done $0x0  }
0x4b: {  	[sflag:s22] =	ssyncadd.s32 $0xFFFFF800  }
0x4c: {  	_ =	swait.ge [sflag:s22], $0x800  }
0x4d: {  	[sflag:s22] =	ssyncset.done $0x0  }
0x4e: {  	[sflag:s22] =	ssyncadd.s32 $0xFFFFF800  }
0x4f: {  	_ =	swait.ge [sflag:s22], $0x800  }
0x50: {  	[sflag:s22] =	ssyncset.done $0x0  }
0x51: {  	[sflag:s22] =	ssyncadd.s32 $0xFFFFF800  }
0x52: {  	_ =	swait.ge [sflag:s22], $0x800  }
0x53: {  	[sflag:s22] =	ssyncset.done $0x0  }
0x54: {  	[sflag:s22] =	ssyncadd.s32 $0xFFFFF800  }
0x55: {  	_ =	swait.ge [sflag:s22], $0x800  }
0x56: {  	[sflag:s22] =	ssyncset.done $0x0  }
0x57: {  	[sflag:s22] =	ssyncadd.s32 $0xFFFFF800  }
0x58: {  	_ =	swait.ge [sflag:s22], $0x800  }
0x59: {  	s23 =	sadd.s32 $0x1, s23;
	[sflag:s22] =	ssyncset.done $0x0  }
0x5a: {  	p1 =	sne.s32 s23, s10;
	[sflag:s22] =	ssyncadd.s32 $0xFFFFF800  }
.Ltmp2:
0x5b: {  	[bflag:$0x0] =	sbarrier.arrive $0xFFFF;
	(pc) =	sbr.rel @p1 .LBB2_1-.Ltmp2, $4  }
0x5c: {  	[hbm:s9], [sflag:s13] =	dma.local [spmem:s14], $0x500  }
0x5d: {  	_ =	swait.ge [sflag:s12], $0x500  }
0x5e: {  	[sflag:s12] =	ssyncset.done $0x0  }
0x5f: {  	[sflag:s12] =	ssyncadd.s32 $0xFFFFFB00  }
0x60: {  	_ =	sfence.sel $0x180000  }
0x61: {  	[bflag:$0x0] =	sbarrier.arrive $0xFFFF  }
0x62: {  	p0 =	sne.s32 s1, $0x0;
	_ =	strace $0x90000047  }
0x63: {  	s0 =	sadd.s32 @!p0 $0x100000, s0;
	[bflag:$0x2] =	sbarrier.arrive $0xFFFF  }
0x64: {  	[sflag:s0] =	ssyncadd.tile.s32 @!p0 $0x1;
	_ =	shalt  }
.Lfunc_end2:
_tile_overlayer_lowered:
.L_overlay_start_2:
0x65: {  	(tag) =	ssettag $0x2  }
0x66: {  	s0 =	rddreg [dreg:$0x0];
	s2 =	stileid.u32  }
0x67: {  	s1 =	rddreg [dreg:$0x1];
	p0 =	sne.s32 s2, $0x0  }
0x68: {  	s3 =	rddreg [dreg:$0x2];
	[bflag:$0x3] =	sbarrier.arrive $0xFFFF;
	s2 =	simm.s32 @!p0 $0x1C02  }
0x69: {  	[timem:s3], [sflag:s2] =	dma.local @!p0 [hbm:s0], s1  }
0x6a: {  	s0 =	simm.s32 @!p0 $0x2  }
0x6b: {  	_ =	swait.ge @!p0 [sflag:s0], s1  }
0x6c: {  	s1 =	ssub.s32 @!p0 $0x0, s1;
	[sflag:s0] =	ssyncset.done @!p0 $0x0  }
0x6d: {  	[sflag:s0] =	ssyncadd.s32 @!p0 s1  }
0x6e: {  	[bflag:$0x3] =	sbarrier.arrive $0xFFFF  }
0x6f: {  	_ =	shalt  }

</sc_bundles>
